<compile_context>
chip_gen: v7x
topology: tpu7x:2x2x1
jax: 0.10.2.dev20260603
libtpu: 0.0.44.dev20260713+nightly
codegen_flags: <defaults>
</compile_context>

<pallas_src>
import functools

import jax
import jax.numpy as jnp
from jax import lax
from jax.experimental import pallas as pl
from jax.experimental.pallas import tpu as pltpu
from jax.experimental.pallas import tpu_sc as plsc

D = 128
B = 1024 * 200
NC, NS = 2, 16
NW = NC * NS
BPW = B // NW
CH = 64
NCH = BPW // CH
NBUF = 12
NRND = NCH // NBUF
REM = NCH % NBUF

_mesh = plsc.VectorSubcoreMesh(core_axis_name="c", subcore_axis_name="s")


@functools.partial(
    pl.kernel,
    mesh=_mesh,
    out_type=jax.ShapeDtypeStruct((B, D), jnp.float32),
    scratch_types=[
        pltpu.VMEM((BPW,), jnp.int32),
        pltpu.VMEM((NBUF, CH, D), jnp.float32),
        pltpu.SemaphoreType.DMA((NBUF,)),
        pltpu.SemaphoreType.DMA((NBUF,)),
        pltpu.SemaphoreType.DMA,
    ],
)
def _embed_gather(idx_hbm, table_hbm, out_hbm, idx_v, rows_v, gsem, psem, isem):
    wid = lax.axis_index("s") * NC + lax.axis_index("c")
    base = wid * BPW
    head = NBUF * CH
    rest = pltpu.make_async_copy(
        idx_hbm.at[pl.ds(base + head, BPW - head)],
        idx_v.at[pl.ds(head, BPW - head)],
        isem,
    )
    rest.start()
    pltpu.sync_copy(idx_hbm.at[pl.ds(base, head)], idx_v.at[pl.ds(0, head)])

    def gather(b, g):
        return pltpu.make_async_copy(
            table_hbm.at[idx_v.at[pl.ds(g * CH, CH)]], rows_v.at[b], gsem.at[b]
        )

    def put(b, g):
        return pltpu.make_async_copy(
            rows_v.at[b], out_hbm.at[pl.ds(base + g * CH, CH)], psem.at[b]
        )

    for b in range(NBUF):
        gather(b, b).start()
    rest.wait()

    def round_body(o, carry):
        for b in range(NBUF):
            g = o * NBUF + b
            gather(b, g).wait()
            put(b, g).start()
        for b in range(NBUF):
            g = o * NBUF + b
            put(b, g).wait()
            gather(b, g + NBUF).start()
        return carry

    lax.fori_loop(0, NRND - 1, round_body, 0, unroll=False)

    for b in range(NBUF):
        g = (NRND - 1) * NBUF + b
        gather(b, g).wait()
        put(b, g).start()
    for b in range(NBUF):
        g = (NRND - 1) * NBUF + b
        put(b, g).wait()
        if b < REM:
            gather(b, g + NBUF).start()

    for b in range(REM):
        g = NRND * NBUF + b
        gather(b, g).wait()
        put(b, g).start()
    for b in range(REM):
        g = NRND * NBUF + b
        put(b, g).wait()


def kernel(seq, table):
    idx = seq.reshape(-1).astype(jnp.int32)
    out = _embed_gather(idx, table)
    return out.reshape(seq.shape + (D,))

# --- scband reference (transcript-rebuilt; emitter-appended) ---
"""Pipeline reference for scband-bertembedding-8366596293129 (READ-ONLY COPY).

The authoritative reference and input builder live on the scoring server;
editing this copy changes nothing except your own understanding.
"""

import jax, jax.numpy as jnp
import numpy as np
import math

VOCAB_SIZE = 100000
EMBED_SIZE = 128
MAX_LEN = 512


def _positional_embedding(d_model, max_len=MAX_LEN):
    position = np.arange(0, max_len, dtype=np.float32)[:, None]
    div_term = np.exp(np.arange(0, d_model, 2, dtype=np.float32) * -(math.log(10000.0) / d_model))
    pe = np.zeros((max_len, d_model), dtype=np.float32)
    pe[:, 0::2] = np.sin(position * div_term)
    pe[:, 1::2] = np.cos(position * div_term)
    return jnp.asarray(pe)


def setup_inputs(seed: int = 0) -> dict:
    key = jax.random.key(seed)
    k1, k2 = jax.random.split(key)
    seq = jax.random.randint(k1, (1024, 200), 0, VOCAB_SIZE, dtype=jnp.int64 if jax.config.jax_enable_x64 else jnp.int32)
    # Embedding table; padding_idx=0 row is zeroed (as nn.Embedding does at init)
    table = jax.random.normal(k2, (VOCAB_SIZE, EMBED_SIZE), dtype=jnp.float32)
    table = table.at[0].set(0.0)
    return {"seq": seq, "table": table}


def reference(seq, table):
    # BERTEmbedding.forward with default pos=False: just token embedding lookup
    out = jnp.take(table, seq, axis=0)
    return out

if __name__ == "__main__":
    import jax
    _d = setup_inputs()
    print(jax.jit(kernel)(*tuple(_d.values())))

</pallas_src>

<mosaic_0001>
#map = affine_map<(d0, d1) -> (0)>
#map1 = affine_map<(d0, d1) -> (0, 0)>
module attributes {stable_mosaic.version = 14 : i64} {
  func.func @_embed_gather(%arg0: i32, %arg1: i32, %arg2: memref<204800xi32, #tpu.memory_space<hbm>>, %arg3: memref<100000x128xf32, #tpu.memory_space<hbm>>, %arg4: memref<204800x128xf32, #tpu.memory_space<hbm>>, %arg5: memref<6400xi32, #tpu.memory_space<vmem>>, %arg6: memref<12x64x128xf32, #tpu.memory_space<vmem>>, %arg7: memref<12x!tpu.dma_semaphore, #tpu.memory_space<semaphore_mem>>, %arg8: memref<12x!tpu.dma_semaphore, #tpu.memory_space<semaphore_mem>>, %arg9: memref<!tpu.dma_semaphore, #tpu.memory_space<semaphore_mem>>) attributes {dimension_semantics = [#tpu.dimension_semantics<core_parallel>, #tpu.dimension_semantics<subcore_parallel>], iteration_bounds = array<i64: 2, 16>, scalar_prefetch = 0 : i64, scratch_operands = 5 : i64, tpu.core_type = #tpu.core_type<sc_vector_subcore>, window_params = [{transform_indices = #map}, {transform_indices = #map1}, {transform_indices = #map1}]} {
    %mul3A = arith.constant 2 : i32
    %mul3A_0 = arith.muli %arg1, %mul3A : i32
    %add3A = arith.addi %mul3A_0, %arg0 : i32
    %mul3A_1 = arith.constant 6400 : i32
    %mul3A_2 = arith.muli %add3A, %mul3A_1 : i32
    %add3A_3 = arith.constant 768 : i32
    %add3A_4 = arith.addi %mul3A_2, %add3A_3 : i32
    %dma_start3A = arith.constant 768 : i32
    %dma_start3A_5 = tpu.memref_slice %arg5[%dma_start3A] : memref<6400xi32, #tpu.memory_space<vmem>> -> memref<5632xi32, #tpu.memory_space<vmem>>
    %dma_start3A_6 = tpu.memref_slice %arg2[%add3A_4] : memref<204800xi32, #tpu.memory_space<hbm>> -> memref<5632xi32, #tpu.memory_space<hbm>>
    %dma_start3A_7 = arith.constant 768 : i32
    %dma_start3A_8 = tpu.memref_slice %arg5[%dma_start3A_7] : memref<6400xi32, #tpu.memory_space<vmem>> -> memref<5632xi32, #tpu.memory_space<vmem>>
    %dma_start3A_9 = tpu.memref_slice %arg2[%add3A_4] : memref<204800xi32, #tpu.memory_space<hbm>> -> memref<5632xi32, #tpu.memory_space<hbm>>
    tpu.enqueue_dma source(%dma_start3A_9 : memref<5632xi32, #tpu.memory_space<hbm>>) target(%dma_start3A_8 : memref<5632xi32, #tpu.memory_space<vmem>>) target_semaphore(%arg9 : memref<!tpu.dma_semaphore, #tpu.memory_space<semaphore_mem>>)
    "tpu.region"() ({
      %run_scoped3A = tpu.sem_alloc : memref<!tpu.dma_semaphore, #tpu.memory_space<semaphore_mem>>
      %dma_start3A_1012 = arith.constant 0 : i32
      %dma_start3A_1013 = tpu.memref_slice %arg5[%dma_start3A_1012] : memref<6400xi32, #tpu.memory_space<vmem>> -> memref<768xi32, #tpu.memory_space<vmem>>
      %dma_start3A_1014 = tpu.memref_slice %arg2[%mul3A_2] : memref<204800xi32, #tpu.memory_space<hbm>> -> memref<768xi32, #tpu.memory_space<hbm>>
      %dma_start3A_1015 = arith.constant 0 : i32
      %dma_start3A_1016 = tpu.memref_slice %arg5[%dma_start3A_1015] : memref<6400xi32, #tpu.memory_space<vmem>> -> memref<768xi32, #tpu.memory_space<vmem>>
      %dma_start3A_1017 = tpu.memref_slice %arg2[%mul3A_2] : memref<204800xi32, #tpu.memory_space<hbm>> -> memref<768xi32, #tpu.memory_space<hbm>>
      tpu.enqueue_dma source(%dma_start3A_1017 : memref<768xi32, #tpu.memory_space<hbm>>) target(%dma_start3A_1016 : memref<768xi32, #tpu.memory_space<vmem>>) target_semaphore(%run_scoped3A : memref<!tpu.dma_semaphore, #tpu.memory_space<semaphore_mem>>)
      %dma_wait3A_1018 = arith.constant 0 : i32
      %dma_wait3A_1019 = tpu.memref_slice %arg5[%dma_wait3A_1018] : memref<6400xi32, #tpu.memory_space<vmem>> -> memref<768xi32, #tpu.memory_space<vmem>>
      %dma_wait3A_1020 = tpu.memref_slice %arg2[%mul3A_2] : memref<204800xi32, #tpu.memory_space<hbm>> -> memref<768xi32, #tpu.memory_space<hbm>>
      %dma_wait3A_1021 = arith.constant 0 : i32
      %dma_wait3A_1022 = tpu.memref_slice %arg5[%dma_wait3A_1021] : memref<6400xi32, #tpu.memory_space<vmem>> -> memref<768xi32, #tpu.memory_space<vmem>>
      %dma_wait3A_1023 = tpu.memref_slice %arg2[%mul3A_2] : memref<204800xi32, #tpu.memory_space<hbm>> -> memref<768xi32, #tpu.memory_space<hbm>>
      tpu.wait_dma2 semaphore(%run_scoped3A : memref<!tpu.dma_semaphore, #tpu.memory_space<semaphore_mem>>) src(%dma_wait3A_1023 : memref<768xi32, #tpu.memory_space<hbm>>) dst(%dma_wait3A_1022 : memref<768xi32, #tpu.memory_space<vmem>>)
      tpu.yield
    }) : () -> ()
    %dma_start3A_10 = arith.constant 0 : i32
    %dma_start3A_11 = arith.constant 0 : i32
    %dma_start3A_12 = arith.constant 0 : i32
    %dma_start3A_13 = arith.constant 0 : i32
    %dma_start3A_14 = tpu.memref_slice %arg6[%dma_start3A_10, %dma_start3A_12, %dma_start3A_13] : memref<12x64x128xf32, #tpu.memory_space<vmem>> -> memref<1x64x128xf32, #tpu.memory_space<vmem>>
    %dma_start3A_15 = tpu.memref_squeeze %dma_start3A_14 : memref<1x64x128xf32, #tpu.memory_space<vmem>> -> memref<64x128xf32, #tpu.memory_space<vmem>>
    %dma_start3A_16 = arith.constant 0 : i32
    %dma_start3A_17 = tpu.memref_slice %arg5[%dma_start3A_16] : memref<6400xi32, #tpu.memory_space<vmem>> -> memref<64xi32, #tpu.memory_space<vmem>>
    %dma_start3A_18 = arith.constant 0 : i32
    %dma_start3A_19 = arith.constant 0 : i32
    %dma_start3A_20 = tpu.memref_slice %arg3[%dma_start3A_18, %dma_start3A_19] : memref<100000x128xf32, #tpu.memory_space<hbm>> -> memref<100000x128xf32, #tpu.memory_space<hbm>>
    %dma_start3A_21 = tpu.memref_slice %arg7[%dma_start3A_11] : memref<12x!tpu.dma_semaphore, #tpu.memory_space<semaphore_mem>> -> memref<1x!tpu.dma_semaphore, #tpu.memory_space<semaphore_mem>>
    %dma_start3A_22 = tpu.memref_squeeze %dma_start3A_21 : memref<1x!tpu.dma_semaphore, #tpu.memory_space<semaphore_mem>> -> memref<!tpu.dma_semaphore, #tpu.memory_space<semaphore_mem>>
    tpu.enqueue_indirect_dma source(%dma_start3A_20 : memref<100000x128xf32, #tpu.memory_space<hbm>>) target(%dma_start3A_15 : memref<64x128xf32, #tpu.memory_space<vmem>>) offsets(%dma_start3A_17 : memref<64xi32, #tpu.memory_space<vmem>>) semaphore(%dma_start3A_22 : memref<!tpu.dma_semaphore, #tpu.memory_space<semaphore_mem>>)
    %dma_start3A_23 = arith.constant 1 : i32
    %dma_start3A_24 = arith.constant 1 : i32
    %dma_start3A_25 = arith.constant 0 : i32
    %dma_start3A_26 = arith.constant 0 : i32
    %dma_start3A_27 = tpu.memref_slice %arg6[%dma_start3A_23, %dma_start3A_25, %dma_start3A_26] : memref<12x64x128xf32, #tpu.memory_space<vmem>> -> memref<1x64x128xf32, #tpu.memory_space<vmem>>
    %dma_start3A_28 = tpu.memref_squeeze %dma_start3A_27 : memref<1x64x128xf32, #tpu.memory_space<vmem>> -> memref<64x128xf32, #tpu.memory_space<vmem>>
    %dma_start3A_29 = arith.constant 64 : i32
    %dma_start3A_30 = tpu.memref_slice %arg5[%dma_start3A_29] : memref<6400xi32, #tpu.memory_space<vmem>> -> memref<64xi32, #tpu.memory_space<vmem>>
    %dma_start3A_31 = arith.constant 0 : i32
    %dma_start3A_32 = arith.constant 0 : i32
    %dma_start3A_33 = tpu.memref_slice %arg3[%dma_start3A_31, %dma_start3A_32] : memref<100000x128xf32, #tpu.memory_space<hbm>> -> memref<100000x128xf32, #tpu.memory_space<hbm>>
    %dma_start3A_34 = tpu.memref_slice %arg7[%dma_start3A_24] : memref<12x!tpu.dma_semaphore, #tpu.memory_space<semaphore_mem>> -> memref<1x!tpu.dma_semaphore, #tpu.memory_space<semaphore_mem>>
    %dma_start3A_35 = tpu.memref_squeeze %dma_start3A_34 : memref<1x!tpu.dma_semaphore, #tpu.memory_space<semaphore_mem>> -> memref<!tpu.dma_semaphore, #tpu.memory_space<semaphore_mem>>
    tpu.enqueue_indirect_dma source(%dma_start3A_33 : memref<100000x128xf32, #tpu.memory_space<hbm>>) target(%dma_start3A_28 : memref<64x128xf32, #tpu.memory_space<vmem>>) offsets(%dma_start3A_30 : memref<64xi32, #tpu.memory_space<vmem>>) semaphore(%dma_start3A_35 : memref<!tpu.dma_semaphore, #tpu.memory_space<semaphore_mem>>)
    %dma_start3A_36 = arith.constant 2 : i32
    %dma_start3A_37 = arith.constant 2 : i32
    %dma_start3A_38 = arith.constant 0 : i32
    %dma_start3A_39 = arith.constant 0 : i32
    %dma_start3A_40 = tpu.memref_slice %arg6[%dma_start3A_36, %dma_start3A_38, %dma_start3A_39] : memref<12x64x128xf32, #tpu.memory_space<vmem>> -> memref<1x64x128xf32, #tpu.memory_space<vmem>>
    %dma_start3A_41 = tpu.memref_squeeze %dma_start3A_40 : memref<1x64x128xf32, #tpu.memory_space<vmem>> -> memref<64x128xf32, #tpu.memory_space<vmem>>
    %dma_start3A_42 = arith.constant 128 : i32
    %dma_start3A_43 = tpu.memref_slice %arg5[%dma_start3A_42] : memref<6400xi32, #tpu.memory_space<vmem>> -> memref<64xi32, #tpu.memory_space<vmem>>
    %dma_start3A_44 = arith.constant 0 : i32
    %dma_start3A_45 = arith.constant 0 : i32
    %dma_start3A_46 = tpu.memref_slice %arg3[%dma_start3A_44, %dma_start3A_45] : memref<100000x128xf32, #tpu.memory_space<hbm>> -> memref<100000x128xf32, #tpu.memory_space<hbm>>
    %dma_start3A_47 = tpu.memref_slice %arg7[%dma_start3A_37] : memref<12x!tpu.dma_semaphore, #tpu.memory_space<semaphore_mem>> -> memref<1x!tpu.dma_semaphore, #tpu.memory_space<semaphore_mem>>
    %dma_start3A_48 = tpu.memref_squeeze %dma_start3A_47 : memref<1x!tpu.dma_semaphore, #tpu.memory_space<semaphore_mem>> -> memref<!tpu.dma_semaphore, #tpu.memory_space<semaphore_mem>>
    tpu.enqueue_indirect_dma source(%dma_start3A_46 : memref<100000x128xf32, #tpu.memory_space<hbm>>) target(%dma_start3A_41 : memref<64x128xf32, #tpu.memory_space<vmem>>) offsets(%dma_start3A_43 : memref<64xi32, #tpu.memory_space<vmem>>) semaphore(%dma_start3A_48 : memref<!tpu.dma_semaphore, #tpu.memory_space<semaphore_mem>>)
    %dma_start3A_49 = arith.constant 3 : i32
    %dma_start3A_50 = arith.constant 3 : i32
    %dma_start3A_51 = arith.constant 0 : i32
    %dma_start3A_52 = arith.constant 0 : i32
    %dma_start3A_53 = tpu.memref_slice %arg6[%dma_start3A_49, %dma_start3A_51, %dma_start3A_52] : memref<12x64x128xf32, #tpu.memory_space<vmem>> -> memref<1x64x128xf32, #tpu.memory_space<vmem>>
    %dma_start3A_54 = tpu.memref_squeeze %dma_start3A_53 : memref<1x64x128xf32, #tpu.memory_space<vmem>> -> memref<64x128xf32, #tpu.memory_space<vmem>>
    %dma_start3A_55 = arith.constant 192 : i32
    %dma_start3A_56 = tpu.memref_slice %arg5[%dma_start3A_55] : memref<6400xi32, #tpu.memory_space<vmem>> -> memref<64xi32, #tpu.memory_space<vmem>>
    %dma_start3A_57 = arith.constant 0 : i32
    %dma_start3A_58 = arith.constant 0 : i32
    %dma_start3A_59 = tpu.memref_slice %arg3[%dma_start3A_57, %dma_start3A_58] : memref<100000x128xf32, #tpu.memory_space<hbm>> -> memref<100000x128xf32, #tpu.memory_space<hbm>>
    %dma_start3A_60 = tpu.memref_slice %arg7[%dma_start3A_50] : memref<12x!tpu.dma_semaphore, #tpu.memory_space<semaphore_mem>> -> memref<1x!tpu.dma_semaphore, #tpu.memory_space<semaphore_mem>>
    %dma_start3A_61 = tpu.memref_squeeze %dma_start3A_60 : memref<1x!tpu.dma_semaphore, #tpu.memory_space<semaphore_mem>> -> memref<!tpu.dma_semaphore, #tpu.memory_space<semaphore_mem>>
    tpu.enqueue_indirect_dma source(%dma_start3A_59 : memref<100000x128xf32, #tpu.memory_space<hbm>>) target(%dma_start3A_54 : memref<64x128xf32, #tpu.memory_space<vmem>>) offsets(%dma_start3A_56 : memref<64xi32, #tpu.memory_space<vmem>>) semaphore(%dma_start3A_61 : memref<!tpu.dma_semaphore, #tpu.memory_space<semaphore_mem>>)
    %dma_start3A_62 = arith.constant 4 : i32
    %dma_start3A_63 = arith.constant 4 : i32
    %dma_start3A_64 = arith.constant 0 : i32
    %dma_start3A_65 = arith.constant 0 : i32
    %dma_start3A_66 = tpu.memref_slice %arg6[%dma_start3A_62, %dma_start3A_64, %dma_start3A_65] : memref<12x64x128xf32, #tpu.memory_space<vmem>> -> memref<1x64x128xf32, #tpu.memory_space<vmem>>
    %dma_start3A_67 = tpu.memref_squeeze %dma_start3A_66 : memref<1x64x128xf32, #tpu.memory_space<vmem>> -> memref<64x128xf32, #tpu.memory_space<vmem>>
    %dma_start3A_68 = arith.constant 256 : i32
    %dma_start3A_69 = tpu.memref_slice %arg5[%dma_start3A_68] : memref<6400xi32, #tpu.memory_space<vmem>> -> memref<64xi32, #tpu.memory_space<vmem>>
    %dma_start3A_70 = arith.constant 0 : i32
    %dma_start3A_71 = arith.constant 0 : i32
    %dma_start3A_72 = tpu.memref_slice %arg3[%dma_start3A_70, %dma_start3A_71] : memref<100000x128xf32, #tpu.memory_space<hbm>> -> memref<100000x128xf32, #tpu.memory_space<hbm>>
    %dma_start3A_73 = tpu.memref_slice %arg7[%dma_start3A_63] : memref<12x!tpu.dma_semaphore, #tpu.memory_space<semaphore_mem>> -> memref<1x!tpu.dma_semaphore, #tpu.memory_space<semaphore_mem>>
    %dma_start3A_74 = tpu.memref_squeeze %dma_start3A_73 : memref<1x!tpu.dma_semaphore, #tpu.memory_space<semaphore_mem>> -> memref<!tpu.dma_semaphore, #tpu.memory_space<semaphore_mem>>
    tpu.enqueue_indirect_dma source(%dma_start3A_72 : memref<100000x128xf32, #tpu.memory_space<hbm>>) target(%dma_start3A_67 : memref<64x128xf32, #tpu.memory_space<vmem>>) offsets(%dma_start3A_69 : memref<64xi32, #tpu.memory_space<vmem>>) semaphore(%dma_start3A_74 : memref<!tpu.dma_semaphore, #tpu.memory_space<semaphore_mem>>)
    %dma_start3A_75 = arith.constant 5 : i32
    %dma_start3A_76 = arith.constant 5 : i32
    %dma_start3A_77 = arith.constant 0 : i32
    %dma_start3A_78 = arith.constant 0 : i32
    %dma_start3A_79 = tpu.memref_slice %arg6[%dma_start3A_75, %dma_start3A_77, %dma_start3A_78] : memref<12x64x128xf32, #tpu.memory_space<vmem>> -> memref<1x64x128xf32, #tpu.memory_space<vmem>>
    %dma_start3A_80 = tpu.memref_squeeze %dma_start3A_79 : memref<1x64x128xf32, #tpu.memory_space<vmem>> -> memref<64x128xf32, #tpu.memory_space<vmem>>
    %dma_start3A_81 = arith.constant 320 : i32
    %dma_start3A_82 = tpu.memref_slice %arg5[%dma_start3A_81] : memref<6400xi32, #tpu.memory_space<vmem>> -> memref<64xi32, #tpu.memory_space<vmem>>
    %dma_start3A_83 = arith.constant 0 : i32
    %dma_start3A_84 = arith.constant 0 : i32
    %dma_start3A_85 = tpu.memref_slice %arg3[%dma_start3A_83, %dma_start3A_84] : memref<100000x128xf32, #tpu.memory_space<hbm>> -> memref<100000x128xf32, #tpu.memory_space<hbm>>
    %dma_start3A_86 = tpu.memref_slice %arg7[%dma_start3A_76] : memref<12x!tpu.dma_semaphore, #tpu.memory_space<semaphore_mem>> -> memref<1x!tpu.dma_semaphore, #tpu.memory_space<semaphore_mem>>
    %dma_start3A_87 = tpu.memref_squeeze %dma_start3A_86 : memref<1x!tpu.dma_semaphore, #tpu.memory_space<semaphore_mem>> -> memref<!tpu.dma_semaphore, #tpu.memory_space<semaphore_mem>>
    tpu.enqueue_indirect_dma source(%dma_start3A_85 : memref<100000x128xf32, #tpu.memory_space<hbm>>) target(%dma_start3A_80 : memref<64x128xf32, #tpu.memory_space<vmem>>) offsets(%dma_start3A_82 : memref<64xi32, #tpu.memory_space<vmem>>) semaphore(%dma_start3A_87 : memref<!tpu.dma_semaphore, #tpu.memory_space<semaphore_mem>>)
    %dma_start3A_88 = arith.constant 6 : i32
    %dma_start3A_89 = arith.constant 6 : i32
    %dma_start3A_90 = arith.constant 0 : i32
    %dma_start3A_91 = arith.constant 0 : i32
    %dma_start3A_92 = tpu.memref_slice %arg6[%dma_start3A_88, %dma_start3A_90, %dma_start3A_91] : memref<12x64x128xf32, #tpu.memory_space<vmem>> -> memref<1x64x128xf32, #tpu.memory_space<vmem>>
    %dma_start3A_93 = tpu.memref_squeeze %dma_start3A_92 : memref<1x64x128xf32, #tpu.memory_space<vmem>> -> memref<64x128xf32, #tpu.memory_space<vmem>>
    %dma_start3A_94 = arith.constant 384 : i32
    %dma_start3A_95 = tpu.memref_slice %arg5[%dma_start3A_94] : memref<6400xi32, #tpu.memory_space<vmem>> -> memref<64xi32, #tpu.memory_space<vmem>>
    %dma_start3A_96 = arith.constant 0 : i32
    %dma_start3A_97 = arith.constant 0 : i32
    %dma_start3A_98 = tpu.memref_slice %arg3[%dma_start3A_96, %dma_start3A_97] : memref<100000x128xf32, #tpu.memory_space<hbm>> -> memref<100000x128xf32, #tpu.memory_space<hbm>>
    %dma_start3A_99 = tpu.memref_slice %arg7[%dma_start3A_89] : memref<12x!tpu.dma_semaphore, #tpu.memory_space<semaphore_mem>> -> memref<1x!tpu.dma_semaphore, #tpu.memory_space<semaphore_mem>>
    %dma_start3A_100 = tpu.memref_squeeze %dma_start3A_99 : memref<1x!tpu.dma_semaphore, #tpu.memory_space<semaphore_mem>> -> memref<!tpu.dma_semaphore, #tpu.memory_space<semaphore_mem>>
    tpu.enqueue_indirect_dma source(%dma_start3A_98 : memref<100000x128xf32, #tpu.memory_space<hbm>>) target(%dma_start3A_93 : memref<64x128xf32, #tpu.memory_space<vmem>>) offsets(%dma_start3A_95 : memref<64xi32, #tpu.memory_space<vmem>>) semaphore(%dma_start3A_100 : memref<!tpu.dma_semaphore, #tpu.memory_space<semaphore_mem>>)
    %dma_start3A_101 = arith.constant 7 : i32
    %dma_start3A_102 = arith.constant 7 : i32
    %dma_start3A_103 = arith.constant 0 : i32
    %dma_start3A_104 = arith.constant 0 : i32
    %dma_start3A_105 = tpu.memref_slice %arg6[%dma_start3A_101, %dma_start3A_103, %dma_start3A_104] : memref<12x64x128xf32, #tpu.memory_space<vmem>> -> memref<1x64x128xf32, #tpu.memory_space<vmem>>
    %dma_start3A_106 = tpu.memref_squeeze %dma_start3A_105 : memref<1x64x128xf32, #tpu.memory_space<vmem>> -> memref<64x128xf32, #tpu.memory_space<vmem>>
    %dma_start3A_107 = arith.constant 448 : i32
    %dma_start3A_108 = tpu.memref_slice %arg5[%dma_start3A_107] : memref<6400xi32, #tpu.memory_space<vmem>> -> memref<64xi32, #tpu.memory_space<vmem>>
    %dma_start3A_109 = arith.constant 0 : i32
    %dma_start3A_110 = arith.constant 0 : i32
    %dma_start3A_111 = tpu.memref_slice %arg3[%dma_start3A_109, %dma_start3A_110] : memref<100000x128xf32, #tpu.memory_space<hbm>> -> memref<100000x128xf32, #tpu.memory_space<hbm>>
    %dma_start3A_112 = tpu.memref_slice %arg7[%dma_start3A_102] : memref<12x!tpu.dma_semaphore, #tpu.memory_space<semaphore_mem>> -> memref<1x!tpu.dma_semaphore, #tpu.memory_space<semaphore_mem>>
    %dma_start3A_113 = tpu.memref_squeeze %dma_start3A_112 : memref<1x!tpu.dma_semaphore, #tpu.memory_space<semaphore_mem>> -> memref<!tpu.dma_semaphore, #tpu.memory_space<semaphore_mem>>
    tpu.enqueue_indirect_dma source(%dma_start3A_111 : memref<100000x128xf32, #tpu.memory_space<hbm>>) target(%dma_start3A_106 : memref<64x128xf32, #tpu.memory_space<vmem>>) offsets(%dma_start3A_108 : memref<64xi32, #tpu.memory_space<vmem>>) semaphore(%dma_start3A_113 : memref<!tpu.dma_semaphore, #tpu.memory_space<semaphore_mem>>)
    %dma_start3A_114 = arith.constant 8 : i32
    %dma_start3A_115 = arith.constant 8 : i32
    %dma_start3A_116 = arith.constant 0 : i32
    %dma_start3A_117 = arith.constant 0 : i32
    %dma_start3A_118 = tpu.memref_slice %arg6[%dma_start3A_114, %dma_start3A_116, %dma_start3A_117] : memref<12x64x128xf32, #tpu.memory_space<vmem>> -> memref<1x64x128xf32, #tpu.memory_space<vmem>>
    %dma_start3A_119 = tpu.memref_squeeze %dma_start3A_118 : memref<1x64x128xf32, #tpu.memory_space<vmem>> -> memref<64x128xf32, #tpu.memory_space<vmem>>
    %dma_start3A_120 = arith.constant 512 : i32
    %dma_start3A_121 = tpu.memref_slice %arg5[%dma_start3A_120] : memref<6400xi32, #tpu.memory_space<vmem>> -> memref<64xi32, #tpu.memory_space<vmem>>
    %dma_start3A_122 = arith.constant 0 : i32
    %dma_start3A_123 = arith.constant 0 : i32
    %dma_start3A_124 = tpu.memref_slice %arg3[%dma_start3A_122, %dma_start3A_123] : memref<100000x128xf32, #tpu.memory_space<hbm>> -> memref<100000x128xf32, #tpu.memory_space<hbm>>
    %dma_start3A_125 = tpu.memref_slice %arg7[%dma_start3A_115] : memref<12x!tpu.dma_semaphore, #tpu.memory_space<semaphore_mem>> -> memref<1x!tpu.dma_semaphore, #tpu.memory_space<semaphore_mem>>
    %dma_start3A_126 = tpu.memref_squeeze %dma_start3A_125 : memref<1x!tpu.dma_semaphore, #tpu.memory_space<semaphore_mem>> -> memref<!tpu.dma_semaphore, #tpu.memory_space<semaphore_mem>>
    tpu.enqueue_indirect_dma source(%dma_start3A_124 : memref<100000x128xf32, #tpu.memory_space<hbm>>) target(%dma_start3A_119 : memref<64x128xf32, #tpu.memory_space<vmem>>) offsets(%dma_start3A_121 : memref<64xi32, #tpu.memory_space<vmem>>) semaphore(%dma_start3A_126 : memref<!tpu.dma_semaphore, #tpu.memory_space<semaphore_mem>>)
    %dma_start3A_127 = arith.constant 9 : i32
    %dma_start3A_128 = arith.constant 9 : i32
    %dma_start3A_129 = arith.constant 0 : i32
    %dma_start3A_130 = arith.constant 0 : i32
    %dma_start3A_131 = tpu.memref_slice %arg6[%dma_start3A_127, %dma_start3A_129, %dma_start3A_130] : memref<12x64x128xf32, #tpu.memory_space<vmem>> -> memref<1x64x128xf32, #tpu.memory_space<vmem>>
    %dma_start3A_132 = tpu.memref_squeeze %dma_start3A_131 : memref<1x64x128xf32, #tpu.memory_space<vmem>> -> memref<64x128xf32, #tpu.memory_space<vmem>>
    %dma_start3A_133 = arith.constant 576 : i32
    %dma_start3A_134 = tpu.memref_slice %arg5[%dma_start3A_133] : memref<6400xi32, #tpu.memory_space<vmem>> -> memref<64xi32, #tpu.memory_space<vmem>>
    %dma_start3A_135 = arith.constant 0 : i32
    %dma_start3A_136 = arith.constant 0 : i32
    %dma_start3A_137 = tpu.memref_slice %arg3[%dma_start3A_135, %dma_start3A_136] : memref<100000x128xf32, #tpu.memory_space<hbm>> -> memref<100000x128xf32, #tpu.memory_space<hbm>>
    %dma_start3A_138 = tpu.memref_slice %arg7[%dma_start3A_128] : memref<12x!tpu.dma_semaphore, #tpu.memory_space<semaphore_mem>> -> memref<1x!tpu.dma_semaphore, #tpu.memory_space<semaphore_mem>>
    %dma_start3A_139 = tpu.memref_squeeze %dma_start3A_138 : memref<1x!tpu.dma_semaphore, #tpu.memory_space<semaphore_mem>> -> memref<!tpu.dma_semaphore, #tpu.memory_space<semaphore_mem>>
    tpu.enqueue_indirect_dma source(%dma_start3A_137 : memref<100000x128xf32, #tpu.memory_space<hbm>>) target(%dma_start3A_132 : memref<64x128xf32, #tpu.memory_space<vmem>>) offsets(%dma_start3A_134 : memref<64xi32, #tpu.memory_space<vmem>>) semaphore(%dma_start3A_139 : memref<!tpu.dma_semaphore, #tpu.memory_space<semaphore_mem>>)
    %dma_start3A_140 = arith.constant 10 : i32
    %dma_start3A_141 = arith.constant 10 : i32
    %dma_start3A_142 = arith.constant 0 : i32
    %dma_start3A_143 = arith.constant 0 : i32
    %dma_start3A_144 = tpu.memref_slice %arg6[%dma_start3A_140, %dma_start3A_142, %dma_start3A_143] : memref<12x64x128xf32, #tpu.memory_space<vmem>> -> memref<1x64x128xf32, #tpu.memory_space<vmem>>
    %dma_start3A_145 = tpu.memref_squeeze %dma_start3A_144 : memref<1x64x128xf32, #tpu.memory_space<vmem>> -> memref<64x128xf32, #tpu.memory_space<vmem>>
    %dma_start3A_146 = arith.constant 640 : i32
    %dma_start3A_147 = tpu.memref_slice %arg5[%dma_start3A_146] : memref<6400xi32, #tpu.memory_space<vmem>> -> memref<64xi32, #tpu.memory_space<vmem>>
    %dma_start3A_148 = arith.constant 0 : i32
    %dma_start3A_149 = arith.constant 0 : i32
    %dma_start3A_150 = tpu.memref_slice %arg3[%dma_start3A_148, %dma_start3A_149] : memref<100000x128xf32, #tpu.memory_space<hbm>> -> memref<100000x128xf32, #tpu.memory_space<hbm>>
    %dma_start3A_151 = tpu.memref_slice %arg7[%dma_start3A_141] : memref<12x!tpu.dma_semaphore, #tpu.memory_space<semaphore_mem>> -> memref<1x!tpu.dma_semaphore, #tpu.memory_space<semaphore_mem>>
    %dma_start3A_152 = tpu.memref_squeeze %dma_start3A_151 : memref<1x!tpu.dma_semaphore, #tpu.memory_space<semaphore_mem>> -> memref<!tpu.dma_semaphore, #tpu.memory_space<semaphore_mem>>
    tpu.enqueue_indirect_dma source(%dma_start3A_150 : memref<100000x128xf32, #tpu.memory_space<hbm>>) target(%dma_start3A_145 : memref<64x128xf32, #tpu.memory_space<vmem>>) offsets(%dma_start3A_147 : memref<64xi32, #tpu.memory_space<vmem>>) semaphore(%dma_start3A_152 : memref<!tpu.dma_semaphore, #tpu.memory_space<semaphore_mem>>)
    %dma_start3A_153 = arith.constant 11 : i32
    %dma_start3A_154 = arith.constant 11 : i32
    %dma_start3A_155 = arith.constant 0 : i32
    %dma_start3A_156 = arith.constant 0 : i32
    %dma_start3A_157 = tpu.memref_slice %arg6[%dma_start3A_153, %dma_start3A_155, %dma_start3A_156] : memref<12x64x128xf32, #tpu.memory_space<vmem>> -> memref<1x64x128xf32, #tpu.memory_space<vmem>>
    %dma_start3A_158 = tpu.memref_squeeze %dma_start3A_157 : memref<1x64x128xf32, #tpu.memory_space<vmem>> -> memref<64x128xf32, #tpu.memory_space<vmem>>
    %dma_start3A_159 = arith.constant 704 : i32
    %dma_start3A_160 = tpu.memref_slice %arg5[%dma_start3A_159] : memref<6400xi32, #tpu.memory_space<vmem>> -> memref<64xi32, #tpu.memory_space<vmem>>
    %dma_start3A_161 = arith.constant 0 : i32
    %dma_start3A_162 = arith.constant 0 : i32
    %dma_start3A_163 = tpu.memref_slice %arg3[%dma_start3A_161, %dma_start3A_162] : memref<100000x128xf32, #tpu.memory_space<hbm>> -> memref<100000x128xf32, #tpu.memory_space<hbm>>
    %dma_start3A_164 = tpu.memref_slice %arg7[%dma_start3A_154] : memref<12x!tpu.dma_semaphore, #tpu.memory_space<semaphore_mem>> -> memref<1x!tpu.dma_semaphore, #tpu.memory_space<semaphore_mem>>
    %dma_start3A_165 = tpu.memref_squeeze %dma_start3A_164 : memref<1x!tpu.dma_semaphore, #tpu.memory_space<semaphore_mem>> -> memref<!tpu.dma_semaphore, #tpu.memory_space<semaphore_mem>>
    tpu.enqueue_indirect_dma source(%dma_start3A_163 : memref<100000x128xf32, #tpu.memory_space<hbm>>) target(%dma_start3A_158 : memref<64x128xf32, #tpu.memory_space<vmem>>) offsets(%dma_start3A_160 : memref<64xi32, #tpu.memory_space<vmem>>) semaphore(%dma_start3A_165 : memref<!tpu.dma_semaphore, #tpu.memory_space<semaphore_mem>>)
    %dma_wait3A = arith.constant 768 : i32
    %dma_wait3A_166 = tpu.memref_slice %arg5[%dma_wait3A] : memref<6400xi32, #tpu.memory_space<vmem>> -> memref<5632xi32, #tpu.memory_space<vmem>>
    %dma_wait3A_167 = tpu.memref_slice %arg2[%add3A_4] : memref<204800xi32, #tpu.memory_space<hbm>> -> memref<5632xi32, #tpu.memory_space<hbm>>
    %dma_wait3A_168 = arith.constant 768 : i32
    %dma_wait3A_169 = tpu.memref_slice %arg5[%dma_wait3A_168] : memref<6400xi32, #tpu.memory_space<vmem>> -> memref<5632xi32, #tpu.memory_space<vmem>>
    %dma_wait3A_170 = tpu.memref_slice %arg2[%add3A_4] : memref<204800xi32, #tpu.memory_space<hbm>> -> memref<5632xi32, #tpu.memory_space<hbm>>
    tpu.wait_dma2 semaphore(%arg9 : memref<!tpu.dma_semaphore, #tpu.memory_space<semaphore_mem>>) src(%dma_wait3A_170 : memref<5632xi32, #tpu.memory_space<hbm>>) dst(%dma_wait3A_169 : memref<5632xi32, #tpu.memory_space<vmem>>)
    %scan3A = arith.constant 0 : i32
    %scan3A_171 = arith.constant 0 : i32
    %scan3A_172 = arith.constant 7 : i32
    %scan3A_173 = arith.addi %scan3A_171, %scan3A_172 : i32
    %scan3A_174 = arith.constant 1 : i32
    scf.for %scan3A_1012 = %scan3A_171 to %scan3A_173 step %scan3A_174  : i32 {
      %mul3A_1013 = arith.constant 12 : i32
      %mul3A_1014 = arith.muli %scan3A_1012, %mul3A_1013 : i32
      %add3A_1015 = arith.constant 0 : i32
      %add3A_1016 = arith.addi %mul3A_1014, %add3A_1015 : i32
      %mul3A_1017 = arith.constant 64 : i32
      %mul3A_1018 = arith.muli %add3A_1016, %mul3A_1017 : i32
      %dma_wait3A_1019 = arith.constant 0 : i32
      %dma_wait3A_1020 = arith.constant 0 : i32
      %dma_wait3A_1021 = arith.constant 0 : i32
      %dma_wait3A_1022 = arith.constant 0 : i32
      %dma_wait3A_1023 = tpu.memref_slice %arg6[%dma_wait3A_1019, %dma_wait3A_1021, %dma_wait3A_1022] : memref<12x64x128xf32, #tpu.memory_space<vmem>> -> memref<1x64x128xf32, #tpu.memory_space<vmem>>
      %dma_wait3A_1024 = tpu.memref_squeeze %dma_wait3A_1023 : memref<1x64x128xf32, #tpu.memory_space<vmem>> -> memref<64x128xf32, #tpu.memory_space<vmem>>
      %dma_wait3A_1025 = tpu.memref_slice %arg5[%mul3A_1018] : memref<6400xi32, #tpu.memory_space<vmem>> -> memref<64xi32, #tpu.memory_space<vmem>>
      %dma_wait3A_1026 = arith.constant 0 : i32
      %dma_wait3A_1027 = arith.constant 0 : i32
      %dma_wait3A_1028 = tpu.memref_slice %arg3[%dma_wait3A_1026, %dma_wait3A_1027] : memref<100000x128xf32, #tpu.memory_space<hbm>> -> memref<100000x128xf32, #tpu.memory_space<hbm>>
      %dma_wait3A_1029 = tpu.memref_slice %arg7[%dma_wait3A_1020] : memref<12x!tpu.dma_semaphore, #tpu.memory_space<semaphore_mem>> -> memref<1x!tpu.dma_semaphore, #tpu.memory_space<semaphore_mem>>
      %dma_wait3A_1030 = tpu.memref_squeeze %dma_wait3A_1029 : memref<1x!tpu.dma_semaphore, #tpu.memory_space<semaphore_mem>> -> memref<!tpu.dma_semaphore, #tpu.memory_space<semaphore_mem>>
      tpu.wait_indirect_dma semaphore(%dma_wait3A_1030 : memref<!tpu.dma_semaphore, #tpu.memory_space<semaphore_mem>>) src(%dma_wait3A_1028 : memref<100000x128xf32, #tpu.memory_space<hbm>>) dst(%dma_wait3A_1024 : memref<64x128xf32, #tpu.memory_space<vmem>>)
      %mul3A_1031 = arith.constant 64 : i32
      %mul3A_1032 = arith.muli %add3A_1016, %mul3A_1031 : i32
      %add3A_1033 = arith.addi %mul3A_2, %mul3A_1032 : i32
      %dma_start3A_1034 = arith.constant 0 : i32
      %dma_start3A_1035 = arith.constant 0 : i32
      %dma_start3A_1036 = arith.constant 0 : i32
      %dma_start3A_1037 = arith.constant 0 : i32
      %dma_start3A_1038 = tpu.memref_slice %arg6[%dma_start3A_1034, %dma_start3A_1036, %dma_start3A_1037] : memref<12x64x128xf32, #tpu.memory_space<vmem>> -> memref<1x64x128xf32, #tpu.memory_space<vmem>>
      %dma_start3A_1039 = tpu.memref_squeeze %dma_start3A_1038 : memref<1x64x128xf32, #tpu.memory_space<vmem>> -> memref<64x128xf32, #tpu.memory_space<vmem>>
      %dma_start3A_1040 = arith.constant 0 : i32
      %dma_start3A_1041 = tpu.memref_slice %arg4[%add3A_1033, %dma_start3A_1040] : memref<204800x128xf32, #tpu.memory_space<hbm>> -> memref<64x128xf32, #tpu.memory_space<hbm>>
      %dma_start3A_1042 = tpu.memref_slice %arg8[%dma_start3A_1035] : memref<12x!tpu.dma_semaphore, #tpu.memory_space<semaphore_mem>> -> memref<1x!tpu.dma_semaphore, #tpu.memory_space<semaphore_mem>>
      %dma_start3A_1043 = tpu.memref_squeeze %dma_start3A_1042 : memref<1x!tpu.dma_semaphore, #tpu.memory_space<semaphore_mem>> -> memref<!tpu.dma_semaphore, #tpu.memory_space<semaphore_mem>>
      %dma_start3A_1044 = arith.constant 0 : i32
      %dma_start3A_1045 = tpu.memref_slice %arg4[%add3A_1033, %dma_start3A_1044] : memref<204800x128xf32, #tpu.memory_space<hbm>> -> memref<64x128xf32, #tpu.memory_space<hbm>>
      %dma_start3A_1046 = arith.constant 0 : i32
      %dma_start3A_1047 = arith.constant 0 : i32
      %dma_start3A_1048 = tpu.memref_slice %arg6[%dma_start3A_1034, %dma_start3A_1046, %dma_start3A_1047] : memref<12x64x128xf32, #tpu.memory_space<vmem>> -> memref<1x64x128xf32, #tpu.memory_space<vmem>>
      %dma_start3A_1049 = tpu.memref_squeeze %dma_start3A_1048 : memref<1x64x128xf32, #tpu.memory_space<vmem>> -> memref<64x128xf32, #tpu.memory_space<vmem>>
      tpu.enqueue_dma source(%dma_start3A_1049 : memref<64x128xf32, #tpu.memory_space<vmem>>) target(%dma_start3A_1045 : memref<64x128xf32, #tpu.memory_space<hbm>>) target_semaphore(%dma_start3A_1043 : memref<!tpu.dma_semaphore, #tpu.memory_space<semaphore_mem>>)
      %mul3A_1050 = arith.constant 12 : i32
      %mul3A_1051 = arith.muli %scan3A_1012, %mul3A_1050 : i32
      %add3A_1052 = arith.constant 1 : i32
      %add3A_1053 = arith.addi %mul3A_1051, %add3A_1052 : i32
      %mul3A_1054 = arith.constant 64 : i32
      %mul3A_1055 = arith.muli %add3A_1053, %mul3A_1054 : i32
      %dma_wait3A_1056 = arith.constant 1 : i32
      %dma_wait3A_1057 = arith.constant 1 : i32
      %dma_wait3A_1058 = arith.constant 0 : i32
      %dma_wait3A_1059 = arith.constant 0 : i32
      %dma_wait3A_1060 = tpu.memref_slice %arg6[%dma_wait3A_1056, %dma_wait3A_1058, %dma_wait3A_1059] : memref<12x64x128xf32, #tpu.memory_space<vmem>> -> memref<1x64x128xf32, #tpu.memory_space<vmem>>
      %dma_wait3A_1061 = tpu.memref_squeeze %dma_wait3A_1060 : memref<1x64x128xf32, #tpu.memory_space<vmem>> -> memref<64x128xf32, #tpu.memory_space<vmem>>
      %dma_wait3A_1062 = tpu.memref_slice %arg5[%mul3A_1055] : memref<6400xi32, #tpu.memory_space<vmem>> -> memref<64xi32, #tpu.memory_space<vmem>>
      %dma_wait3A_1063 = arith.constant 0 : i32
      %dma_wait3A_1064 = arith.constant 0 : i32
      %dma_wait3A_1065 = tpu.memref_slice %arg3[%dma_wait3A_1063, %dma_wait3A_1064] : memref<100000x128xf32, #tpu.memory_space<hbm>> -> memref<100000x128xf32, #tpu.memory_space<hbm>>
      %dma_wait3A_1066 = tpu.memref_slice %arg7[%dma_wait3A_1057] : memref<12x!tpu.dma_semaphore, #tpu.memory_space<semaphore_mem>> -> memref<1x!tpu.dma_semaphore, #tpu.memory_space<semaphore_mem>>
      %dma_wait3A_1067 = tpu.memref_squeeze %dma_wait3A_1066 : memref<1x!tpu.dma_semaphore, #tpu.memory_space<semaphore_mem>> -> memref<!tpu.dma_semaphore, #tpu.memory_space<semaphore_mem>>
      tpu.wait_indirect_dma semaphore(%dma_wait3A_1067 : memref<!tpu.dma_semaphore, #tpu.memory_space<semaphore_mem>>) src(%dma_wait3A_1065 : memref<100000x128xf32, #tpu.memory_space<hbm>>) dst(%dma_wait3A_1061 : memref<64x128xf32, #tpu.memory_space<vmem>>)
      %mul3A_1068 = arith.constant 64 : i32
      %mul3A_1069 = arith.muli %add3A_1053, %mul3A_1068 : i32
      %add3A_1070 = arith.addi %mul3A_2, %mul3A_1069 : i32
      %dma_start3A_1071 = arith.constant 1 : i32
      %dma_start3A_1072 = arith.constant 1 : i32
      %dma_start3A_1073 = arith.constant 0 : i32
      %dma_start3A_1074 = arith.constant 0 : i32
      %dma_start3A_1075 = tpu.memref_slice %arg6[%dma_start3A_1071, %dma_start3A_1073, %dma_start3A_1074] : memref<12x64x128xf32, #tpu.memory_space<vmem>> -> memref<1x64x128xf32, #tpu.memory_space<vmem>>
      %dma_start3A_1076 = tpu.memref_squeeze %dma_start3A_1075 : memref<1x64x128xf32, #tpu.memory_space<vmem>> -> memref<64x128xf32, #tpu.memory_space<vmem>>
      %dma_start3A_1077 = arith.constant 0 : i32
      %dma_start3A_1078 = tpu.memref_slice %arg4[%add3A_1070, %dma_start3A_1077] : memref<204800x128xf32, #tpu.memory_space<hbm>> -> memref<64x128xf32, #tpu.memory_space<hbm>>
      %dma_start3A_1079 = tpu.memref_slice %arg8[%dma_start3A_1072] : memref<12x!tpu.dma_semaphore, #tpu.memory_space<semaphore_mem>> -> memref<1x!tpu.dma_semaphore, #tpu.memory_space<semaphore_mem>>
      %dma_start3A_1080 = tpu.memref_squeeze %dma_start3A_1079 : memref<1x!tpu.dma_semaphore, #tpu.memory_space<semaphore_mem>> -> memref<!tpu.dma_semaphore, #tpu.memory_space<semaphore_mem>>
      %dma_start3A_1081 = arith.constant 0 : i32
      %dma_start3A_1082 = tpu.memref_slice %arg4[%add3A_1070, %dma_start3A_1081] : memref<204800x128xf32, #tpu.memory_space<hbm>> -> memref<64x128xf32, #tpu.memory_space<hbm>>
      %dma_start3A_1083 = arith.constant 0 : i32
      %dma_start3A_1084 = arith.constant 0 : i32
      %dma_start3A_1085 = tpu.memref_slice %arg6[%dma_start3A_1071, %dma_start3A_1083, %dma_start3A_1084] : memref<12x64x128xf32, #tpu.memory_space<vmem>> -> memref<1x64x128xf32, #tpu.memory_space<vmem>>
      %dma_start3A_1086 = tpu.memref_squeeze %dma_start3A_1085 : memref<1x64x128xf32, #tpu.memory_space<vmem>> -> memref<64x128xf32, #tpu.memory_space<vmem>>
      tpu.enqueue_dma source(%dma_start3A_1086 : memref<64x128xf32, #tpu.memory_space<vmem>>) target(%dma_start3A_1082 : memref<64x128xf32, #tpu.memory_space<hbm>>) target_semaphore(%dma_start3A_1080 : memref<!tpu.dma_semaphore, #tpu.memory_space<semaphore_mem>>)
      %mul3A_1087 = arith.constant 12 : i32
      %mul3A_1088 = arith.muli %scan3A_1012, %mul3A_1087 : i32
      %add3A_1089 = arith.constant 2 : i32
      %add3A_1090 = arith.addi %mul3A_1088, %add3A_1089 : i32
      %mul3A_1091 = arith.constant 64 : i32
      %mul3A_1092 = arith.muli %add3A_1090, %mul3A_1091 : i32
      %dma_wait3A_1093 = arith.constant 2 : i32
      %dma_wait3A_1094 = arith.constant 2 : i32
      %dma_wait3A_1095 = arith.constant 0 : i32
      %dma_wait3A_1096 = arith.constant 0 : i32
      %dma_wait3A_1097 = tpu.memref_slice %arg6[%dma_wait3A_1093, %dma_wait3A_1095, %dma_wait3A_1096] : memref<12x64x128xf32, #tpu.memory_space<vmem>> -> memref<1x64x128xf32, #tpu.memory_space<vmem>>
      %dma_wait3A_1098 = tpu.memref_squeeze %dma_wait3A_1097 : memref<1x64x128xf32, #tpu.memory_space<vmem>> -> memref<64x128xf32, #tpu.memory_space<vmem>>
      %dma_wait3A_1099 = tpu.memref_slice %arg5[%mul3A_1092] : memref<6400xi32, #tpu.memory_space<vmem>> -> memref<64xi32, #tpu.memory_space<vmem>>
      %dma_wait3A_1100 = arith.constant 0 : i32
      %dma_wait3A_1101 = arith.constant 0 : i32
      %dma_wait3A_1102 = tpu.memref_slice %arg3[%dma_wait3A_1100, %dma_wait3A_1101] : memref<100000x128xf32, #tpu.memory_space<hbm>> -> memref<100000x128xf32, #tpu.memory_space<hbm>>
      %dma_wait3A_1103 = tpu.memref_slice %arg7[%dma_wait3A_1094] : memref<12x!tpu.dma_semaphore, #tpu.memory_space<semaphore_mem>> -> memref<1x!tpu.dma_semaphore, #tpu.memory_space<semaphore_mem>>
      %dma_wait3A_1104 = tpu.memref_squeeze %dma_wait3A_1103 : memref<1x!tpu.dma_semaphore, #tpu.memory_space<semaphore_mem>> -> memref<!tpu.dma_semaphore, #tpu.memory_space<semaphore_mem>>
      tpu.wait_indirect_dma semaphore(%dma_wait3A_1104 : memref<!tpu.dma_semaphore, #tpu.memory_space<semaphore_mem>>) src(%dma_wait3A_1102 : memref<100000x128xf32, #tpu.memory_space<hbm>>) dst(%dma_wait3A_1098 : memref<64x128xf32, #tpu.memory_space<vmem>>)
      %mul3A_1105 = arith.constant 64 : i32
      %mul3A_1106 = arith.muli %add3A_1090, %mul3A_1105 : i32
      %add3A_1107 = arith.addi %mul3A_2, %mul3A_1106 : i32
      %dma_start3A_1108 = arith.constant 2 : i32
      %dma_start3A_1109 = arith.constant 2 : i32
      %dma_start3A_1110 = arith.constant 0 : i32
      %dma_start3A_1111 = arith.constant 0 : i32
      %dma_start3A_1112 = tpu.memref_slice %arg6[%dma_start3A_1108, %dma_start3A_1110, %dma_start3A_1111] : memref<12x64x128xf32, #tpu.memory_space<vmem>> -> memref<1x64x128xf32, #tpu.memory_space<vmem>>
      %dma_start3A_1113 = tpu.memref_squeeze %dma_start3A_1112 : memref<1x64x128xf32, #tpu.memory_space<vmem>> -> memref<64x128xf32, #tpu.memory_space<vmem>>
      %dma_start3A_1114 = arith.constant 0 : i32
      %dma_start3A_1115 = tpu.memref_slice %arg4[%add3A_1107, %dma_start3A_1114] : memref<204800x128xf32, #tpu.memory_space<hbm>> -> memref<64x128xf32, #tpu.memory_space<hbm>>
      %dma_start3A_1116 = tpu.memref_slice %arg8[%dma_start3A_1109] : memref<12x!tpu.dma_semaphore, #tpu.memory_space<semaphore_mem>> -> memref<1x!tpu.dma_semaphore, #tpu.memory_space<semaphore_mem>>
      %dma_start3A_1117 = tpu.memref_squeeze %dma_start3A_1116 : memref<1x!tpu.dma_semaphore, #tpu.memory_space<semaphore_mem>> -> memref<!tpu.dma_semaphore, #tpu.memory_space<semaphore_mem>>
      %dma_start3A_1118 = arith.constant 0 : i32
      %dma_start3A_1119 = tpu.memref_slice %arg4[%add3A_1107, %dma_start3A_1118] : memref<204800x128xf32, #tpu.memory_space<hbm>> -> memref<64x128xf32, #tpu.memory_space<hbm>>
      %dma_start3A_1120 = arith.constant 0 : i32
      %dma_start3A_1121 = arith.constant 0 : i32
      %dma_start3A_1122 = tpu.memref_slice %arg6[%dma_start3A_1108, %dma_start3A_1120, %dma_start3A_1121] : memref<12x64x128xf32, #tpu.memory_space<vmem>> -> memref<1x64x128xf32, #tpu.memory_space<vmem>>
      %dma_start3A_1123 = tpu.memref_squeeze %dma_start3A_1122 : memref<1x64x128xf32, #tpu.memory_space<vmem>> -> memref<64x128xf32, #tpu.memory_space<vmem>>
      tpu.enqueue_dma source(%dma_start3A_1123 : memref<64x128xf32, #tpu.memory_space<vmem>>) target(%dma_start3A_1119 : memref<64x128xf32, #tpu.memory_space<hbm>>) target_semaphore(%dma_start3A_1117 : memref<!tpu.dma_semaphore, #tpu.memory_space<semaphore_mem>>)
      %mul3A_1124 = arith.constant 12 : i32
      %mul3A_1125 = arith.muli %scan3A_1012, %mul3A_1124 : i32
      %add3A_1126 = arith.constant 3 : i32
      %add3A_1127 = arith.addi %mul3A_1125, %add3A_1126 : i32
      %mul3A_1128 = arith.constant 64 : i32
      %mul3A_1129 = arith.muli %add3A_1127, %mul3A_1128 : i32
      %dma_wait3A_1130 = arith.constant 3 : i32
      %dma_wait3A_1131 = arith.constant 3 : i32
      %dma_wait3A_1132 = arith.constant 0 : i32
      %dma_wait3A_1133 = arith.constant 0 : i32
      %dma_wait3A_1134 = tpu.memref_slice %arg6[%dma_wait3A_1130, %dma_wait3A_1132, %dma_wait3A_1133] : memref<12x64x128xf32, #tpu.memory_space<vmem>> -> memref<1x64x128xf32, #tpu.memory_space<vmem>>
      %dma_wait3A_1135 = tpu.memref_squeeze %dma_wait3A_1134 : memref<1x64x128xf32, #tpu.memory_space<vmem>> -> memref<64x128xf32, #tpu.memory_space<vmem>>
      %dma_wait3A_1136 = tpu.memref_slice %arg5[%mul3A_1129] : memref<6400xi32, #tpu.memory_space<vmem>> -> memref<64xi32, #tpu.memory_space<vmem>>
      %dma_wait3A_1137 = arith.constant 0 : i32
      %dma_wait3A_1138 = arith.constant 0 : i32
      %dma_wait3A_1139 = tpu.memref_slice %arg3[%dma_wait3A_1137, %dma_wait3A_1138] : memref<100000x128xf32, #tpu.memory_space<hbm>> -> memref<100000x128xf32, #tpu.memory_space<hbm>>
      %dma_wait3A_1140 = tpu.memref_slice %arg7[%dma_wait3A_1131] : memref<12x!tpu.dma_semaphore, #tpu.memory_space<semaphore_mem>> -> memref<1x!tpu.dma_semaphore, #tpu.memory_space<semaphore_mem>>
      %dma_wait3A_1141 = tpu.memref_squeeze %dma_wait3A_1140 : memref<1x!tpu.dma_semaphore, #tpu.memory_space<semaphore_mem>> -> memref<!tpu.dma_semaphore, #tpu.memory_space<semaphore_mem>>
      tpu.wait_indirect_dma semaphore(%dma_wait3A_1141 : memref<!tpu.dma_semaphore, #tpu.memory_space<semaphore_mem>>) src(%dma_wait3A_1139 : memref<100000x128xf32, #tpu.memory_space<hbm>>) dst(%dma_wait3A_1135 : memref<64x128xf32, #tpu.memory_space<vmem>>)
      %mul3A_1142 = arith.constant 64 : i32
      %mul3A_1143 = arith.muli %add3A_1127, %mul3A_1142 : i32
      %add3A_1144 = arith.addi %mul3A_2, %mul3A_1143 : i32
      %dma_start3A_1145 = arith.constant 3 : i32
      %dma_start3A_1146 = arith.constant 3 : i32
      %dma_start3A_1147 = arith.constant 0 : i32
      %dma_start3A_1148 = arith.constant 0 : i32
      %dma_start3A_1149 = tpu.memref_slice %arg6[%dma_start3A_1145, %dma_start3A_1147, %dma_start3A_1148] : memref<12x64x128xf32, #tpu.memory_space<vmem>> -> memref<1x64x128xf32, #tpu.memory_space<vmem>>
      %dma_start3A_1150 = tpu.memref_squeeze %dma_start3A_1149 : memref<1x64x128xf32, #tpu.memory_space<vmem>> -> memref<64x128xf32, #tpu.memory_space<vmem>>
      %dma_start3A_1151 = arith.constant 0 : i32
      %dma_start3A_1152 = tpu.memref_slice %arg4[%add3A_1144, %dma_start3A_1151] : memref<204800x128xf32, #tpu.memory_space<hbm>> -> memref<64x128xf32, #tpu.memory_space<hbm>>
      %dma_start3A_1153 = tpu.memref_slice %arg8[%dma_start3A_1146] : memref<12x!tpu.dma_semaphore, #tpu.memory_space<semaphore_mem>> -> memref<1x!tpu.dma_semaphore, #tpu.memory_space<semaphore_mem>>
      %dma_start3A_1154 = tpu.memref_squeeze %dma_start3A_1153 : memref<1x!tpu.dma_semaphore, #tpu.memory_space<semaphore_mem>> -> memref<!tpu.dma_semaphore, #tpu.memory_space<semaphore_mem>>
      %dma_start3A_1155 = arith.constant 0 : i32
      %dma_start3A_1156 = tpu.memref_slice %arg4[%add3A_1144, %dma_start3A_1155] : memref<204800x128xf32, #tpu.memory_space<hbm>> -> memref<64x128xf32, #tpu.memory_space<hbm>>
      %dma_start3A_1157 = arith.constant 0 : i32
      %dma_start3A_1158 = arith.constant 0 : i32
      %dma_start3A_1159 = tpu.memref_slice %arg6[%dma_start3A_1145, %dma_start3A_1157, %dma_start3A_1158] : memref<12x64x128xf32, #tpu.memory_space<vmem>> -> memref<1x64x128xf32, #tpu.memory_space<vmem>>
      %dma_start3A_1160 = tpu.memref_squeeze %dma_start3A_1159 : memref<1x64x128xf32, #tpu.memory_space<vmem>> -> memref<64x128xf32, #tpu.memory_space<vmem>>
      tpu.enqueue_dma source(%dma_start3A_1160 : memref<64x128xf32, #tpu.memory_space<vmem>>) target(%dma_start3A_1156 : memref<64x128xf32, #tpu.memory_space<hbm>>) target_semaphore(%dma_start3A_1154 : memref<!tpu.dma_semaphore, #tpu.memory_space<semaphore_mem>>)
      %mul3A_1161 = arith.constant 12 : i32
      %mul3A_1162 = arith.muli %scan3A_1012, %mul3A_1161 : i32
      %add3A_1163 = arith.constant 4 : i32
      %add3A_1164 = arith.addi %mul3A_1162, %add3A_1163 : i32
      %mul3A_1165 = arith.constant 64 : i32
      %mul3A_1166 = arith.muli %add3A_1164, %mul3A_1165 : i32
      %dma_wait3A_1167 = arith.constant 4 : i32
      %dma_wait3A_1168 = arith.constant 4 : i32
      %dma_wait3A_1169 = arith.constant 0 : i32
      %dma_wait3A_1170 = arith.constant 0 : i32
      %dma_wait3A_1171 = tpu.memref_slice %arg6[%dma_wait3A_1167, %dma_wait3A_1169, %dma_wait3A_1170] : memref<12x64x128xf32, #tpu.memory_space<vmem>> -> memref<1x64x128xf32, #tpu.memory_space<vmem>>
      %dma_wait3A_1172 = tpu.memref_squeeze %dma_wait3A_1171 : memref<1x64x128xf32, #tpu.memory_space<vmem>> -> memref<64x128xf32, #tpu.memory_space<vmem>>
      %dma_wait3A_1173 = tpu.memref_slice %arg5[%mul3A_1166] : memref<6400xi32, #tpu.memory_space<vmem>> -> memref<64xi32, #tpu.memory_space<vmem>>
      %dma_wait3A_1174 = arith.constant 0 : i32
      %dma_wait3A_1175 = arith.constant 0 : i32
      %dma_wait3A_1176 = tpu.memref_slice %arg3[%dma_wait3A_1174, %dma_wait3A_1175] : memref<100000x128xf32, #tpu.memory_space<hbm>> -> memref<100000x128xf32, #tpu.memory_space<hbm>>
      %dma_wait3A_1177 = tpu.memref_slice %arg7[%dma_wait3A_1168] : memref<12x!tpu.dma_semaphore, #tpu.memory_space<semaphore_mem>> -> memref<1x!tpu.dma_semaphore, #tpu.memory_space<semaphore_mem>>
      %dma_wait3A_1178 = tpu.memref_squeeze %dma_wait3A_1177 : memref<1x!tpu.dma_semaphore, #tpu.memory_space<semaphore_mem>> -> memref<!tpu.dma_semaphore, #tpu.memory_space<semaphore_mem>>
      tpu.wait_indirect_dma semaphore(%dma_wait3A_1178 : memref<!tpu.dma_semaphore, #tpu.memory_space<semaphore_mem>>) src(%dma_wait3A_1176 : memref<100000x128xf32, #tpu.memory_space<hbm>>) dst(%dma_wait3A_1172 : memref<64x128xf32, #tpu.memory_space<vmem>>)
      %mul3A_1179 = arith.constant 64 : i32
      %mul3A_1180 = arith.muli %add3A_1164, %mul3A_1179 : i32
      %add3A_1181 = arith.addi %mul3A_2, %mul3A_1180 : i32
      %dma_start3A_1182 = arith.constant 4 : i32
      %dma_start3A_1183 = arith.constant 4 : i32
      %dma_start3A_1184 = arith.constant 0 : i32
      %dma_start3A_1185 = arith.constant 0 : i32
      %dma_start3A_1186 = tpu.memref_slice %arg6[%dma_start3A_1182, %dma_start3A_1184, %dma_start3A_1185] : memref<12x64x128xf32, #tpu.memory_space<vmem>> -> memref<1x64x128xf32, #tpu.memory_space<vmem>>
      %dma_start3A_1187 = tpu.memref_squeeze %dma_start3A_1186 : memref<1x64x128xf32, #tpu.memory_space<vmem>> -> memref<64x128xf32, #tpu.memory_space<vmem>>
      %dma_start3A_1188 = arith.constant 0 : i32
      %dma_start3A_1189 = tpu.memref_slice %arg4[%add3A_1181, %dma_start3A_1188] : memref<204800x128xf32, #tpu.memory_space<hbm>> -> memref<64x128xf32, #tpu.memory_space<hbm>>
      %dma_start3A_1190 = tpu.memref_slice %arg8[%dma_start3A_1183] : memref<12x!tpu.dma_semaphore, #tpu.memory_space<semaphore_mem>> -> memref<1x!tpu.dma_semaphore, #tpu.memory_space<semaphore_mem>>
      %dma_start3A_1191 = tpu.memref_squeeze %dma_start3A_1190 : memref<1x!tpu.dma_semaphore, #tpu.memory_space<semaphore_mem>> -> memref<!tpu.dma_semaphore, #tpu.memory_space<semaphore_mem>>
      %dma_start3A_1192 = arith.constant 0 : i32
      %dma_start3A_1193 = tpu.memref_slice %arg4[%add3A_1181, %dma_start3A_1192] : memref<204800x128xf32, #tpu.memory_space<hbm>> -> memref<64x128xf32, #tpu.memory_space<hbm>>
      %dma_start3A_1194 = arith.constant 0 : i32
      %dma_start3A_1195 = arith.constant 0 : i32
      %dma_start3A_1196 = tpu.memref_slice %arg6[%dma_start3A_1182, %dma_start3A_1194, %dma_start3A_1195] : memref<12x64x128xf32, #tpu.memory_space<vmem>> -> memref<1x64x128xf32, #tpu.memory_space<vmem>>
      %dma_start3A_1197 = tpu.memref_squeeze %dma_start3A_1196 : memref<1x64x128xf32, #tpu.memory_space<vmem>> -> memref<64x128xf32, #tpu.memory_space<vmem>>
      tpu.enqueue_dma source(%dma_start3A_1197 : memref<64x128xf32, #tpu.memory_space<vmem>>) target(%dma_start3A_1193 : memref<64x128xf32, #tpu.memory_space<hbm>>) target_semaphore(%dma_start3A_1191 : memref<!tpu.dma_semaphore, #tpu.memory_space<semaphore_mem>>)
      %mul3A_1198 = arith.constant 12 : i32
      %mul3A_1199 = arith.muli %scan3A_1012, %mul3A_1198 : i32
      %add3A_1200 = arith.constant 5 : i32
      %add3A_1201 = arith.addi %mul3A_1199, %add3A_1200 : i32
      %mul3A_1202 = arith.constant 64 : i32
      %mul3A_1203 = arith.muli %add3A_1201, %mul3A_1202 : i32
      %dma_wait3A_1204 = arith.constant 5 : i32
      %dma_wait3A_1205 = arith.constant 5 : i32
      %dma_wait3A_1206 = arith.constant 0 : i32
      %dma_wait3A_1207 = arith.constant 0 : i32
      %dma_wait3A_1208 = tpu.memref_slice %arg6[%dma_wait3A_1204, %dma_wait3A_1206, %dma_wait3A_1207] : memref<12x64x128xf32, #tpu.memory_space<vmem>> -> memref<1x64x128xf32, #tpu.memory_space<vmem>>
      %dma_wait3A_1209 = tpu.memref_squeeze %dma_wait3A_1208 : memref<1x64x128xf32, #tpu.memory_space<vmem>> -> memref<64x128xf32, #tpu.memory_space<vmem>>
      %dma_wait3A_1210 = tpu.memref_slice %arg5[%mul3A_1203] : memref<6400xi32, #tpu.memory_space<vmem>> -> memref<64xi32, #tpu.memory_space<vmem>>
      %dma_wait3A_1211 = arith.constant 0 : i32
      %dma_wait3A_1212 = arith.constant 0 : i32
      %dma_wait3A_1213 = tpu.memref_slice %arg3[%dma_wait3A_1211, %dma_wait3A_1212] : memref<100000x128xf32, #tpu.memory_space<hbm>> -> memref<100000x128xf32, #tpu.memory_space<hbm>>
      %dma_wait3A_1214 = tpu.memref_slice %arg7[%dma_wait3A_1205] : memref<12x!tpu.dma_semaphore, #tpu.memory_space<semaphore_mem>> -> memref<1x!tpu.dma_semaphore, #tpu.memory_space<semaphore_mem>>
      %dma_wait3A_1215 = tpu.memref_squeeze %dma_wait3A_1214 : memref<1x!tpu.dma_semaphore, #tpu.memory_space<semaphore_mem>> -> memref<!tpu.dma_semaphore, #tpu.memory_space<semaphore_mem>>
      tpu.wait_indirect_dma semaphore(%dma_wait3A_1215 : memref<!tpu.dma_semaphore, #tpu.memory_space<semaphore_mem>>) src(%dma_wait3A_1213 : memref<100000x128xf32, #tpu.memory_space<hbm>>) dst(%dma_wait3A_1209 : memref<64x128xf32, #tpu.memory_space<vmem>>)
      %mul3A_1216 = arith.constant 64 : i32
      %mul3A_1217 = arith.muli %add3A_1201, %mul3A_1216 : i32
      %add3A_1218 = arith.addi %mul3A_2, %mul3A_1217 : i32
      %dma_start3A_1219 = arith.constant 5 : i32
      %dma_start3A_1220 = arith.constant 5 : i32
      %dma_start3A_1221 = arith.constant 0 : i32
      %dma_start3A_1222 = arith.constant 0 : i32
      %dma_start3A_1223 = tpu.memref_slice %arg6[%dma_start3A_1219, %dma_start3A_1221, %dma_start3A_1222] : memref<12x64x128xf32, #tpu.memory_space<vmem>> -> memref<1x64x128xf32, #tpu.memory_space<vmem>>
      %dma_start3A_1224 = tpu.memref_squeeze %dma_start3A_1223 : memref<1x64x128xf32, #tpu.memory_space<vmem>> -> memref<64x128xf32, #tpu.memory_space<vmem>>
      %dma_start3A_1225 = arith.constant 0 : i32
      %dma_start3A_1226 = tpu.memref_slice %arg4[%add3A_1218, %dma_start3A_1225] : memref<204800x128xf32, #tpu.memory_space<hbm>> -> memref<64x128xf32, #tpu.memory_space<hbm>>
      %dma_start3A_1227 = tpu.memref_slice %arg8[%dma_start3A_1220] : memref<12x!tpu.dma_semaphore, #tpu.memory_space<semaphore_mem>> -> memref<1x!tpu.dma_semaphore, #tpu.memory_space<semaphore_mem>>
      %dma_start3A_1228 = tpu.memref_squeeze %dma_start3A_1227 : memref<1x!tpu.dma_semaphore, #tpu.memory_space<semaphore_mem>> -> memref<!tpu.dma_semaphore, #tpu.memory_space<semaphore_mem>>
      %dma_start3A_1229 = arith.constant 0 : i32
      %dma_start3A_1230 = tpu.memref_slice %arg4[%add3A_1218, %dma_start3A_1229] : memref<204800x128xf32, #tpu.memory_space<hbm>> -> memref<64x128xf32, #tpu.memory_space<hbm>>
      %dma_start3A_1231 = arith.constant 0 : i32
      %dma_start3A_1232 = arith.constant 0 : i32
      %dma_start3A_1233 = tpu.memref_slice %arg6[%dma_start3A_1219, %dma_start3A_1231, %dma_start3A_1232] : memref<12x64x128xf32, #tpu.memory_space<vmem>> -> memref<1x64x128xf32, #tpu.memory_space<vmem>>
      %dma_start3A_1234 = tpu.memref_squeeze %dma_start3A_1233 : memref<1x64x128xf32, #tpu.memory_space<vmem>> -> memref<64x128xf32, #tpu.memory_space<vmem>>
      tpu.enqueue_dma source(%dma_start3A_1234 : memref<64x128xf32, #tpu.memory_space<vmem>>) target(%dma_start3A_1230 : memref<64x128xf32, #tpu.memory_space<hbm>>) target_semaphore(%dma_start3A_1228 : memref<!tpu.dma_semaphore, #tpu.memory_space<semaphore_mem>>)
      %mul3A_1235 = arith.constant 12 : i32
      %mul3A_1236 = arith.muli %scan3A_1012, %mul3A_1235 : i32
      %add3A_1237 = arith.constant 6 : i32
      %add3A_1238 = arith.addi %mul3A_1236, %add3A_1237 : i32
      %mul3A_1239 = arith.constant 64 : i32
      %mul3A_1240 = arith.muli %add3A_1238, %mul3A_1239 : i32
      %dma_wait3A_1241 = arith.constant 6 : i32
      %dma_wait3A_1242 = arith.constant 6 : i32
      %dma_wait3A_1243 = arith.constant 0 : i32
      %dma_wait3A_1244 = arith.constant 0 : i32
      %dma_wait3A_1245 = tpu.memref_slice %arg6[%dma_wait3A_1241, %dma_wait3A_1243, %dma_wait3A_1244] : memref<12x64x128xf32, #tpu.memory_space<vmem>> -> memref<1x64x128xf32, #tpu.memory_space<vmem>>
      %dma_wait3A_1246 = tpu.memref_squeeze %dma_wait3A_1245 : memref<1x64x128xf32, #tpu.memory_space<vmem>> -> memref<64x128xf32, #tpu.memory_space<vmem>>
      %dma_wait3A_1247 = tpu.memref_slice %arg5[%mul3A_1240] : memref<6400xi32, #tpu.memory_space<vmem>> -> memref<64xi32, #tpu.memory_space<vmem>>
      %dma_wait3A_1248 = arith.constant 0 : i32
      %dma_wait3A_1249 = arith.constant 0 : i32
      %dma_wait3A_1250 = tpu.memref_slice %arg3[%dma_wait3A_1248, %dma_wait3A_1249] : memref<100000x128xf32, #tpu.memory_space<hbm>> -> memref<100000x128xf32, #tpu.memory_space<hbm>>
      %dma_wait3A_1251 = tpu.memref_slice %arg7[%dma_wait3A_1242] : memref<12x!tpu.dma_semaphore, #tpu.memory_space<semaphore_mem>> -> memref<1x!tpu.dma_semaphore, #tpu.memory_space<semaphore_mem>>
      %dma_wait3A_1252 = tpu.memref_squeeze %dma_wait3A_1251 : memref<1x!tpu.dma_semaphore, #tpu.memory_space<semaphore_mem>> -> memref<!tpu.dma_semaphore, #tpu.memory_space<semaphore_mem>>
      tpu.wait_indirect_dma semaphore(%dma_wait3A_1252 : memref<!tpu.dma_semaphore, #tpu.memory_space<semaphore_mem>>) src(%dma_wait3A_1250 : memref<100000x128xf32, #tpu.memory_space<hbm>>) dst(%dma_wait3A_1246 : memref<64x128xf32, #tpu.memory_space<vmem>>)
      %mul3A_1253 = arith.constant 64 : i32
      %mul3A_1254 = arith.muli %add3A_1238, %mul3A_1253 : i32
      %add3A_1255 = arith.addi %mul3A_2, %mul3A_1254 : i32
      %dma_start3A_1256 = arith.constant 6 : i32
      %dma_start3A_1257 = arith.constant 6 : i32
      %dma_start3A_1258 = arith.constant 0 : i32
      %dma_start3A_1259 = arith.constant 0 : i32
      %dma_start3A_1260 = tpu.memref_slice %arg6[%dma_start3A_1256, %dma_start3A_1258, %dma_start3A_1259] : memref<12x64x128xf32, #tpu.memory_space<vmem>> -> memref<1x64x128xf32, #tpu.memory_space<vmem>>
      %dma_start3A_1261 = tpu.memref_squeeze %dma_start3A_1260 : memref<1x64x128xf32, #tpu.memory_space<vmem>> -> memref<64x128xf32, #tpu.memory_space<vmem>>
      %dma_start3A_1262 = arith.constant 0 : i32
      %dma_start3A_1263 = tpu.memref_slice %arg4[%add3A_1255, %dma_start3A_1262] : memref<204800x128xf32, #tpu.memory_space<hbm>> -> memref<64x128xf32, #tpu.memory_space<hbm>>
      %dma_start3A_1264 = tpu.memref_slice %arg8[%dma_start3A_1257] : memref<12x!tpu.dma_semaphore, #tpu.memory_space<semaphore_mem>> -> memref<1x!tpu.dma_semaphore, #tpu.memory_space<semaphore_mem>>
      %dma_start3A_1265 = tpu.memref_squeeze %dma_start3A_1264 : memref<1x!tpu.dma_semaphore, #tpu.memory_space<semaphore_mem>> -> memref<!tpu.dma_semaphore, #tpu.memory_space<semaphore_mem>>
      %dma_start3A_1266 = arith.constant 0 : i32
      %dma_start3A_1267 = tpu.memref_slice %arg4[%add3A_1255, %dma_start3A_1266] : memref<204800x128xf32, #tpu.memory_space<hbm>> -> memref<64x128xf32, #tpu.memory_space<hbm>>
      %dma_start3A_1268 = arith.constant 0 : i32
      %dma_start3A_1269 = arith.constant 0 : i32
      %dma_start3A_1270 = tpu.memref_slice %arg6[%dma_start3A_1256, %dma_start3A_1268, %dma_start3A_1269] : memref<12x64x128xf32, #tpu.memory_space<vmem>> -> memref<1x64x128xf32, #tpu.memory_space<vmem>>
      %dma_start3A_1271 = tpu.memref_squeeze %dma_start3A_1270 : memref<1x64x128xf32, #tpu.memory_space<vmem>> -> memref<64x128xf32, #tpu.memory_space<vmem>>
      tpu.enqueue_dma source(%dma_start3A_1271 : memref<64x128xf32, #tpu.memory_space<vmem>>) target(%dma_start3A_1267 : memref<64x128xf32, #tpu.memory_space<hbm>>) target_semaphore(%dma_start3A_1265 : memref<!tpu.dma_semaphore, #tpu.memory_space<semaphore_mem>>)
      %mul3A_1272 = arith.constant 12 : i32
      %mul3A_1273 = arith.muli %scan3A_1012, %mul3A_1272 : i32
      %add3A_1274 = arith.constant 7 : i32
      %add3A_1275 = arith.addi %mul3A_1273, %add3A_1274 : i32
      %mul3A_1276 = arith.constant 64 : i32
      %mul3A_1277 = arith.muli %add3A_1275, %mul3A_1276 : i32
      %dma_wait3A_1278 = arith.constant 7 : i32
      %dma_wait3A_1279 = arith.constant 7 : i32
      %dma_wait3A_1280 = arith.constant 0 : i32
      %dma_wait3A_1281 = arith.constant 0 : i32
      %dma_wait3A_1282 = tpu.memref_slice %arg6[%dma_wait3A_1278, %dma_wait3A_1280, %dma_wait3A_1281] : memref<12x64x128xf32, #tpu.memory_space<vmem>> -> memref<1x64x128xf32, #tpu.memory_space<vmem>>
      %dma_wait3A_1283 = tpu.memref_squeeze %dma_wait3A_1282 : memref<1x64x128xf32, #tpu.memory_space<vmem>> -> memref<64x128xf32, #tpu.memory_space<vmem>>
      %dma_wait3A_1284 = tpu.memref_slice %arg5[%mul3A_1277] : memref<6400xi32, #tpu.memory_space<vmem>> -> memref<64xi32, #tpu.memory_space<vmem>>
      %dma_wait3A_1285 = arith.constant 0 : i32
      %dma_wait3A_1286 = arith.constant 0 : i32
      %dma_wait3A_1287 = tpu.memref_slice %arg3[%dma_wait3A_1285, %dma_wait3A_1286] : memref<100000x128xf32, #tpu.memory_space<hbm>> -> memref<100000x128xf32, #tpu.memory_space<hbm>>
      %dma_wait3A_1288 = tpu.memref_slice %arg7[%dma_wait3A_1279] : memref<12x!tpu.dma_semaphore, #tpu.memory_space<semaphore_mem>> -> memref<1x!tpu.dma_semaphore, #tpu.memory_space<semaphore_mem>>
      %dma_wait3A_1289 = tpu.memref_squeeze %dma_wait3A_1288 : memref<1x!tpu.dma_semaphore, #tpu.memory_space<semaphore_mem>> -> memref<!tpu.dma_semaphore, #tpu.memory_space<semaphore_mem>>
      tpu.wait_indirect_dma semaphore(%dma_wait3A_1289 : memref<!tpu.dma_semaphore, #tpu.memory_space<semaphore_mem>>) src(%dma_wait3A_1287 : memref<100000x128xf32, #tpu.memory_space<hbm>>) dst(%dma_wait3A_1283 : memref<64x128xf32, #tpu.memory_space<vmem>>)
      %mul3A_1290 = arith.constant 64 : i32
      %mul3A_1291 = arith.muli %add3A_1275, %mul3A_1290 : i32
      %add3A_1292 = arith.addi %mul3A_2, %mul3A_1291 : i32
      %dma_start3A_1293 = arith.constant 7 : i32
      %dma_start3A_1294 = arith.constant 7 : i32
      %dma_start3A_1295 = arith.constant 0 : i32
      %dma_start3A_1296 = arith.constant 0 : i32
      %dma_start3A_1297 = tpu.memref_slice %arg6[%dma_start3A_1293, %dma_start3A_1295, %dma_start3A_1296] : memref<12x64x128xf32, #tpu.memory_space<vmem>> -> memref<1x64x128xf32, #tpu.memory_space<vmem>>
      %dma_start3A_1298 = tpu.memref_squeeze %dma_start3A_1297 : memref<1x64x128xf32, #tpu.memory_space<vmem>> -> memref<64x128xf32, #tpu.memory_space<vmem>>
      %dma_start3A_1299 = arith.constant 0 : i32
      %dma_start3A_1300 = tpu.memref_slice %arg4[%add3A_1292, %dma_start3A_1299] : memref<204800x128xf32, #tpu.memory_space<hbm>> -> memref<64x128xf32, #tpu.memory_space<hbm>>
      %dma_start3A_1301 = tpu.memref_slice %arg8[%dma_start3A_1294] : memref<12x!tpu.dma_semaphore, #tpu.memory_space<semaphore_mem>> -> memref<1x!tpu.dma_semaphore, #tpu.memory_space<semaphore_mem>>
      %dma_start3A_1302 = tpu.memref_squeeze %dma_start3A_1301 : memref<1x!tpu.dma_semaphore, #tpu.memory_space<semaphore_mem>> -> memref<!tpu.dma_semaphore, #tpu.memory_space<semaphore_mem>>
      %dma_start3A_1303 = arith.constant 0 : i32
      %dma_start3A_1304 = tpu.memref_slice %arg4[%add3A_1292, %dma_start3A_1303] : memref<204800x128xf32, #tpu.memory_space<hbm>> -> memref<64x128xf32, #tpu.memory_space<hbm>>
      %dma_start3A_1305 = arith.constant 0 : i32
      %dma_start3A_1306 = arith.constant 0 : i32
      %dma_start3A_1307 = tpu.memref_slice %arg6[%dma_start3A_1293, %dma_start3A_1305, %dma_start3A_1306] : memref<12x64x128xf32, #tpu.memory_space<vmem>> -> memref<1x64x128xf32, #tpu.memory_space<vmem>>
      %dma_start3A_1308 = tpu.memref_squeeze %dma_start3A_1307 : memref<1x64x128xf32, #tpu.memory_space<vmem>> -> memref<64x128xf32, #tpu.memory_space<vmem>>
      tpu.enqueue_dma source(%dma_start3A_1308 : memref<64x128xf32, #tpu.memory_space<vmem>>) target(%dma_start3A_1304 : memref<64x128xf32, #tpu.memory_space<hbm>>) target_semaphore(%dma_start3A_1302 : memref<!tpu.dma_semaphore, #tpu.memory_space<semaphore_mem>>)
      %mul3A_1309 = arith.constant 12 : i32
      %mul3A_1310 = arith.muli %scan3A_1012, %mul3A_1309 : i32
      %add3A_1311 = arith.constant 8 : i32
      %add3A_1312 = arith.addi %mul3A_1310, %add3A_1311 : i32
      %mul3A_1313 = arith.constant 64 : i32
      %mul3A_1314 = arith.muli %add3A_1312, %mul3A_1313 : i32
      %dma_wait3A_1315 = arith.constant 8 : i32
      %dma_wait3A_1316 = arith.constant 8 : i32
      %dma_wait3A_1317 = arith.constant 0 : i32
      %dma_wait3A_1318 = arith.constant 0 : i32
      %dma_wait3A_1319 = tpu.memref_slice %arg6[%dma_wait3A_1315, %dma_wait3A_1317, %dma_wait3A_1318] : memref<12x64x128xf32, #tpu.memory_space<vmem>> -> memref<1x64x128xf32, #tpu.memory_space<vmem>>
      %dma_wait3A_1320 = tpu.memref_squeeze %dma_wait3A_1319 : memref<1x64x128xf32, #tpu.memory_space<vmem>> -> memref<64x128xf32, #tpu.memory_space<vmem>>
      %dma_wait3A_1321 = tpu.memref_slice %arg5[%mul3A_1314] : memref<6400xi32, #tpu.memory_space<vmem>> -> memref<64xi32, #tpu.memory_space<vmem>>
      %dma_wait3A_1322 = arith.constant 0 : i32
      %dma_wait3A_1323 = arith.constant 0 : i32
      %dma_wait3A_1324 = tpu.memref_slice %arg3[%dma_wait3A_1322, %dma_wait3A_1323] : memref<100000x128xf32, #tpu.memory_space<hbm>> -> memref<100000x128xf32, #tpu.memory_space<hbm>>
      %dma_wait3A_1325 = tpu.memref_slice %arg7[%dma_wait3A_1316] : memref<12x!tpu.dma_semaphore, #tpu.memory_space<semaphore_mem>> -> memref<1x!tpu.dma_semaphore, #tpu.memory_space<semaphore_mem>>
      %dma_wait3A_1326 = tpu.memref_squeeze %dma_wait3A_1325 : memref<1x!tpu.dma_semaphore, #tpu.memory_space<semaphore_mem>> -> memref<!tpu.dma_semaphore, #tpu.memory_space<semaphore_mem>>
      tpu.wait_indirect_dma semaphore(%dma_wait3A_1326 : memref<!tpu.dma_semaphore, #tpu.memory_space<semaphore_mem>>) src(%dma_wait3A_1324 : memref<100000x128xf32, #tpu.memory_space<hbm>>) dst(%dma_wait3A_1320 : memref<64x128xf32, #tpu.memory_space<vmem>>)
      %mul3A_1327 = arith.constant 64 : i32
      %mul3A_1328 = arith.muli %add3A_1312, %mul3A_1327 : i32
      %add3A_1329 = arith.addi %mul3A_2, %mul3A_1328 : i32
      %dma_start3A_1330 = arith.constant 8 : i32
      %dma_start3A_1331 = arith.constant 8 : i32
      %dma_start3A_1332 = arith.constant 0 : i32
      %dma_start3A_1333 = arith.constant 0 : i32
      %dma_start3A_1334 = tpu.memref_slice %arg6[%dma_start3A_1330, %dma_start3A_1332, %dma_start3A_1333] : memref<12x64x128xf32, #tpu.memory_space<vmem>> -> memref<1x64x128xf32, #tpu.memory_space<vmem>>
      %dma_start3A_1335 = tpu.memref_squeeze %dma_start3A_1334 : memref<1x64x128xf32, #tpu.memory_space<vmem>> -> memref<64x128xf32, #tpu.memory_space<vmem>>
      %dma_start3A_1336 = arith.constant 0 : i32
      %dma_start3A_1337 = tpu.memref_slice %arg4[%add3A_1329, %dma_start3A_1336] : memref<204800x128xf32, #tpu.memory_space<hbm>> -> memref<64x128xf32, #tpu.memory_space<hbm>>
      %dma_start3A_1338 = tpu.memref_slice %arg8[%dma_start3A_1331] : memref<12x!tpu.dma_semaphore, #tpu.memory_space<semaphore_mem>> -> memref<1x!tpu.dma_semaphore, #tpu.memory_space<semaphore_mem>>
      %dma_start3A_1339 = tpu.memref_squeeze %dma_start3A_1338 : memref<1x!tpu.dma_semaphore, #tpu.memory_space<semaphore_mem>> -> memref<!tpu.dma_semaphore, #tpu.memory_space<semaphore_mem>>
      %dma_start3A_1340 = arith.constant 0 : i32
      %dma_start3A_1341 = tpu.memref_slice %arg4[%add3A_1329, %dma_start3A_1340] : memref<204800x128xf32, #tpu.memory_space<hbm>> -> memref<64x128xf32, #tpu.memory_space<hbm>>
      %dma_start3A_1342 = arith.constant 0 : i32
      %dma_start3A_1343 = arith.constant 0 : i32
      %dma_start3A_1344 = tpu.memref_slice %arg6[%dma_start3A_1330, %dma_start3A_1342, %dma_start3A_1343] : memref<12x64x128xf32, #tpu.memory_space<vmem>> -> memref<1x64x128xf32, #tpu.memory_space<vmem>>
      %dma_start3A_1345 = tpu.memref_squeeze %dma_start3A_1344 : memref<1x64x128xf32, #tpu.memory_space<vmem>> -> memref<64x128xf32, #tpu.memory_space<vmem>>
      tpu.enqueue_dma source(%dma_start3A_1345 : memref<64x128xf32, #tpu.memory_space<vmem>>) target(%dma_start3A_1341 : memref<64x128xf32, #tpu.memory_space<hbm>>) target_semaphore(%dma_start3A_1339 : memref<!tpu.dma_semaphore, #tpu.memory_space<semaphore_mem>>)
      %mul3A_1346 = arith.constant 12 : i32
      %mul3A_1347 = arith.muli %scan3A_1012, %mul3A_1346 : i32
      %add3A_1348 = arith.constant 9 : i32
      %add3A_1349 = arith.addi %mul3A_1347, %add3A_1348 : i32
      %mul3A_1350 = arith.constant 64 : i32
      %mul3A_1351 = arith.muli %add3A_1349, %mul3A_1350 : i32
      %dma_wait3A_1352 = arith.constant 9 : i32
      %dma_wait3A_1353 = arith.constant 9 : i32
      %dma_wait3A_1354 = arith.constant 0 : i32
      %dma_wait3A_1355 = arith.constant 0 : i32
      %dma_wait3A_1356 = tpu.memref_slice %arg6[%dma_wait3A_1352, %dma_wait3A_1354, %dma_wait3A_1355] : memref<12x64x128xf32, #tpu.memory_space<vmem>> -> memref<1x64x128xf32, #tpu.memory_space<vmem>>
      %dma_wait3A_1357 = tpu.memref_squeeze %dma_wait3A_1356 : memref<1x64x128xf32, #tpu.memory_space<vmem>> -> memref<64x128xf32, #tpu.memory_space<vmem>>
      %dma_wait3A_1358 = tpu.memref_slice %arg5[%mul3A_1351] : memref<6400xi32, #tpu.memory_space<vmem>> -> memref<64xi32, #tpu.memory_space<vmem>>
      %dma_wait3A_1359 = arith.constant 0 : i32
      %dma_wait3A_1360 = arith.constant 0 : i32
      %dma_wait3A_1361 = tpu.memref_slice %arg3[%dma_wait3A_1359, %dma_wait3A_1360] : memref<100000x128xf32, #tpu.memory_space<hbm>> -> memref<100000x128xf32, #tpu.memory_space<hbm>>
      %dma_wait3A_1362 = tpu.memref_slice %arg7[%dma_wait3A_1353] : memref<12x!tpu.dma_semaphore, #tpu.memory_space<semaphore_mem>> -> memref<1x!tpu.dma_semaphore, #tpu.memory_space<semaphore_mem>>
      %dma_wait3A_1363 = tpu.memref_squeeze %dma_wait3A_1362 : memref<1x!tpu.dma_semaphore, #tpu.memory_space<semaphore_mem>> -> memref<!tpu.dma_semaphore, #tpu.memory_space<semaphore_mem>>
      tpu.wait_indirect_dma semaphore(%dma_wait3A_1363 : memref<!tpu.dma_semaphore, #tpu.memory_space<semaphore_mem>>) src(%dma_wait3A_1361 : memref<100000x128xf32, #tpu.memory_space<hbm>>) dst(%dma_wait3A_1357 : memref<64x128xf32, #tpu.memory_space<vmem>>)
      %mul3A_1364 = arith.constant 64 : i32
      %mul3A_1365 = arith.muli %add3A_1349, %mul3A_1364 : i32
      %add3A_1366 = arith.addi %mul3A_2, %mul3A_1365 : i32
      %dma_start3A_1367 = arith.constant 9 : i32
      %dma_start3A_1368 = arith.constant 9 : i32
      %dma_start3A_1369 = arith.constant 0 : i32
      %dma_start3A_1370 = arith.constant 0 : i32
      %dma_start3A_1371 = tpu.memref_slice %arg6[%dma_start3A_1367, %dma_start3A_1369, %dma_start3A_1370] : memref<12x64x128xf32, #tpu.memory_space<vmem>> -> memref<1x64x128xf32, #tpu.memory_space<vmem>>
      %dma_start3A_1372 = tpu.memref_squeeze %dma_start3A_1371 : memref<1x64x128xf32, #tpu.memory_space<vmem>> -> memref<64x128xf32, #tpu.memory_space<vmem>>
      %dma_start3A_1373 = arith.constant 0 : i32
      %dma_start3A_1374 = tpu.memref_slice %arg4[%add3A_1366, %dma_start3A_1373] : memref<204800x128xf32, #tpu.memory_space<hbm>> -> memref<64x128xf32, #tpu.memory_space<hbm>>
      %dma_start3A_1375 = tpu.memref_slice %arg8[%dma_start3A_1368] : memref<12x!tpu.dma_semaphore, #tpu.memory_space<semaphore_mem>> -> memref<1x!tpu.dma_semaphore, #tpu.memory_space<semaphore_mem>>
      %dma_start3A_1376 = tpu.memref_squeeze %dma_start3A_1375 : memref<1x!tpu.dma_semaphore, #tpu.memory_space<semaphore_mem>> -> memref<!tpu.dma_semaphore, #tpu.memory_space<semaphore_mem>>
      %dma_start3A_1377 = arith.constant 0 : i32
      %dma_start3A_1378 = tpu.memref_slice %arg4[%add3A_1366, %dma_start3A_1377] : memref<204800x128xf32, #tpu.memory_space<hbm>> -> memref<64x128xf32, #tpu.memory_space<hbm>>
      %dma_start3A_1379 = arith.constant 0 : i32
      %dma_start3A_1380 = arith.constant 0 : i32
      %dma_start3A_1381 = tpu.memref_slice %arg6[%dma_start3A_1367, %dma_start3A_1379, %dma_start3A_1380] : memref<12x64x128xf32, #tpu.memory_space<vmem>> -> memref<1x64x128xf32, #tpu.memory_space<vmem>>
      %dma_start3A_1382 = tpu.memref_squeeze %dma_start3A_1381 : memref<1x64x128xf32, #tpu.memory_space<vmem>> -> memref<64x128xf32, #tpu.memory_space<vmem>>
      tpu.enqueue_dma source(%dma_start3A_1382 : memref<64x128xf32, #tpu.memory_space<vmem>>) target(%dma_start3A_1378 : memref<64x128xf32, #tpu.memory_space<hbm>>) target_semaphore(%dma_start3A_1376 : memref<!tpu.dma_semaphore, #tpu.memory_space<semaphore_mem>>)
      %mul3A_1383 = arith.constant 12 : i32
      %mul3A_1384 = arith.muli %scan3A_1012, %mul3A_1383 : i32
      %add3A_1385 = arith.constant 10 : i32
      %add3A_1386 = arith.addi %mul3A_1384, %add3A_1385 : i32
      %mul3A_1387 = arith.constant 64 : i32
      %mul3A_1388 = arith.muli %add3A_1386, %mul3A_1387 : i32
      %dma_wait3A_1389 = arith.constant 10 : i32
      %dma_wait3A_1390 = arith.constant 10 : i32
      %dma_wait3A_1391 = arith.constant 0 : i32
      %dma_wait3A_1392 = arith.constant 0 : i32
      %dma_wait3A_1393 = tpu.memref_slice %arg6[%dma_wait3A_1389, %dma_wait3A_1391, %dma_wait3A_1392] : memref<12x64x128xf32, #tpu.memory_space<vmem>> -> memref<1x64x128xf32, #tpu.memory_space<vmem>>
      %dma_wait3A_1394 = tpu.memref_squeeze %dma_wait3A_1393 : memref<1x64x128xf32, #tpu.memory_space<vmem>> -> memref<64x128xf32, #tpu.memory_space<vmem>>
      %dma_wait3A_1395 = tpu.memref_slice %arg5[%mul3A_1388] : memref<6400xi32, #tpu.memory_space<vmem>> -> memref<64xi32, #tpu.memory_space<vmem>>
      %dma_wait3A_1396 = arith.constant 0 : i32
      %dma_wait3A_1397 = arith.constant 0 : i32
      %dma_wait3A_1398 = tpu.memref_slice %arg3[%dma_wait3A_1396, %dma_wait3A_1397] : memref<100000x128xf32, #tpu.memory_space<hbm>> -> memref<100000x128xf32, #tpu.memory_space<hbm>>
      %dma_wait3A_1399 = tpu.memref_slice %arg7[%dma_wait3A_1390] : memref<12x!tpu.dma_semaphore, #tpu.memory_space<semaphore_mem>> -> memref<1x!tpu.dma_semaphore, #tpu.memory_space<semaphore_mem>>
      %dma_wait3A_1400 = tpu.memref_squeeze %dma_wait3A_1399 : memref<1x!tpu.dma_semaphore, #tpu.memory_space<semaphore_mem>> -> memref<!tpu.dma_semaphore, #tpu.memory_space<semaphore_mem>>
      tpu.wait_indirect_dma semaphore(%dma_wait3A_1400 : memref<!tpu.dma_semaphore, #tpu.memory_space<semaphore_mem>>) src(%dma_wait3A_1398 : memref<100000x128xf32, #tpu.memory_space<hbm>>) dst(%dma_wait3A_1394 : memref<64x128xf32, #tpu.memory_space<vmem>>)
      %mul3A_1401 = arith.constant 64 : i32
      %mul3A_1402 = arith.muli %add3A_1386, %mul3A_1401 : i32
      %add3A_1403 = arith.addi %mul3A_2, %mul3A_1402 : i32
      %dma_start3A_1404 = arith.constant 10 : i32
      %dma_start3A_1405 = arith.constant 10 : i32
      %dma_start3A_1406 = arith.constant 0 : i32
      %dma_start3A_1407 = arith.constant 0 : i32
      %dma_start3A_1408 = tpu.memref_slice %arg6[%dma_start3A_1404, %dma_start3A_1406, %dma_start3A_1407] : memref<12x64x128xf32, #tpu.memory_space<vmem>> -> memref<1x64x128xf32, #tpu.memory_space<vmem>>
      %dma_start3A_1409 = tpu.memref_squeeze %dma_start3A_1408 : memref<1x64x128xf32, #tpu.memory_space<vmem>> -> memref<64x128xf32, #tpu.memory_space<vmem>>
      %dma_start3A_1410 = arith.constant 0 : i32
      %dma_start3A_1411 = tpu.memref_slice %arg4[%add3A_1403, %dma_start3A_1410] : memref<204800x128xf32, #tpu.memory_space<hbm>> -> memref<64x128xf32, #tpu.memory_space<hbm>>
      %dma_start3A_1412 = tpu.memref_slice %arg8[%dma_start3A_1405] : memref<12x!tpu.dma_semaphore, #tpu.memory_space<semaphore_mem>> -> memref<1x!tpu.dma_semaphore, #tpu.memory_space<semaphore_mem>>
      %dma_start3A_1413 = tpu.memref_squeeze %dma_start3A_1412 : memref<1x!tpu.dma_semaphore, #tpu.memory_space<semaphore_mem>> -> memref<!tpu.dma_semaphore, #tpu.memory_space<semaphore_mem>>
      %dma_start3A_1414 = arith.constant 0 : i32
      %dma_start3A_1415 = tpu.memref_slice %arg4[%add3A_1403, %dma_start3A_1414] : memref<204800x128xf32, #tpu.memory_space<hbm>> -> memref<64x128xf32, #tpu.memory_space<hbm>>
      %dma_start3A_1416 = arith.constant 0 : i32
      %dma_start3A_1417 = arith.constant 0 : i32
      %dma_start3A_1418 = tpu.memref_slice %arg6[%dma_start3A_1404, %dma_start3A_1416, %dma_start3A_1417] : memref<12x64x128xf32, #tpu.memory_space<vmem>> -> memref<1x64x128xf32, #tpu.memory_space<vmem>>
      %dma_start3A_1419 = tpu.memref_squeeze %dma_start3A_1418 : memref<1x64x128xf32, #tpu.memory_space<vmem>> -> memref<64x128xf32, #tpu.memory_space<vmem>>
      tpu.enqueue_dma source(%dma_start3A_1419 : memref<64x128xf32, #tpu.memory_space<vmem>>) target(%dma_start3A_1415 : memref<64x128xf32, #tpu.memory_space<hbm>>) target_semaphore(%dma_start3A_1413 : memref<!tpu.dma_semaphore, #tpu.memory_space<semaphore_mem>>)
      %mul3A_1420 = arith.constant 12 : i32
      %mul3A_1421 = arith.muli %scan3A_1012, %mul3A_1420 : i32
      %add3A_1422 = arith.constant 11 : i32
      %add3A_1423 = arith.addi %mul3A_1421, %add3A_1422 : i32
      %mul3A_1424 = arith.constant 64 : i32
      %mul3A_1425 = arith.muli %add3A_1423, %mul3A_1424 : i32
      %dma_wait3A_1426 = arith.constant 11 : i32
      %dma_wait3A_1427 = arith.constant 11 : i32
      %dma_wait3A_1428 = arith.constant 0 : i32
      %dma_wait3A_1429 = arith.constant 0 : i32
      %dma_wait3A_1430 = tpu.memref_slice %arg6[%dma_wait3A_1426, %dma_wait3A_1428, %dma_wait3A_1429] : memref<12x64x128xf32, #tpu.memory_space<vmem>> -> memref<1x64x128xf32, #tpu.memory_space<vmem>>
      %dma_wait3A_1431 = tpu.memref_squeeze %dma_wait3A_1430 : memref<1x64x128xf32, #tpu.memory_space<vmem>> -> memref<64x128xf32, #tpu.memory_space<vmem>>
      %dma_wait3A_1432 = tpu.memref_slice %arg5[%mul3A_1425] : memref<6400xi32, #tpu.memory_space<vmem>> -> memref<64xi32, #tpu.memory_space<vmem>>
      %dma_wait3A_1433 = arith.constant 0 : i32
      %dma_wait3A_1434 = arith.constant 0 : i32
      %dma_wait3A_1435 = tpu.memref_slice %arg3[%dma_wait3A_1433, %dma_wait3A_1434] : memref<100000x128xf32, #tpu.memory_space<hbm>> -> memref<100000x128xf32, #tpu.memory_space<hbm>>
      %dma_wait3A_1436 = tpu.memref_slice %arg7[%dma_wait3A_1427] : memref<12x!tpu.dma_semaphore, #tpu.memory_space<semaphore_mem>> -> memref<1x!tpu.dma_semaphore, #tpu.memory_space<semaphore_mem>>
      %dma_wait3A_1437 = tpu.memref_squeeze %dma_wait3A_1436 : memref<1x!tpu.dma_semaphore, #tpu.memory_space<semaphore_mem>> -> memref<!tpu.dma_semaphore, #tpu.memory_space<semaphore_mem>>
      tpu.wait_indirect_dma semaphore(%dma_wait3A_1437 : memref<!tpu.dma_semaphore, #tpu.memory_space<semaphore_mem>>) src(%dma_wait3A_1435 : memref<100000x128xf32, #tpu.memory_space<hbm>>) dst(%dma_wait3A_1431 : memref<64x128xf32, #tpu.memory_space<vmem>>)
      %mul3A_1438 = arith.constant 64 : i32
      %mul3A_1439 = arith.muli %add3A_1423, %mul3A_1438 : i32
      %add3A_1440 = arith.addi %mul3A_2, %mul3A_1439 : i32
      %dma_start3A_1441 = arith.constant 11 : i32
      %dma_start3A_1442 = arith.constant 11 : i32
      %dma_start3A_1443 = arith.constant 0 : i32
      %dma_start3A_1444 = arith.constant 0 : i32
      %dma_start3A_1445 = tpu.memref_slice %arg6[%dma_start3A_1441, %dma_start3A_1443, %dma_start3A_1444] : memref<12x64x128xf32, #tpu.memory_space<vmem>> -> memref<1x64x128xf32, #tpu.memory_space<vmem>>
      %dma_start3A_1446 = tpu.memref_squeeze %dma_start3A_1445 : memref<1x64x128xf32, #tpu.memory_space<vmem>> -> memref<64x128xf32, #tpu.memory_space<vmem>>
      %dma_start3A_1447 = arith.constant 0 : i32
      %dma_start3A_1448 = tpu.memref_slice %arg4[%add3A_1440, %dma_start3A_1447] : memref<204800x128xf32, #tpu.memory_space<hbm>> -> memref<64x128xf32, #tpu.memory_space<hbm>>
      %dma_start3A_1449 = tpu.memref_slice %arg8[%dma_start3A_1442] : memref<12x!tpu.dma_semaphore, #tpu.memory_space<semaphore_mem>> -> memref<1x!tpu.dma_semaphore, #tpu.memory_space<semaphore_mem>>
      %dma_start3A_1450 = tpu.memref_squeeze %dma_start3A_1449 : memref<1x!tpu.dma_semaphore, #tpu.memory_space<semaphore_mem>> -> memref<!tpu.dma_semaphore, #tpu.memory_space<semaphore_mem>>
      %dma_start3A_1451 = arith.constant 0 : i32
      %dma_start3A_1452 = tpu.memref_slice %arg4[%add3A_1440, %dma_start3A_1451] : memref<204800x128xf32, #tpu.memory_space<hbm>> -> memref<64x128xf32, #tpu.memory_space<hbm>>
      %dma_start3A_1453 = arith.constant 0 : i32
      %dma_start3A_1454 = arith.constant 0 : i32
      %dma_start3A_1455 = tpu.memref_slice %arg6[%dma_start3A_1441, %dma_start3A_1453, %dma_start3A_1454] : memref<12x64x128xf32, #tpu.memory_space<vmem>> -> memref<1x64x128xf32, #tpu.memory_space<vmem>>
      %dma_start3A_1456 = tpu.memref_squeeze %dma_start3A_1455 : memref<1x64x128xf32, #tpu.memory_space<vmem>> -> memref<64x128xf32, #tpu.memory_space<vmem>>
      tpu.enqueue_dma source(%dma_start3A_1456 : memref<64x128xf32, #tpu.memory_space<vmem>>) target(%dma_start3A_1452 : memref<64x128xf32, #tpu.memory_space<hbm>>) target_semaphore(%dma_start3A_1450 : memref<!tpu.dma_semaphore, #tpu.memory_space<semaphore_mem>>)
      %mul3A_1457 = arith.constant 12 : i32
      %mul3A_1458 = arith.muli %scan3A_1012, %mul3A_1457 : i32
      %add3A_1459 = arith.constant 0 : i32
      %add3A_1460 = arith.addi %mul3A_1458, %add3A_1459 : i32
      %mul3A_1461 = arith.constant 64 : i32
      %mul3A_1462 = arith.muli %add3A_1460, %mul3A_1461 : i32
      %add3A_1463 = arith.addi %mul3A_2, %mul3A_1462 : i32
      %dma_wait3A_1464 = arith.constant 0 : i32
      %dma_wait3A_1465 = arith.constant 0 : i32
      %dma_wait3A_1466 = arith.constant 0 : i32
      %dma_wait3A_1467 = arith.constant 0 : i32
      %dma_wait3A_1468 = tpu.memref_slice %arg6[%dma_wait3A_1464, %dma_wait3A_1466, %dma_wait3A_1467] : memref<12x64x128xf32, #tpu.memory_space<vmem>> -> memref<1x64x128xf32, #tpu.memory_space<vmem>>
      %dma_wait3A_1469 = tpu.memref_squeeze %dma_wait3A_1468 : memref<1x64x128xf32, #tpu.memory_space<vmem>> -> memref<64x128xf32, #tpu.memory_space<vmem>>
      %dma_wait3A_1470 = arith.constant 0 : i32
      %dma_wait3A_1471 = tpu.memref_slice %arg4[%add3A_1463, %dma_wait3A_1470] : memref<204800x128xf32, #tpu.memory_space<hbm>> -> memref<64x128xf32, #tpu.memory_space<hbm>>
      %dma_wait3A_1472 = tpu.memref_slice %arg8[%dma_wait3A_1465] : memref<12x!tpu.dma_semaphore, #tpu.memory_space<semaphore_mem>> -> memref<1x!tpu.dma_semaphore, #tpu.memory_space<semaphore_mem>>
      %dma_wait3A_1473 = tpu.memref_squeeze %dma_wait3A_1472 : memref<1x!tpu.dma_semaphore, #tpu.memory_space<semaphore_mem>> -> memref<!tpu.dma_semaphore, #tpu.memory_space<semaphore_mem>>
      %dma_wait3A_1474 = arith.constant 0 : i32
      %dma_wait3A_1475 = tpu.memref_slice %arg4[%add3A_1463, %dma_wait3A_1474] : memref<204800x128xf32, #tpu.memory_space<hbm>> -> memref<64x128xf32, #tpu.memory_space<hbm>>
      %dma_wait3A_1476 = arith.constant 0 : i32
      %dma_wait3A_1477 = arith.constant 0 : i32
      %dma_wait3A_1478 = tpu.memref_slice %arg6[%dma_wait3A_1464, %dma_wait3A_1476, %dma_wait3A_1477] : memref<12x64x128xf32, #tpu.memory_space<vmem>> -> memref<1x64x128xf32, #tpu.memory_space<vmem>>
      %dma_wait3A_1479 = tpu.memref_squeeze %dma_wait3A_1478 : memref<1x64x128xf32, #tpu.memory_space<vmem>> -> memref<64x128xf32, #tpu.memory_space<vmem>>
      tpu.wait_dma2 semaphore(%dma_wait3A_1473 : memref<!tpu.dma_semaphore, #tpu.memory_space<semaphore_mem>>) src(%dma_wait3A_1479 : memref<64x128xf32, #tpu.memory_space<vmem>>) dst(%dma_wait3A_1475 : memref<64x128xf32, #tpu.memory_space<hbm>>)
      %add3A_1480 = arith.constant 12 : i32
      %add3A_1481 = arith.addi %add3A_1460, %add3A_1480 : i32
      %mul3A_1482 = arith.constant 64 : i32
      %mul3A_1483 = arith.muli %add3A_1481, %mul3A_1482 : i32
      %dma_start3A_1484 = arith.constant 0 : i32
      %dma_start3A_1485 = arith.constant 0 : i32
      %dma_start3A_1486 = arith.constant 0 : i32
      %dma_start3A_1487 = arith.constant 0 : i32
      %dma_start3A_1488 = tpu.memref_slice %arg6[%dma_start3A_1484, %dma_start3A_1486, %dma_start3A_1487] : memref<12x64x128xf32, #tpu.memory_space<vmem>> -> memref<1x64x128xf32, #tpu.memory_space<vmem>>
      %dma_start3A_1489 = tpu.memref_squeeze %dma_start3A_1488 : memref<1x64x128xf32, #tpu.memory_space<vmem>> -> memref<64x128xf32, #tpu.memory_space<vmem>>
      %dma_start3A_1490 = tpu.memref_slice %arg5[%mul3A_1483] : memref<6400xi32, #tpu.memory_space<vmem>> -> memref<64xi32, #tpu.memory_space<vmem>>
      %dma_start3A_1491 = arith.constant 0 : i32
      %dma_start3A_1492 = arith.constant 0 : i32
      %dma_start3A_1493 = tpu.memref_slice %arg3[%dma_start3A_1491, %dma_start3A_1492] : memref<100000x128xf32, #tpu.memory_space<hbm>> -> memref<100000x128xf32, #tpu.memory_space<hbm>>
      %dma_start3A_1494 = tpu.memref_slice %arg7[%dma_start3A_1485] : memref<12x!tpu.dma_semaphore, #tpu.memory_space<semaphore_mem>> -> memref<1x!tpu.dma_semaphore, #tpu.memory_space<semaphore_mem>>
      %dma_start3A_1495 = tpu.memref_squeeze %dma_start3A_1494 : memref<1x!tpu.dma_semaphore, #tpu.memory_space<semaphore_mem>> -> memref<!tpu.dma_semaphore, #tpu.memory_space<semaphore_mem>>
      tpu.enqueue_indirect_dma source(%dma_start3A_1493 : memref<100000x128xf32, #tpu.memory_space<hbm>>) target(%dma_start3A_1489 : memref<64x128xf32, #tpu.memory_space<vmem>>) offsets(%dma_start3A_1490 : memref<64xi32, #tpu.memory_space<vmem>>) semaphore(%dma_start3A_1495 : memref<!tpu.dma_semaphore, #tpu.memory_space<semaphore_mem>>)
      %mul3A_1496 = arith.constant 12 : i32
      %mul3A_1497 = arith.muli %scan3A_1012, %mul3A_1496 : i32
      %add3A_1498 = arith.constant 1 : i32
      %add3A_1499 = arith.addi %mul3A_1497, %add3A_1498 : i32
      %mul3A_1500 = arith.constant 64 : i32
      %mul3A_1501 = arith.muli %add3A_1499, %mul3A_1500 : i32
      %add3A_1502 = arith.addi %mul3A_2, %mul3A_1501 : i32
      %dma_wait3A_1503 = arith.constant 1 : i32
      %dma_wait3A_1504 = arith.constant 1 : i32
      %dma_wait3A_1505 = arith.constant 0 : i32
      %dma_wait3A_1506 = arith.constant 0 : i32
      %dma_wait3A_1507 = tpu.memref_slice %arg6[%dma_wait3A_1503, %dma_wait3A_1505, %dma_wait3A_1506] : memref<12x64x128xf32, #tpu.memory_space<vmem>> -> memref<1x64x128xf32, #tpu.memory_space<vmem>>
      %dma_wait3A_1508 = tpu.memref_squeeze %dma_wait3A_1507 : memref<1x64x128xf32, #tpu.memory_space<vmem>> -> memref<64x128xf32, #tpu.memory_space<vmem>>
      %dma_wait3A_1509 = arith.constant 0 : i32
      %dma_wait3A_1510 = tpu.memref_slice %arg4[%add3A_1502, %dma_wait3A_1509] : memref<204800x128xf32, #tpu.memory_space<hbm>> -> memref<64x128xf32, #tpu.memory_space<hbm>>
      %dma_wait3A_1511 = tpu.memref_slice %arg8[%dma_wait3A_1504] : memref<12x!tpu.dma_semaphore, #tpu.memory_space<semaphore_mem>> -> memref<1x!tpu.dma_semaphore, #tpu.memory_space<semaphore_mem>>
      %dma_wait3A_1512 = tpu.memref_squeeze %dma_wait3A_1511 : memref<1x!tpu.dma_semaphore, #tpu.memory_space<semaphore_mem>> -> memref<!tpu.dma_semaphore, #tpu.memory_space<semaphore_mem>>
      %dma_wait3A_1513 = arith.constant 0 : i32
      %dma_wait3A_1514 = tpu.memref_slice %arg4[%add3A_1502, %dma_wait3A_1513] : memref<204800x128xf32, #tpu.memory_space<hbm>> -> memref<64x128xf32, #tpu.memory_space<hbm>>
      %dma_wait3A_1515 = arith.constant 0 : i32
      %dma_wait3A_1516 = arith.constant 0 : i32
      %dma_wait3A_1517 = tpu.memref_slice %arg6[%dma_wait3A_1503, %dma_wait3A_1515, %dma_wait3A_1516] : memref<12x64x128xf32, #tpu.memory_space<vmem>> -> memref<1x64x128xf32, #tpu.memory_space<vmem>>
      %dma_wait3A_1518 = tpu.memref_squeeze %dma_wait3A_1517 : memref<1x64x128xf32, #tpu.memory_space<vmem>> -> memref<64x128xf32, #tpu.memory_space<vmem>>
      tpu.wait_dma2 semaphore(%dma_wait3A_1512 : memref<!tpu.dma_semaphore, #tpu.memory_space<semaphore_mem>>) src(%dma_wait3A_1518 : memref<64x128xf32, #tpu.memory_space<vmem>>) dst(%dma_wait3A_1514 : memref<64x128xf32, #tpu.memory_space<hbm>>)
      %add3A_1519 = arith.constant 12 : i32
      %add3A_1520 = arith.addi %add3A_1499, %add3A_1519 : i32
      %mul3A_1521 = arith.constant 64 : i32
      %mul3A_1522 = arith.muli %add3A_1520, %mul3A_1521 : i32
      %dma_start3A_1523 = arith.constant 1 : i32
      %dma_start3A_1524 = arith.constant 1 : i32
      %dma_start3A_1525 = arith.constant 0 : i32
      %dma_start3A_1526 = arith.constant 0 : i32
      %dma_start3A_1527 = tpu.memref_slice %arg6[%dma_start3A_1523, %dma_start3A_1525, %dma_start3A_1526] : memref<12x64x128xf32, #tpu.memory_space<vmem>> -> memref<1x64x128xf32, #tpu.memory_space<vmem>>
      %dma_start3A_1528 = tpu.memref_squeeze %dma_start3A_1527 : memref<1x64x128xf32, #tpu.memory_space<vmem>> -> memref<64x128xf32, #tpu.memory_space<vmem>>
      %dma_start3A_1529 = tpu.memref_slice %arg5[%mul3A_1522] : memref<6400xi32, #tpu.memory_space<vmem>> -> memref<64xi32, #tpu.memory_space<vmem>>
      %dma_start3A_1530 = arith.constant 0 : i32
      %dma_start3A_1531 = arith.constant 0 : i32
      %dma_start3A_1532 = tpu.memref_slice %arg3[%dma_start3A_1530, %dma_start3A_1531] : memref<100000x128xf32, #tpu.memory_space<hbm>> -> memref<100000x128xf32, #tpu.memory_space<hbm>>
      %dma_start3A_1533 = tpu.memref_slice %arg7[%dma_start3A_1524] : memref<12x!tpu.dma_semaphore, #tpu.memory_space<semaphore_mem>> -> memref<1x!tpu.dma_semaphore, #tpu.memory_space<semaphore_mem>>
      %dma_start3A_1534 = tpu.memref_squeeze %dma_start3A_1533 : memref<1x!tpu.dma_semaphore, #tpu.memory_space<semaphore_mem>> -> memref<!tpu.dma_semaphore, #tpu.memory_space<semaphore_mem>>
      tpu.enqueue_indirect_dma source(%dma_start3A_1532 : memref<100000x128xf32, #tpu.memory_space<hbm>>) target(%dma_start3A_1528 : memref<64x128xf32, #tpu.memory_space<vmem>>) offsets(%dma_start3A_1529 : memref<64xi32, #tpu.memory_space<vmem>>) semaphore(%dma_start3A_1534 : memref<!tpu.dma_semaphore, #tpu.memory_space<semaphore_mem>>)
      %mul3A_1535 = arith.constant 12 : i32
      %mul3A_1536 = arith.muli %scan3A_1012, %mul3A_1535 : i32
      %add3A_1537 = arith.constant 2 : i32
      %add3A_1538 = arith.addi %mul3A_1536, %add3A_1537 : i32
      %mul3A_1539 = arith.constant 64 : i32
      %mul3A_1540 = arith.muli %add3A_1538, %mul3A_1539 : i32
      %add3A_1541 = arith.addi %mul3A_2, %mul3A_1540 : i32
      %dma_wait3A_1542 = arith.constant 2 : i32
      %dma_wait3A_1543 = arith.constant 2 : i32
      %dma_wait3A_1544 = arith.constant 0 : i32
      %dma_wait3A_1545 = arith.constant 0 : i32
      %dma_wait3A_1546 = tpu.memref_slice %arg6[%dma_wait3A_1542, %dma_wait3A_1544, %dma_wait3A_1545] : memref<12x64x128xf32, #tpu.memory_space<vmem>> -> memref<1x64x128xf32, #tpu.memory_space<vmem>>
      %dma_wait3A_1547 = tpu.memref_squeeze %dma_wait3A_1546 : memref<1x64x128xf32, #tpu.memory_space<vmem>> -> memref<64x128xf32, #tpu.memory_space<vmem>>
      %dma_wait3A_1548 = arith.constant 0 : i32
      %dma_wait3A_1549 = tpu.memref_slice %arg4[%add3A_1541, %dma_wait3A_1548] : memref<204800x128xf32, #tpu.memory_space<hbm>> -> memref<64x128xf32, #tpu.memory_space<hbm>>
      %dma_wait3A_1550 = tpu.memref_slice %arg8[%dma_wait3A_1543] : memref<12x!tpu.dma_semaphore, #tpu.memory_space<semaphore_mem>> -> memref<1x!tpu.dma_semaphore, #tpu.memory_space<semaphore_mem>>
      %dma_wait3A_1551 = tpu.memref_squeeze %dma_wait3A_1550 : memref<1x!tpu.dma_semaphore, #tpu.memory_space<semaphore_mem>> -> memref<!tpu.dma_semaphore, #tpu.memory_space<semaphore_mem>>
      %dma_wait3A_1552 = arith.constant 0 : i32
      %dma_wait3A_1553 = tpu.memref_slice %arg4[%add3A_1541, %dma_wait3A_1552] : memref<204800x128xf32, #tpu.memory_space<hbm>> -> memref<64x128xf32, #tpu.memory_space<hbm>>
      %dma_wait3A_1554 = arith.constant 0 : i32
      %dma_wait3A_1555 = arith.constant 0 : i32
      %dma_wait3A_1556 = tpu.memref_slice %arg6[%dma_wait3A_1542, %dma_wait3A_1554, %dma_wait3A_1555] : memref<12x64x128xf32, #tpu.memory_space<vmem>> -> memref<1x64x128xf32, #tpu.memory_space<vmem>>
      %dma_wait3A_1557 = tpu.memref_squeeze %dma_wait3A_1556 : memref<1x64x128xf32, #tpu.memory_space<vmem>> -> memref<64x128xf32, #tpu.memory_space<vmem>>
      tpu.wait_dma2 semaphore(%dma_wait3A_1551 : memref<!tpu.dma_semaphore, #tpu.memory_space<semaphore_mem>>) src(%dma_wait3A_1557 : memref<64x128xf32, #tpu.memory_space<vmem>>) dst(%dma_wait3A_1553 : memref<64x128xf32, #tpu.memory_space<hbm>>)
      %add3A_1558 = arith.constant 12 : i32
      %add3A_1559 = arith.addi %add3A_1538, %add3A_1558 : i32
      %mul3A_1560 = arith.constant 64 : i32
      %mul3A_1561 = arith.muli %add3A_1559, %mul3A_1560 : i32
      %dma_start3A_1562 = arith.constant 2 : i32
      %dma_start3A_1563 = arith.constant 2 : i32
      %dma_start3A_1564 = arith.constant 0 : i32
      %dma_start3A_1565 = arith.constant 0 : i32
      %dma_start3A_1566 = tpu.memref_slice %arg6[%dma_start3A_1562, %dma_start3A_1564, %dma_start3A_1565] : memref<12x64x128xf32, #tpu.memory_space<vmem>> -> memref<1x64x128xf32, #tpu.memory_space<vmem>>
      %dma_start3A_1567 = tpu.memref_squeeze %dma_start3A_1566 : memref<1x64x128xf32, #tpu.memory_space<vmem>> -> memref<64x128xf32, #tpu.memory_space<vmem>>
      %dma_start3A_1568 = tpu.memref_slice %arg5[%mul3A_1561] : memref<6400xi32, #tpu.memory_space<vmem>> -> memref<64xi32, #tpu.memory_space<vmem>>
      %dma_start3A_1569 = arith.constant 0 : i32
      %dma_start3A_1570 = arith.constant 0 : i32
      %dma_start3A_1571 = tpu.memref_slice %arg3[%dma_start3A_1569, %dma_start3A_1570] : memref<100000x128xf32, #tpu.memory_space<hbm>> -> memref<100000x128xf32, #tpu.memory_space<hbm>>
      %dma_start3A_1572 = tpu.memref_slice %arg7[%dma_start3A_1563] : memref<12x!tpu.dma_semaphore, #tpu.memory_space<semaphore_mem>> -> memref<1x!tpu.dma_semaphore, #tpu.memory_space<semaphore_mem>>
      %dma_start3A_1573 = tpu.memref_squeeze %dma_start3A_1572 : memref<1x!tpu.dma_semaphore, #tpu.memory_space<semaphore_mem>> -> memref<!tpu.dma_semaphore, #tpu.memory_space<semaphore_mem>>
      tpu.enqueue_indirect_dma source(%dma_start3A_1571 : memref<100000x128xf32, #tpu.memory_space<hbm>>) target(%dma_start3A_1567 : memref<64x128xf32, #tpu.memory_space<vmem>>) offsets(%dma_start3A_1568 : memref<64xi32, #tpu.memory_space<vmem>>) semaphore(%dma_start3A_1573 : memref<!tpu.dma_semaphore, #tpu.memory_space<semaphore_mem>>)
      %mul3A_1574 = arith.constant 12 : i32
      %mul3A_1575 = arith.muli %scan3A_1012, %mul3A_1574 : i32
      %add3A_1576 = arith.constant 3 : i32
      %add3A_1577 = arith.addi %mul3A_1575, %add3A_1576 : i32
      %mul3A_1578 = arith.constant 64 : i32
      %mul3A_1579 = arith.muli %add3A_1577, %mul3A_1578 : i32
      %add3A_1580 = arith.addi %mul3A_2, %mul3A_1579 : i32
      %dma_wait3A_1581 = arith.constant 3 : i32
      %dma_wait3A_1582 = arith.constant 3 : i32
      %dma_wait3A_1583 = arith.constant 0 : i32
      %dma_wait3A_1584 = arith.constant 0 : i32
      %dma_wait3A_1585 = tpu.memref_slice %arg6[%dma_wait3A_1581, %dma_wait3A_1583, %dma_wait3A_1584] : memref<12x64x128xf32, #tpu.memory_space<vmem>> -> memref<1x64x128xf32, #tpu.memory_space<vmem>>
      %dma_wait3A_1586 = tpu.memref_squeeze %dma_wait3A_1585 : memref<1x64x128xf32, #tpu.memory_space<vmem>> -> memref<64x128xf32, #tpu.memory_space<vmem>>
      %dma_wait3A_1587 = arith.constant 0 : i32
      %dma_wait3A_1588 = tpu.memref_slice %arg4[%add3A_1580, %dma_wait3A_1587] : memref<204800x128xf32, #tpu.memory_space<hbm>> -> memref<64x128xf32, #tpu.memory_space<hbm>>
      %dma_wait3A_1589 = tpu.memref_slice %arg8[%dma_wait3A_1582] : memref<12x!tpu.dma_semaphore, #tpu.memory_space<semaphore_mem>> -> memref<1x!tpu.dma_semaphore, #tpu.memory_space<semaphore_mem>>
      %dma_wait3A_1590 = tpu.memref_squeeze %dma_wait3A_1589 : memref<1x!tpu.dma_semaphore, #tpu.memory_space<semaphore_mem>> -> memref<!tpu.dma_semaphore, #tpu.memory_space<semaphore_mem>>
      %dma_wait3A_1591 = arith.constant 0 : i32
      %dma_wait3A_1592 = tpu.memref_slice %arg4[%add3A_1580, %dma_wait3A_1591] : memref<204800x128xf32, #tpu.memory_space<hbm>> -> memref<64x128xf32, #tpu.memory_space<hbm>>
      %dma_wait3A_1593 = arith.constant 0 : i32
      %dma_wait3A_1594 = arith.constant 0 : i32
      %dma_wait3A_1595 = tpu.memref_slice %arg6[%dma_wait3A_1581, %dma_wait3A_1593, %dma_wait3A_1594] : memref<12x64x128xf32, #tpu.memory_space<vmem>> -> memref<1x64x128xf32, #tpu.memory_space<vmem>>
      %dma_wait3A_1596 = tpu.memref_squeeze %dma_wait3A_1595 : memref<1x64x128xf32, #tpu.memory_space<vmem>> -> memref<64x128xf32, #tpu.memory_space<vmem>>
      tpu.wait_dma2 semaphore(%dma_wait3A_1590 : memref<!tpu.dma_semaphore, #tpu.memory_space<semaphore_mem>>) src(%dma_wait3A_1596 : memref<64x128xf32, #tpu.memory_space<vmem>>) dst(%dma_wait3A_1592 : memref<64x128xf32, #tpu.memory_space<hbm>>)
      %add3A_1597 = arith.constant 12 : i32
      %add3A_1598 = arith.addi %add3A_1577, %add3A_1597 : i32
      %mul3A_1599 = arith.constant 64 : i32
      %mul3A_1600 = arith.muli %add3A_1598, %mul3A_1599 : i32
      %dma_start3A_1601 = arith.constant 3 : i32
      %dma_start3A_1602 = arith.constant 3 : i32
      %dma_start3A_1603 = arith.constant 0 : i32
      %dma_start3A_1604 = arith.constant 0 : i32
      %dma_start3A_1605 = tpu.memref_slice %arg6[%dma_start3A_1601, %dma_start3A_1603, %dma_start3A_1604] : memref<12x64x128xf32, #tpu.memory_space<vmem>> -> memref<1x64x128xf32, #tpu.memory_space<vmem>>
      %dma_start3A_1606 = tpu.memref_squeeze %dma_start3A_1605 : memref<1x64x128xf32, #tpu.memory_space<vmem>> -> memref<64x128xf32, #tpu.memory_space<vmem>>
      %dma_start3A_1607 = tpu.memref_slice %arg5[%mul3A_1600] : memref<6400xi32, #tpu.memory_space<vmem>> -> memref<64xi32, #tpu.memory_space<vmem>>
      %dma_start3A_1608 = arith.constant 0 : i32
      %dma_start3A_1609 = arith.constant 0 : i32
      %dma_start3A_1610 = tpu.memref_slice %arg3[%dma_start3A_1608, %dma_start3A_1609] : memref<100000x128xf32, #tpu.memory_space<hbm>> -> memref<100000x128xf32, #tpu.memory_space<hbm>>
      %dma_start3A_1611 = tpu.memref_slice %arg7[%dma_start3A_1602] : memref<12x!tpu.dma_semaphore, #tpu.memory_space<semaphore_mem>> -> memref<1x!tpu.dma_semaphore, #tpu.memory_space<semaphore_mem>>
      %dma_start3A_1612 = tpu.memref_squeeze %dma_start3A_1611 : memref<1x!tpu.dma_semaphore, #tpu.memory_space<semaphore_mem>> -> memref<!tpu.dma_semaphore, #tpu.memory_space<semaphore_mem>>
      tpu.enqueue_indirect_dma source(%dma_start3A_1610 : memref<100000x128xf32, #tpu.memory_space<hbm>>) target(%dma_start3A_1606 : memref<64x128xf32, #tpu.memory_space<vmem>>) offsets(%dma_start3A_1607 : memref<64xi32, #tpu.memory_space<vmem>>) semaphore(%dma_start3A_1612 : memref<!tpu.dma_semaphore, #tpu.memory_space<semaphore_mem>>)
      %mul3A_1613 = arith.constant 12 : i32
      %mul3A_1614 = arith.muli %scan3A_1012, %mul3A_1613 : i32
      %add3A_1615 = arith.constant 4 : i32
      %add3A_1616 = arith.addi %mul3A_1614, %add3A_1615 : i32
      %mul3A_1617 = arith.constant 64 : i32
      %mul3A_1618 = arith.muli %add3A_1616, %mul3A_1617 : i32
      %add3A_1619 = arith.addi %mul3A_2, %mul3A_1618 : i32
      %dma_wait3A_1620 = arith.constant 4 : i32
      %dma_wait3A_1621 = arith.constant 4 : i32
      %dma_wait3A_1622 = arith.constant 0 : i32
      %dma_wait3A_1623 = arith.constant 0 : i32
      %dma_wait3A_1624 = tpu.memref_slice %arg6[%dma_wait3A_1620, %dma_wait3A_1622, %dma_wait3A_1623] : memref<12x64x128xf32, #tpu.memory_space<vmem>> -> memref<1x64x128xf32, #tpu.memory_space<vmem>>
      %dma_wait3A_1625 = tpu.memref_squeeze %dma_wait3A_1624 : memref<1x64x128xf32, #tpu.memory_space<vmem>> -> memref<64x128xf32, #tpu.memory_space<vmem>>
      %dma_wait3A_1626 = arith.constant 0 : i32
      %dma_wait3A_1627 = tpu.memref_slice %arg4[%add3A_1619, %dma_wait3A_1626] : memref<204800x128xf32, #tpu.memory_space<hbm>> -> memref<64x128xf32, #tpu.memory_space<hbm>>
      %dma_wait3A_1628 = tpu.memref_slice %arg8[%dma_wait3A_1621] : memref<12x!tpu.dma_semaphore, #tpu.memory_space<semaphore_mem>> -> memref<1x!tpu.dma_semaphore, #tpu.memory_space<semaphore_mem>>
      %dma_wait3A_1629 = tpu.memref_squeeze %dma_wait3A_1628 : memref<1x!tpu.dma_semaphore, #tpu.memory_space<semaphore_mem>> -> memref<!tpu.dma_semaphore, #tpu.memory_space<semaphore_mem>>
      %dma_wait3A_1630 = arith.constant 0 : i32
      %dma_wait3A_1631 = tpu.memref_slice %arg4[%add3A_1619, %dma_wait3A_1630] : memref<204800x128xf32, #tpu.memory_space<hbm>> -> memref<64x128xf32, #tpu.memory_space<hbm>>
      %dma_wait3A_1632 = arith.constant 0 : i32
      %dma_wait3A_1633 = arith.constant 0 : i32
      %dma_wait3A_1634 = tpu.memref_slice %arg6[%dma_wait3A_1620, %dma_wait3A_1632, %dma_wait3A_1633] : memref<12x64x128xf32, #tpu.memory_space<vmem>> -> memref<1x64x128xf32, #tpu.memory_space<vmem>>
      %dma_wait3A_1635 = tpu.memref_squeeze %dma_wait3A_1634 : memref<1x64x128xf32, #tpu.memory_space<vmem>> -> memref<64x128xf32, #tpu.memory_space<vmem>>
      tpu.wait_dma2 semaphore(%dma_wait3A_1629 : memref<!tpu.dma_semaphore, #tpu.memory_space<semaphore_mem>>) src(%dma_wait3A_1635 : memref<64x128xf32, #tpu.memory_space<vmem>>) dst(%dma_wait3A_1631 : memref<64x128xf32, #tpu.memory_space<hbm>>)
      %add3A_1636 = arith.constant 12 : i32
      %add3A_1637 = arith.addi %add3A_1616, %add3A_1636 : i32
      %mul3A_1638 = arith.constant 64 : i32
      %mul3A_1639 = arith.muli %add3A_1637, %mul3A_1638 : i32
      %dma_start3A_1640 = arith.constant 4 : i32
      %dma_start3A_1641 = arith.constant 4 : i32
      %dma_start3A_1642 = arith.constant 0 : i32
      %dma_start3A_1643 = arith.constant 0 : i32
      %dma_start3A_1644 = tpu.memref_slice %arg6[%dma_start3A_1640, %dma_start3A_1642, %dma_start3A_1643] : memref<12x64x128xf32, #tpu.memory_space<vmem>> -> memref<1x64x128xf32, #tpu.memory_space<vmem>>
      %dma_start3A_1645 = tpu.memref_squeeze %dma_start3A_1644 : memref<1x64x128xf32, #tpu.memory_space<vmem>> -> memref<64x128xf32, #tpu.memory_space<vmem>>
      %dma_start3A_1646 = tpu.memref_slice %arg5[%mul3A_1639] : memref<6400xi32, #tpu.memory_space<vmem>> -> memref<64xi32, #tpu.memory_space<vmem>>
      %dma_start3A_1647 = arith.constant 0 : i32
      %dma_start3A_1648 = arith.constant 0 : i32
      %dma_start3A_1649 = tpu.memref_slice %arg3[%dma_start3A_1647, %dma_start3A_1648] : memref<100000x128xf32, #tpu.memory_space<hbm>> -> memref<100000x128xf32, #tpu.memory_space<hbm>>
      %dma_start3A_1650 = tpu.memref_slice %arg7[%dma_start3A_1641] : memref<12x!tpu.dma_semaphore, #tpu.memory_space<semaphore_mem>> -> memref<1x!tpu.dma_semaphore, #tpu.memory_space<semaphore_mem>>
      %dma_start3A_1651 = tpu.memref_squeeze %dma_start3A_1650 : memref<1x!tpu.dma_semaphore, #tpu.memory_space<semaphore_mem>> -> memref<!tpu.dma_semaphore, #tpu.memory_space<semaphore_mem>>
      tpu.enqueue_indirect_dma source(%dma_start3A_1649 : memref<100000x128xf32, #tpu.memory_space<hbm>>) target(%dma_start3A_1645 : memref<64x128xf32, #tpu.memory_space<vmem>>) offsets(%dma_start3A_1646 : memref<64xi32, #tpu.memory_space<vmem>>) semaphore(%dma_start3A_1651 : memref<!tpu.dma_semaphore, #tpu.memory_space<semaphore_mem>>)
      %mul3A_1652 = arith.constant 12 : i32
      %mul3A_1653 = arith.muli %scan3A_1012, %mul3A_1652 : i32
      %add3A_1654 = arith.constant 5 : i32
      %add3A_1655 = arith.addi %mul3A_1653, %add3A_1654 : i32
      %mul3A_1656 = arith.constant 64 : i32
      %mul3A_1657 = arith.muli %add3A_1655, %mul3A_1656 : i32
      %add3A_1658 = arith.addi %mul3A_2, %mul3A_1657 : i32
      %dma_wait3A_1659 = arith.constant 5 : i32
      %dma_wait3A_1660 = arith.constant 5 : i32
      %dma_wait3A_1661 = arith.constant 0 : i32
      %dma_wait3A_1662 = arith.constant 0 : i32
      %dma_wait3A_1663 = tpu.memref_slice %arg6[%dma_wait3A_1659, %dma_wait3A_1661, %dma_wait3A_1662] : memref<12x64x128xf32, #tpu.memory_space<vmem>> -> memref<1x64x128xf32, #tpu.memory_space<vmem>>
      %dma_wait3A_1664 = tpu.memref_squeeze %dma_wait3A_1663 : memref<1x64x128xf32, #tpu.memory_space<vmem>> -> memref<64x128xf32, #tpu.memory_space<vmem>>
      %dma_wait3A_1665 = arith.constant 0 : i32
      %dma_wait3A_1666 = tpu.memref_slice %arg4[%add3A_1658, %dma_wait3A_1665] : memref<204800x128xf32, #tpu.memory_space<hbm>> -> memref<64x128xf32, #tpu.memory_space<hbm>>
      %dma_wait3A_1667 = tpu.memref_slice %arg8[%dma_wait3A_1660] : memref<12x!tpu.dma_semaphore, #tpu.memory_space<semaphore_mem>> -> memref<1x!tpu.dma_semaphore, #tpu.memory_space<semaphore_mem>>
      %dma_wait3A_1668 = tpu.memref_squeeze %dma_wait3A_1667 : memref<1x!tpu.dma_semaphore, #tpu.memory_space<semaphore_mem>> -> memref<!tpu.dma_semaphore, #tpu.memory_space<semaphore_mem>>
      %dma_wait3A_1669 = arith.constant 0 : i32
      %dma_wait3A_1670 = tpu.memref_slice %arg4[%add3A_1658, %dma_wait3A_1669] : memref<204800x128xf32, #tpu.memory_space<hbm>> -> memref<64x128xf32, #tpu.memory_space<hbm>>
      %dma_wait3A_1671 = arith.constant 0 : i32
      %dma_wait3A_1672 = arith.constant 0 : i32
      %dma_wait3A_1673 = tpu.memref_slice %arg6[%dma_wait3A_1659, %dma_wait3A_1671, %dma_wait3A_1672] : memref<12x64x128xf32, #tpu.memory_space<vmem>> -> memref<1x64x128xf32, #tpu.memory_space<vmem>>
      %dma_wait3A_1674 = tpu.memref_squeeze %dma_wait3A_1673 : memref<1x64x128xf32, #tpu.memory_space<vmem>> -> memref<64x128xf32, #tpu.memory_space<vmem>>
      tpu.wait_dma2 semaphore(%dma_wait3A_1668 : memref<!tpu.dma_semaphore, #tpu.memory_space<semaphore_mem>>) src(%dma_wait3A_1674 : memref<64x128xf32, #tpu.memory_space<vmem>>) dst(%dma_wait3A_1670 : memref<64x128xf32, #tpu.memory_space<hbm>>)
      %add3A_1675 = arith.constant 12 : i32
      %add3A_1676 = arith.addi %add3A_1655, %add3A_1675 : i32
      %mul3A_1677 = arith.constant 64 : i32
      %mul3A_1678 = arith.muli %add3A_1676, %mul3A_1677 : i32
      %dma_start3A_1679 = arith.constant 5 : i32
      %dma_start3A_1680 = arith.constant 5 : i32
      %dma_start3A_1681 = arith.constant 0 : i32
      %dma_start3A_1682 = arith.constant 0 : i32
      %dma_start3A_1683 = tpu.memref_slice %arg6[%dma_start3A_1679, %dma_start3A_1681, %dma_start3A_1682] : memref<12x64x128xf32, #tpu.memory_space<vmem>> -> memref<1x64x128xf32, #tpu.memory_space<vmem>>
      %dma_start3A_1684 = tpu.memref_squeeze %dma_start3A_1683 : memref<1x64x128xf32, #tpu.memory_space<vmem>> -> memref<64x128xf32, #tpu.memory_space<vmem>>
      %dma_start3A_1685 = tpu.memref_slice %arg5[%mul3A_1678] : memref<6400xi32, #tpu.memory_space<vmem>> -> memref<64xi32, #tpu.memory_space<vmem>>
      %dma_start3A_1686 = arith.constant 0 : i32
      %dma_start3A_1687 = arith.constant 0 : i32
      %dma_start3A_1688 = tpu.memref_slice %arg3[%dma_start3A_1686, %dma_start3A_1687] : memref<100000x128xf32, #tpu.memory_space<hbm>> -> memref<100000x128xf32, #tpu.memory_space<hbm>>
      %dma_start3A_1689 = tpu.memref_slice %arg7[%dma_start3A_1680] : memref<12x!tpu.dma_semaphore, #tpu.memory_space<semaphore_mem>> -> memref<1x!tpu.dma_semaphore, #tpu.memory_space<semaphore_mem>>
      %dma_start3A_1690 = tpu.memref_squeeze %dma_start3A_1689 : memref<1x!tpu.dma_semaphore, #tpu.memory_space<semaphore_mem>> -> memref<!tpu.dma_semaphore, #tpu.memory_space<semaphore_mem>>
      tpu.enqueue_indirect_dma source(%dma_start3A_1688 : memref<100000x128xf32, #tpu.memory_space<hbm>>) target(%dma_start3A_1684 : memref<64x128xf32, #tpu.memory_space<vmem>>) offsets(%dma_start3A_1685 : memref<64xi32, #tpu.memory_space<vmem>>) semaphore(%dma_start3A_1690 : memref<!tpu.dma_semaphore, #tpu.memory_space<semaphore_mem>>)
      %mul3A_1691 = arith.constant 12 : i32
      %mul3A_1692 = arith.muli %scan3A_1012, %mul3A_1691 : i32
      %add3A_1693 = arith.constant 6 : i32
      %add3A_1694 = arith.addi %mul3A_1692, %add3A_1693 : i32
      %mul3A_1695 = arith.constant 64 : i32
      %mul3A_1696 = arith.muli %add3A_1694, %mul3A_1695 : i32
      %add3A_1697 = arith.addi %mul3A_2, %mul3A_1696 : i32
      %dma_wait3A_1698 = arith.constant 6 : i32
      %dma_wait3A_1699 = arith.constant 6 : i32
      %dma_wait3A_1700 = arith.constant 0 : i32
      %dma_wait3A_1701 = arith.constant 0 : i32
      %dma_wait3A_1702 = tpu.memref_slice %arg6[%dma_wait3A_1698, %dma_wait3A_1700, %dma_wait3A_1701] : memref<12x64x128xf32, #tpu.memory_space<vmem>> -> memref<1x64x128xf32, #tpu.memory_space<vmem>>
      %dma_wait3A_1703 = tpu.memref_squeeze %dma_wait3A_1702 : memref<1x64x128xf32, #tpu.memory_space<vmem>> -> memref<64x128xf32, #tpu.memory_space<vmem>>
      %dma_wait3A_1704 = arith.constant 0 : i32
      %dma_wait3A_1705 = tpu.memref_slice %arg4[%add3A_1697, %dma_wait3A_1704] : memref<204800x128xf32, #tpu.memory_space<hbm>> -> memref<64x128xf32, #tpu.memory_space<hbm>>
      %dma_wait3A_1706 = tpu.memref_slice %arg8[%dma_wait3A_1699] : memref<12x!tpu.dma_semaphore, #tpu.memory_space<semaphore_mem>> -> memref<1x!tpu.dma_semaphore, #tpu.memory_space<semaphore_mem>>
      %dma_wait3A_1707 = tpu.memref_squeeze %dma_wait3A_1706 : memref<1x!tpu.dma_semaphore, #tpu.memory_space<semaphore_mem>> -> memref<!tpu.dma_semaphore, #tpu.memory_space<semaphore_mem>>
      %dma_wait3A_1708 = arith.constant 0 : i32
      %dma_wait3A_1709 = tpu.memref_slice %arg4[%add3A_1697, %dma_wait3A_1708] : memref<204800x128xf32, #tpu.memory_space<hbm>> -> memref<64x128xf32, #tpu.memory_space<hbm>>
      %dma_wait3A_1710 = arith.constant 0 : i32
      %dma_wait3A_1711 = arith.constant 0 : i32
      %dma_wait3A_1712 = tpu.memref_slice %arg6[%dma_wait3A_1698, %dma_wait3A_1710, %dma_wait3A_1711] : memref<12x64x128xf32, #tpu.memory_space<vmem>> -> memref<1x64x128xf32, #tpu.memory_space<vmem>>
      %dma_wait3A_1713 = tpu.memref_squeeze %dma_wait3A_1712 : memref<1x64x128xf32, #tpu.memory_space<vmem>> -> memref<64x128xf32, #tpu.memory_space<vmem>>
      tpu.wait_dma2 semaphore(%dma_wait3A_1707 : memref<!tpu.dma_semaphore, #tpu.memory_space<semaphore_mem>>) src(%dma_wait3A_1713 : memref<64x128xf32, #tpu.memory_space<vmem>>) dst(%dma_wait3A_1709 : memref<64x128xf32, #tpu.memory_space<hbm>>)
      %add3A_1714 = arith.constant 12 : i32
      %add3A_1715 = arith.addi %add3A_1694, %add3A_1714 : i32
      %mul3A_1716 = arith.constant 64 : i32
      %mul3A_1717 = arith.muli %add3A_1715, %mul3A_1716 : i32
      %dma_start3A_1718 = arith.constant 6 : i32
      %dma_start3A_1719 = arith.constant 6 : i32
      %dma_start3A_1720 = arith.constant 0 : i32
      %dma_start3A_1721 = arith.constant 0 : i32
      %dma_start3A_1722 = tpu.memref_slice %arg6[%dma_start3A_1718, %dma_start3A_1720, %dma_start3A_1721] : memref<12x64x128xf32, #tpu.memory_space<vmem>> -> memref<1x64x128xf32, #tpu.memory_space<vmem>>
      %dma_start3A_1723 = tpu.memref_squeeze %dma_start3A_1722 : memref<1x64x128xf32, #tpu.memory_space<vmem>> -> memref<64x128xf32, #tpu.memory_space<vmem>>
      %dma_start3A_1724 = tpu.memref_slice %arg5[%mul3A_1717] : memref<6400xi32, #tpu.memory_space<vmem>> -> memref<64xi32, #tpu.memory_space<vmem>>
      %dma_start3A_1725 = arith.constant 0 : i32
      %dma_start3A_1726 = arith.constant 0 : i32
      %dma_start3A_1727 = tpu.memref_slice %arg3[%dma_start3A_1725, %dma_start3A_1726] : memref<100000x128xf32, #tpu.memory_space<hbm>> -> memref<100000x128xf32, #tpu.memory_space<hbm>>
      %dma_start3A_1728 = tpu.memref_slice %arg7[%dma_start3A_1719] : memref<12x!tpu.dma_semaphore, #tpu.memory_space<semaphore_mem>> -> memref<1x!tpu.dma_semaphore, #tpu.memory_space<semaphore_mem>>
      %dma_start3A_1729 = tpu.memref_squeeze %dma_start3A_1728 : memref<1x!tpu.dma_semaphore, #tpu.memory_space<semaphore_mem>> -> memref<!tpu.dma_semaphore, #tpu.memory_space<semaphore_mem>>
      tpu.enqueue_indirect_dma source(%dma_start3A_1727 : memref<100000x128xf32, #tpu.memory_space<hbm>>) target(%dma_start3A_1723 : memref<64x128xf32, #tpu.memory_space<vmem>>) offsets(%dma_start3A_1724 : memref<64xi32, #tpu.memory_space<vmem>>) semaphore(%dma_start3A_1729 : memref<!tpu.dma_semaphore, #tpu.memory_space<semaphore_mem>>)
      %mul3A_1730 = arith.constant 12 : i32
      %mul3A_1731 = arith.muli %scan3A_1012, %mul3A_1730 : i32
      %add3A_1732 = arith.constant 7 : i32
      %add3A_1733 = arith.addi %mul3A_1731, %add3A_1732 : i32
      %mul3A_1734 = arith.constant 64 : i32
      %mul3A_1735 = arith.muli %add3A_1733, %mul3A_1734 : i32
      %add3A_1736 = arith.addi %mul3A_2, %mul3A_1735 : i32
      %dma_wait3A_1737 = arith.constant 7 : i32
      %dma_wait3A_1738 = arith.constant 7 : i32
      %dma_wait3A_1739 = arith.constant 0 : i32
      %dma_wait3A_1740 = arith.constant 0 : i32
      %dma_wait3A_1741 = tpu.memref_slice %arg6[%dma_wait3A_1737, %dma_wait3A_1739, %dma_wait3A_1740] : memref<12x64x128xf32, #tpu.memory_space<vmem>> -> memref<1x64x128xf32, #tpu.memory_space<vmem>>
      %dma_wait3A_1742 = tpu.memref_squeeze %dma_wait3A_1741 : memref<1x64x128xf32, #tpu.memory_space<vmem>> -> memref<64x128xf32, #tpu.memory_space<vmem>>
      %dma_wait3A_1743 = arith.constant 0 : i32
      %dma_wait3A_1744 = tpu.memref_slice %arg4[%add3A_1736, %dma_wait3A_1743] : memref<204800x128xf32, #tpu.memory_space<hbm>> -> memref<64x128xf32, #tpu.memory_space<hbm>>
      %dma_wait3A_1745 = tpu.memref_slice %arg8[%dma_wait3A_1738] : memref<12x!tpu.dma_semaphore, #tpu.memory_space<semaphore_mem>> -> memref<1x!tpu.dma_semaphore, #tpu.memory_space<semaphore_mem>>
      %dma_wait3A_1746 = tpu.memref_squeeze %dma_wait3A_1745 : memref<1x!tpu.dma_semaphore, #tpu.memory_space<semaphore_mem>> -> memref<!tpu.dma_semaphore, #tpu.memory_space<semaphore_mem>>
      %dma_wait3A_1747 = arith.constant 0 : i32
      %dma_wait3A_1748 = tpu.memref_slice %arg4[%add3A_1736, %dma_wait3A_1747] : memref<204800x128xf32, #tpu.memory_space<hbm>> -> memref<64x128xf32, #tpu.memory_space<hbm>>
      %dma_wait3A_1749 = arith.constant 0 : i32
      %dma_wait3A_1750 = arith.constant 0 : i32
      %dma_wait3A_1751 = tpu.memref_slice %arg6[%dma_wait3A_1737, %dma_wait3A_1749, %dma_wait3A_1750] : memref<12x64x128xf32, #tpu.memory_space<vmem>> -> memref<1x64x128xf32, #tpu.memory_space<vmem>>
      %dma_wait3A_1752 = tpu.memref_squeeze %dma_wait3A_1751 : memref<1x64x128xf32, #tpu.memory_space<vmem>> -> memref<64x128xf32, #tpu.memory_space<vmem>>
      tpu.wait_dma2 semaphore(%dma_wait3A_1746 : memref<!tpu.dma_semaphore, #tpu.memory_space<semaphore_mem>>) src(%dma_wait3A_1752 : memref<64x128xf32, #tpu.memory_space<vmem>>) dst(%dma_wait3A_1748 : memref<64x128xf32, #tpu.memory_space<hbm>>)
      %add3A_1753 = arith.constant 12 : i32
      %add3A_1754 = arith.addi %add3A_1733, %add3A_1753 : i32
      %mul3A_1755 = arith.constant 64 : i32
      %mul3A_1756 = arith.muli %add3A_1754, %mul3A_1755 : i32
      %dma_start3A_1757 = arith.constant 7 : i32
      %dma_start3A_1758 = arith.constant 7 : i32
      %dma_start3A_1759 = arith.constant 0 : i32
      %dma_start3A_1760 = arith.constant 0 : i32
      %dma_start3A_1761 = tpu.memref_slice %arg6[%dma_start3A_1757, %dma_start3A_1759, %dma_start3A_1760] : memref<12x64x128xf32, #tpu.memory_space<vmem>> -> memref<1x64x128xf32, #tpu.memory_space<vmem>>
      %dma_start3A_1762 = tpu.memref_squeeze %dma_start3A_1761 : memref<1x64x128xf32, #tpu.memory_space<vmem>> -> memref<64x128xf32, #tpu.memory_space<vmem>>
      %dma_start3A_1763 = tpu.memref_slice %arg5[%mul3A_1756] : memref<6400xi32, #tpu.memory_space<vmem>> -> memref<64xi32, #tpu.memory_space<vmem>>
      %dma_start3A_1764 = arith.constant 0 : i32
      %dma_start3A_1765 = arith.constant 0 : i32
      %dma_start3A_1766 = tpu.memref_slice %arg3[%dma_start3A_1764, %dma_start3A_1765] : memref<100000x128xf32, #tpu.memory_space<hbm>> -> memref<100000x128xf32, #tpu.memory_space<hbm>>
      %dma_start3A_1767 = tpu.memref_slice %arg7[%dma_start3A_1758] : memref<12x!tpu.dma_semaphore, #tpu.memory_space<semaphore_mem>> -> memref<1x!tpu.dma_semaphore, #tpu.memory_space<semaphore_mem>>
      %dma_start3A_1768 = tpu.memref_squeeze %dma_start3A_1767 : memref<1x!tpu.dma_semaphore, #tpu.memory_space<semaphore_mem>> -> memref<!tpu.dma_semaphore, #tpu.memory_space<semaphore_mem>>
      tpu.enqueue_indirect_dma source(%dma_start3A_1766 : memref<100000x128xf32, #tpu.memory_space<hbm>>) target(%dma_start3A_1762 : memref<64x128xf32, #tpu.memory_space<vmem>>) offsets(%dma_start3A_1763 : memref<64xi32, #tpu.memory_space<vmem>>) semaphore(%dma_start3A_1768 : memref<!tpu.dma_semaphore, #tpu.memory_space<semaphore_mem>>)
      %mul3A_1769 = arith.constant 12 : i32
      %mul3A_1770 = arith.muli %scan3A_1012, %mul3A_1769 : i32
      %add3A_1771 = arith.constant 8 : i32
      %add3A_1772 = arith.addi %mul3A_1770, %add3A_1771 : i32
      %mul3A_1773 = arith.constant 64 : i32
      %mul3A_1774 = arith.muli %add3A_1772, %mul3A_1773 : i32
      %add3A_1775 = arith.addi %mul3A_2, %mul3A_1774 : i32
      %dma_wait3A_1776 = arith.constant 8 : i32
      %dma_wait3A_1777 = arith.constant 8 : i32
      %dma_wait3A_1778 = arith.constant 0 : i32
      %dma_wait3A_1779 = arith.constant 0 : i32
      %dma_wait3A_1780 = tpu.memref_slice %arg6[%dma_wait3A_1776, %dma_wait3A_1778, %dma_wait3A_1779] : memref<12x64x128xf32, #tpu.memory_space<vmem>> -> memref<1x64x128xf32, #tpu.memory_space<vmem>>
      %dma_wait3A_1781 = tpu.memref_squeeze %dma_wait3A_1780 : memref<1x64x128xf32, #tpu.memory_space<vmem>> -> memref<64x128xf32, #tpu.memory_space<vmem>>
      %dma_wait3A_1782 = arith.constant 0 : i32
      %dma_wait3A_1783 = tpu.memref_slice %arg4[%add3A_1775, %dma_wait3A_1782] : memref<204800x128xf32, #tpu.memory_space<hbm>> -> memref<64x128xf32, #tpu.memory_space<hbm>>
      %dma_wait3A_1784 = tpu.memref_slice %arg8[%dma_wait3A_1777] : memref<12x!tpu.dma_semaphore, #tpu.memory_space<semaphore_mem>> -> memref<1x!tpu.dma_semaphore, #tpu.memory_space<semaphore_mem>>
      %dma_wait3A_1785 = tpu.memref_squeeze %dma_wait3A_1784 : memref<1x!tpu.dma_semaphore, #tpu.memory_space<semaphore_mem>> -> memref<!tpu.dma_semaphore, #tpu.memory_space<semaphore_mem>>
      %dma_wait3A_1786 = arith.constant 0 : i32
      %dma_wait3A_1787 = tpu.memref_slice %arg4[%add3A_1775, %dma_wait3A_1786] : memref<204800x128xf32, #tpu.memory_space<hbm>> -> memref<64x128xf32, #tpu.memory_space<hbm>>
      %dma_wait3A_1788 = arith.constant 0 : i32
      %dma_wait3A_1789 = arith.constant 0 : i32
      %dma_wait3A_1790 = tpu.memref_slice %arg6[%dma_wait3A_1776, %dma_wait3A_1788, %dma_wait3A_1789] : memref<12x64x128xf32, #tpu.memory_space<vmem>> -> memref<1x64x128xf32, #tpu.memory_space<vmem>>
      %dma_wait3A_1791 = tpu.memref_squeeze %dma_wait3A_1790 : memref<1x64x128xf32, #tpu.memory_space<vmem>> -> memref<64x128xf32, #tpu.memory_space<vmem>>
      tpu.wait_dma2 semaphore(%dma_wait3A_1785 : memref<!tpu.dma_semaphore, #tpu.memory_space<semaphore_mem>>) src(%dma_wait3A_1791 : memref<64x128xf32, #tpu.memory_space<vmem>>) dst(%dma_wait3A_1787 : memref<64x128xf32, #tpu.memory_space<hbm>>)
      %add3A_1792 = arith.constant 12 : i32
      %add3A_1793 = arith.addi %add3A_1772, %add3A_1792 : i32
      %mul3A_1794 = arith.constant 64 : i32
      %mul3A_1795 = arith.muli %add3A_1793, %mul3A_1794 : i32
      %dma_start3A_1796 = arith.constant 8 : i32
      %dma_start3A_1797 = arith.constant 8 : i32
      %dma_start3A_1798 = arith.constant 0 : i32
      %dma_start3A_1799 = arith.constant 0 : i32
      %dma_start3A_1800 = tpu.memref_slice %arg6[%dma_start3A_1796, %dma_start3A_1798, %dma_start3A_1799] : memref<12x64x128xf32, #tpu.memory_space<vmem>> -> memref<1x64x128xf32, #tpu.memory_space<vmem>>
      %dma_start3A_1801 = tpu.memref_squeeze %dma_start3A_1800 : memref<1x64x128xf32, #tpu.memory_space<vmem>> -> memref<64x128xf32, #tpu.memory_space<vmem>>
      %dma_start3A_1802 = tpu.memref_slice %arg5[%mul3A_1795] : memref<6400xi32, #tpu.memory_space<vmem>> -> memref<64xi32, #tpu.memory_space<vmem>>
      %dma_start3A_1803 = arith.constant 0 : i32
      %dma_start3A_1804 = arith.constant 0 : i32
      %dma_start3A_1805 = tpu.memref_slice %arg3[%dma_start3A_1803, %dma_start3A_1804] : memref<100000x128xf32, #tpu.memory_space<hbm>> -> memref<100000x128xf32, #tpu.memory_space<hbm>>
      %dma_start3A_1806 = tpu.memref_slice %arg7[%dma_start3A_1797] : memref<12x!tpu.dma_semaphore, #tpu.memory_space<semaphore_mem>> -> memref<1x!tpu.dma_semaphore, #tpu.memory_space<semaphore_mem>>
      %dma_start3A_1807 = tpu.memref_squeeze %dma_start3A_1806 : memref<1x!tpu.dma_semaphore, #tpu.memory_space<semaphore_mem>> -> memref<!tpu.dma_semaphore, #tpu.memory_space<semaphore_mem>>
      tpu.enqueue_indirect_dma source(%dma_start3A_1805 : memref<100000x128xf32, #tpu.memory_space<hbm>>) target(%dma_start3A_1801 : memref<64x128xf32, #tpu.memory_space<vmem>>) offsets(%dma_start3A_1802 : memref<64xi32, #tpu.memory_space<vmem>>) semaphore(%dma_start3A_1807 : memref<!tpu.dma_semaphore, #tpu.memory_space<semaphore_mem>>)
      %mul3A_1808 = arith.constant 12 : i32
      %mul3A_1809 = arith.muli %scan3A_1012, %mul3A_1808 : i32
      %add3A_1810 = arith.constant 9 : i32
      %add3A_1811 = arith.addi %mul3A_1809, %add3A_1810 : i32
      %mul3A_1812 = arith.constant 64 : i32
      %mul3A_1813 = arith.muli %add3A_1811, %mul3A_1812 : i32
      %add3A_1814 = arith.addi %mul3A_2, %mul3A_1813 : i32
      %dma_wait3A_1815 = arith.constant 9 : i32
      %dma_wait3A_1816 = arith.constant 9 : i32
      %dma_wait3A_1817 = arith.constant 0 : i32
      %dma_wait3A_1818 = arith.constant 0 : i32
      %dma_wait3A_1819 = tpu.memref_slice %arg6[%dma_wait3A_1815, %dma_wait3A_1817, %dma_wait3A_1818] : memref<12x64x128xf32, #tpu.memory_space<vmem>> -> memref<1x64x128xf32, #tpu.memory_space<vmem>>
      %dma_wait3A_1820 = tpu.memref_squeeze %dma_wait3A_1819 : memref<1x64x128xf32, #tpu.memory_space<vmem>> -> memref<64x128xf32, #tpu.memory_space<vmem>>
      %dma_wait3A_1821 = arith.constant 0 : i32
      %dma_wait3A_1822 = tpu.memref_slice %arg4[%add3A_1814, %dma_wait3A_1821] : memref<204800x128xf32, #tpu.memory_space<hbm>> -> memref<64x128xf32, #tpu.memory_space<hbm>>
      %dma_wait3A_1823 = tpu.memref_slice %arg8[%dma_wait3A_1816] : memref<12x!tpu.dma_semaphore, #tpu.memory_space<semaphore_mem>> -> memref<1x!tpu.dma_semaphore, #tpu.memory_space<semaphore_mem>>
      %dma_wait3A_1824 = tpu.memref_squeeze %dma_wait3A_1823 : memref<1x!tpu.dma_semaphore, #tpu.memory_space<semaphore_mem>> -> memref<!tpu.dma_semaphore, #tpu.memory_space<semaphore_mem>>
      %dma_wait3A_1825 = arith.constant 0 : i32
      %dma_wait3A_1826 = tpu.memref_slice %arg4[%add3A_1814, %dma_wait3A_1825] : memref<204800x128xf32, #tpu.memory_space<hbm>> -> memref<64x128xf32, #tpu.memory_space<hbm>>
      %dma_wait3A_1827 = arith.constant 0 : i32
      %dma_wait3A_1828 = arith.constant 0 : i32
      %dma_wait3A_1829 = tpu.memref_slice %arg6[%dma_wait3A_1815, %dma_wait3A_1827, %dma_wait3A_1828] : memref<12x64x128xf32, #tpu.memory_space<vmem>> -> memref<1x64x128xf32, #tpu.memory_space<vmem>>
      %dma_wait3A_1830 = tpu.memref_squeeze %dma_wait3A_1829 : memref<1x64x128xf32, #tpu.memory_space<vmem>> -> memref<64x128xf32, #tpu.memory_space<vmem>>
      tpu.wait_dma2 semaphore(%dma_wait3A_1824 : memref<!tpu.dma_semaphore, #tpu.memory_space<semaphore_mem>>) src(%dma_wait3A_1830 : memref<64x128xf32, #tpu.memory_space<vmem>>) dst(%dma_wait3A_1826 : memref<64x128xf32, #tpu.memory_space<hbm>>)
      %add3A_1831 = arith.constant 12 : i32
      %add3A_1832 = arith.addi %add3A_1811, %add3A_1831 : i32
      %mul3A_1833 = arith.constant 64 : i32
      %mul3A_1834 = arith.muli %add3A_1832, %mul3A_1833 : i32
      %dma_start3A_1835 = arith.constant 9 : i32
      %dma_start3A_1836 = arith.constant 9 : i32
      %dma_start3A_1837 = arith.constant 0 : i32
      %dma_start3A_1838 = arith.constant 0 : i32
      %dma_start3A_1839 = tpu.memref_slice %arg6[%dma_start3A_1835, %dma_start3A_1837, %dma_start3A_1838] : memref<12x64x128xf32, #tpu.memory_space<vmem>> -> memref<1x64x128xf32, #tpu.memory_space<vmem>>
      %dma_start3A_1840 = tpu.memref_squeeze %dma_start3A_1839 : memref<1x64x128xf32, #tpu.memory_space<vmem>> -> memref<64x128xf32, #tpu.memory_space<vmem>>
      %dma_start3A_1841 = tpu.memref_slice %arg5[%mul3A_1834] : memref<6400xi32, #tpu.memory_space<vmem>> -> memref<64xi32, #tpu.memory_space<vmem>>
      %dma_start3A_1842 = arith.constant 0 : i32
      %dma_start3A_1843 = arith.constant 0 : i32
      %dma_start3A_1844 = tpu.memref_slice %arg3[%dma_start3A_1842, %dma_start3A_1843] : memref<100000x128xf32, #tpu.memory_space<hbm>> -> memref<100000x128xf32, #tpu.memory_space<hbm>>
      %dma_start3A_1845 = tpu.memref_slice %arg7[%dma_start3A_1836] : memref<12x!tpu.dma_semaphore, #tpu.memory_space<semaphore_mem>> -> memref<1x!tpu.dma_semaphore, #tpu.memory_space<semaphore_mem>>
      %dma_start3A_1846 = tpu.memref_squeeze %dma_start3A_1845 : memref<1x!tpu.dma_semaphore, #tpu.memory_space<semaphore_mem>> -> memref<!tpu.dma_semaphore, #tpu.memory_space<semaphore_mem>>
      tpu.enqueue_indirect_dma source(%dma_start3A_1844 : memref<100000x128xf32, #tpu.memory_space<hbm>>) target(%dma_start3A_1840 : memref<64x128xf32, #tpu.memory_space<vmem>>) offsets(%dma_start3A_1841 : memref<64xi32, #tpu.memory_space<vmem>>) semaphore(%dma_start3A_1846 : memref<!tpu.dma_semaphore, #tpu.memory_space<semaphore_mem>>)
      %mul3A_1847 = arith.constant 12 : i32
      %mul3A_1848 = arith.muli %scan3A_1012, %mul3A_1847 : i32
      %add3A_1849 = arith.constant 10 : i32
      %add3A_1850 = arith.addi %mul3A_1848, %add3A_1849 : i32
      %mul3A_1851 = arith.constant 64 : i32
      %mul3A_1852 = arith.muli %add3A_1850, %mul3A_1851 : i32
      %add3A_1853 = arith.addi %mul3A_2, %mul3A_1852 : i32
      %dma_wait3A_1854 = arith.constant 10 : i32
      %dma_wait3A_1855 = arith.constant 10 : i32
      %dma_wait3A_1856 = arith.constant 0 : i32
      %dma_wait3A_1857 = arith.constant 0 : i32
      %dma_wait3A_1858 = tpu.memref_slice %arg6[%dma_wait3A_1854, %dma_wait3A_1856, %dma_wait3A_1857] : memref<12x64x128xf32, #tpu.memory_space<vmem>> -> memref<1x64x128xf32, #tpu.memory_space<vmem>>
      %dma_wait3A_1859 = tpu.memref_squeeze %dma_wait3A_1858 : memref<1x64x128xf32, #tpu.memory_space<vmem>> -> memref<64x128xf32, #tpu.memory_space<vmem>>
      %dma_wait3A_1860 = arith.constant 0 : i32
      %dma_wait3A_1861 = tpu.memref_slice %arg4[%add3A_1853, %dma_wait3A_1860] : memref<204800x128xf32, #tpu.memory_space<hbm>> -> memref<64x128xf32, #tpu.memory_space<hbm>>
      %dma_wait3A_1862 = tpu.memref_slice %arg8[%dma_wait3A_1855] : memref<12x!tpu.dma_semaphore, #tpu.memory_space<semaphore_mem>> -> memref<1x!tpu.dma_semaphore, #tpu.memory_space<semaphore_mem>>
      %dma_wait3A_1863 = tpu.memref_squeeze %dma_wait3A_1862 : memref<1x!tpu.dma_semaphore, #tpu.memory_space<semaphore_mem>> -> memref<!tpu.dma_semaphore, #tpu.memory_space<semaphore_mem>>
      %dma_wait3A_1864 = arith.constant 0 : i32
      %dma_wait3A_1865 = tpu.memref_slice %arg4[%add3A_1853, %dma_wait3A_1864] : memref<204800x128xf32, #tpu.memory_space<hbm>> -> memref<64x128xf32, #tpu.memory_space<hbm>>
      %dma_wait3A_1866 = arith.constant 0 : i32
      %dma_wait3A_1867 = arith.constant 0 : i32
      %dma_wait3A_1868 = tpu.memref_slice %arg6[%dma_wait3A_1854, %dma_wait3A_1866, %dma_wait3A_1867] : memref<12x64x128xf32, #tpu.memory_space<vmem>> -> memref<1x64x128xf32, #tpu.memory_space<vmem>>
      %dma_wait3A_1869 = tpu.memref_squeeze %dma_wait3A_1868 : memref<1x64x128xf32, #tpu.memory_space<vmem>> -> memref<64x128xf32, #tpu.memory_space<vmem>>
      tpu.wait_dma2 semaphore(%dma_wait3A_1863 : memref<!tpu.dma_semaphore, #tpu.memory_space<semaphore_mem>>) src(%dma_wait3A_1869 : memref<64x128xf32, #tpu.memory_space<vmem>>) dst(%dma_wait3A_1865 : memref<64x128xf32, #tpu.memory_space<hbm>>)
      %add3A_1870 = arith.constant 12 : i32
      %add3A_1871 = arith.addi %add3A_1850, %add3A_1870 : i32
      %mul3A_1872 = arith.constant 64 : i32
      %mul3A_1873 = arith.muli %add3A_1871, %mul3A_1872 : i32
      %dma_start3A_1874 = arith.constant 10 : i32
      %dma_start3A_1875 = arith.constant 10 : i32
      %dma_start3A_1876 = arith.constant 0 : i32
      %dma_start3A_1877 = arith.constant 0 : i32
      %dma_start3A_1878 = tpu.memref_slice %arg6[%dma_start3A_1874, %dma_start3A_1876, %dma_start3A_1877] : memref<12x64x128xf32, #tpu.memory_space<vmem>> -> memref<1x64x128xf32, #tpu.memory_space<vmem>>
      %dma_start3A_1879 = tpu.memref_squeeze %dma_start3A_1878 : memref<1x64x128xf32, #tpu.memory_space<vmem>> -> memref<64x128xf32, #tpu.memory_space<vmem>>
      %dma_start3A_1880 = tpu.memref_slice %arg5[%mul3A_1873] : memref<6400xi32, #tpu.memory_space<vmem>> -> memref<64xi32, #tpu.memory_space<vmem>>
      %dma_start3A_1881 = arith.constant 0 : i32
      %dma_start3A_1882 = arith.constant 0 : i32
      %dma_start3A_1883 = tpu.memref_slice %arg3[%dma_start3A_1881, %dma_start3A_1882] : memref<100000x128xf32, #tpu.memory_space<hbm>> -> memref<100000x128xf32, #tpu.memory_space<hbm>>
      %dma_start3A_1884 = tpu.memref_slice %arg7[%dma_start3A_1875] : memref<12x!tpu.dma_semaphore, #tpu.memory_space<semaphore_mem>> -> memref<1x!tpu.dma_semaphore, #tpu.memory_space<semaphore_mem>>
      %dma_start3A_1885 = tpu.memref_squeeze %dma_start3A_1884 : memref<1x!tpu.dma_semaphore, #tpu.memory_space<semaphore_mem>> -> memref<!tpu.dma_semaphore, #tpu.memory_space<semaphore_mem>>
      tpu.enqueue_indirect_dma source(%dma_start3A_1883 : memref<100000x128xf32, #tpu.memory_space<hbm>>) target(%dma_start3A_1879 : memref<64x128xf32, #tpu.memory_space<vmem>>) offsets(%dma_start3A_1880 : memref<64xi32, #tpu.memory_space<vmem>>) semaphore(%dma_start3A_1885 : memref<!tpu.dma_semaphore, #tpu.memory_space<semaphore_mem>>)
      %mul3A_1886 = arith.constant 12 : i32
      %mul3A_1887 = arith.muli %scan3A_1012, %mul3A_1886 : i32
      %add3A_1888 = arith.constant 11 : i32
      %add3A_1889 = arith.addi %mul3A_1887, %add3A_1888 : i32
      %mul3A_1890 = arith.constant 64 : i32
      %mul3A_1891 = arith.muli %add3A_1889, %mul3A_1890 : i32
      %add3A_1892 = arith.addi %mul3A_2, %mul3A_1891 : i32
      %dma_wait3A_1893 = arith.constant 11 : i32
      %dma_wait3A_1894 = arith.constant 11 : i32
      %dma_wait3A_1895 = arith.constant 0 : i32
      %dma_wait3A_1896 = arith.constant 0 : i32
      %dma_wait3A_1897 = tpu.memref_slice %arg6[%dma_wait3A_1893, %dma_wait3A_1895, %dma_wait3A_1896] : memref<12x64x128xf32, #tpu.memory_space<vmem>> -> memref<1x64x128xf32, #tpu.memory_space<vmem>>
      %dma_wait3A_1898 = tpu.memref_squeeze %dma_wait3A_1897 : memref<1x64x128xf32, #tpu.memory_space<vmem>> -> memref<64x128xf32, #tpu.memory_space<vmem>>
      %dma_wait3A_1899 = arith.constant 0 : i32
      %dma_wait3A_1900 = tpu.memref_slice %arg4[%add3A_1892, %dma_wait3A_1899] : memref<204800x128xf32, #tpu.memory_space<hbm>> -> memref<64x128xf32, #tpu.memory_space<hbm>>
      %dma_wait3A_1901 = tpu.memref_slice %arg8[%dma_wait3A_1894] : memref<12x!tpu.dma_semaphore, #tpu.memory_space<semaphore_mem>> -> memref<1x!tpu.dma_semaphore, #tpu.memory_space<semaphore_mem>>
      %dma_wait3A_1902 = tpu.memref_squeeze %dma_wait3A_1901 : memref<1x!tpu.dma_semaphore, #tpu.memory_space<semaphore_mem>> -> memref<!tpu.dma_semaphore, #tpu.memory_space<semaphore_mem>>
      %dma_wait3A_1903 = arith.constant 0 : i32
      %dma_wait3A_1904 = tpu.memref_slice %arg4[%add3A_1892, %dma_wait3A_1903] : memref<204800x128xf32, #tpu.memory_space<hbm>> -> memref<64x128xf32, #tpu.memory_space<hbm>>
      %dma_wait3A_1905 = arith.constant 0 : i32
      %dma_wait3A_1906 = arith.constant 0 : i32
      %dma_wait3A_1907 = tpu.memref_slice %arg6[%dma_wait3A_1893, %dma_wait3A_1905, %dma_wait3A_1906] : memref<12x64x128xf32, #tpu.memory_space<vmem>> -> memref<1x64x128xf32, #tpu.memory_space<vmem>>
      %dma_wait3A_1908 = tpu.memref_squeeze %dma_wait3A_1907 : memref<1x64x128xf32, #tpu.memory_space<vmem>> -> memref<64x128xf32, #tpu.memory_space<vmem>>
      tpu.wait_dma2 semaphore(%dma_wait3A_1902 : memref<!tpu.dma_semaphore, #tpu.memory_space<semaphore_mem>>) src(%dma_wait3A_1908 : memref<64x128xf32, #tpu.memory_space<vmem>>) dst(%dma_wait3A_1904 : memref<64x128xf32, #tpu.memory_space<hbm>>)
      %add3A_1909 = arith.constant 12 : i32
      %add3A_1910 = arith.addi %add3A_1889, %add3A_1909 : i32
      %mul3A_1911 = arith.constant 64 : i32
      %mul3A_1912 = arith.muli %add3A_1910, %mul3A_1911 : i32
      %dma_start3A_1913 = arith.constant 11 : i32
      %dma_start3A_1914 = arith.constant 11 : i32
      %dma_start3A_1915 = arith.constant 0 : i32
      %dma_start3A_1916 = arith.constant 0 : i32
      %dma_start3A_1917 = tpu.memref_slice %arg6[%dma_start3A_1913, %dma_start3A_1915, %dma_start3A_1916] : memref<12x64x128xf32, #tpu.memory_space<vmem>> -> memref<1x64x128xf32, #tpu.memory_space<vmem>>
      %dma_start3A_1918 = tpu.memref_squeeze %dma_start3A_1917 : memref<1x64x128xf32, #tpu.memory_space<vmem>> -> memref<64x128xf32, #tpu.memory_space<vmem>>
      %dma_start3A_1919 = tpu.memref_slice %arg5[%mul3A_1912] : memref<6400xi32, #tpu.memory_space<vmem>> -> memref<64xi32, #tpu.memory_space<vmem>>
      %dma_start3A_1920 = arith.constant 0 : i32
      %dma_start3A_1921 = arith.constant 0 : i32
      %dma_start3A_1922 = tpu.memref_slice %arg3[%dma_start3A_1920, %dma_start3A_1921] : memref<100000x128xf32, #tpu.memory_space<hbm>> -> memref<100000x128xf32, #tpu.memory_space<hbm>>
      %dma_start3A_1923 = tpu.memref_slice %arg7[%dma_start3A_1914] : memref<12x!tpu.dma_semaphore, #tpu.memory_space<semaphore_mem>> -> memref<1x!tpu.dma_semaphore, #tpu.memory_space<semaphore_mem>>
      %dma_start3A_1924 = tpu.memref_squeeze %dma_start3A_1923 : memref<1x!tpu.dma_semaphore, #tpu.memory_space<semaphore_mem>> -> memref<!tpu.dma_semaphore, #tpu.memory_space<semaphore_mem>>
      tpu.enqueue_indirect_dma source(%dma_start3A_1922 : memref<100000x128xf32, #tpu.memory_space<hbm>>) target(%dma_start3A_1918 : memref<64x128xf32, #tpu.memory_space<vmem>>) offsets(%dma_start3A_1919 : memref<64xi32, #tpu.memory_space<vmem>>) semaphore(%dma_start3A_1924 : memref<!tpu.dma_semaphore, #tpu.memory_space<semaphore_mem>>)
    }
    %scan3A_175 = arith.constant 7 : i32
    %dma_wait3A_176 = arith.constant 0 : i32
    %dma_wait3A_177 = arith.constant 0 : i32
    %dma_wait3A_178 = arith.constant 0 : i32
    %dma_wait3A_179 = arith.constant 0 : i32
    %dma_wait3A_180 = tpu.memref_slice %arg6[%dma_wait3A_176, %dma_wait3A_178, %dma_wait3A_179] : memref<12x64x128xf32, #tpu.memory_space<vmem>> -> memref<1x64x128xf32, #tpu.memory_space<vmem>>
    %dma_wait3A_181 = tpu.memref_squeeze %dma_wait3A_180 : memref<1x64x128xf32, #tpu.memory_space<vmem>> -> memref<64x128xf32, #tpu.memory_space<vmem>>
    %dma_wait3A_182 = arith.constant 5376 : i32
    %dma_wait3A_183 = tpu.memref_slice %arg5[%dma_wait3A_182] : memref<6400xi32, #tpu.memory_space<vmem>> -> memref<64xi32, #tpu.memory_space<vmem>>
    %dma_wait3A_184 = arith.constant 0 : i32
    %dma_wait3A_185 = arith.constant 0 : i32
    %dma_wait3A_186 = tpu.memref_slice %arg3[%dma_wait3A_184, %dma_wait3A_185] : memref<100000x128xf32, #tpu.memory_space<hbm>> -> memref<100000x128xf32, #tpu.memory_space<hbm>>
    %dma_wait3A_187 = tpu.memref_slice %arg7[%dma_wait3A_177] : memref<12x!tpu.dma_semaphore, #tpu.memory_space<semaphore_mem>> -> memref<1x!tpu.dma_semaphore, #tpu.memory_space<semaphore_mem>>
    %dma_wait3A_188 = tpu.memref_squeeze %dma_wait3A_187 : memref<1x!tpu.dma_semaphore, #tpu.memory_space<semaphore_mem>> -> memref<!tpu.dma_semaphore, #tpu.memory_space<semaphore_mem>>
    tpu.wait_indirect_dma semaphore(%dma_wait3A_188 : memref<!tpu.dma_semaphore, #tpu.memory_space<semaphore_mem>>) src(%dma_wait3A_186 : memref<100000x128xf32, #tpu.memory_space<hbm>>) dst(%dma_wait3A_181 : memref<64x128xf32, #tpu.memory_space<vmem>>)
    %add3A_189 = arith.constant 5376 : i32
    %add3A_190 = arith.addi %mul3A_2, %add3A_189 : i32
    %dma_start3A_191 = arith.constant 0 : i32
    %dma_start3A_192 = arith.constant 0 : i32
    %dma_start3A_193 = arith.constant 0 : i32
    %dma_start3A_194 = arith.constant 0 : i32
    %dma_start3A_195 = tpu.memref_slice %arg6[%dma_start3A_191, %dma_start3A_193, %dma_start3A_194] : memref<12x64x128xf32, #tpu.memory_space<vmem>> -> memref<1x64x128xf32, #tpu.memory_space<vmem>>
    %dma_start3A_196 = tpu.memref_squeeze %dma_start3A_195 : memref<1x64x128xf32, #tpu.memory_space<vmem>> -> memref<64x128xf32, #tpu.memory_space<vmem>>
    %dma_start3A_197 = arith.constant 0 : i32
    %dma_start3A_198 = tpu.memref_slice %arg4[%add3A_190, %dma_start3A_197] : memref<204800x128xf32, #tpu.memory_space<hbm>> -> memref<64x128xf32, #tpu.memory_space<hbm>>
    %dma_start3A_199 = tpu.memref_slice %arg8[%dma_start3A_192] : memref<12x!tpu.dma_semaphore, #tpu.memory_space<semaphore_mem>> -> memref<1x!tpu.dma_semaphore, #tpu.memory_space<semaphore_mem>>
    %dma_start3A_200 = tpu.memref_squeeze %dma_start3A_199 : memref<1x!tpu.dma_semaphore, #tpu.memory_space<semaphore_mem>> -> memref<!tpu.dma_semaphore, #tpu.memory_space<semaphore_mem>>
    %dma_start3A_201 = arith.constant 0 : i32
    %dma_start3A_202 = tpu.memref_slice %arg4[%add3A_190, %dma_start3A_201] : memref<204800x128xf32, #tpu.memory_space<hbm>> -> memref<64x128xf32, #tpu.memory_space<hbm>>
    %dma_start3A_203 = arith.constant 0 : i32
    %dma_start3A_204 = arith.constant 0 : i32
    %dma_start3A_205 = tpu.memref_slice %arg6[%dma_start3A_191, %dma_start3A_203, %dma_start3A_204] : memref<12x64x128xf32, #tpu.memory_space<vmem>> -> memref<1x64x128xf32, #tpu.memory_space<vmem>>
    %dma_start3A_206 = tpu.memref_squeeze %dma_start3A_205 : memref<1x64x128xf32, #tpu.memory_space<vmem>> -> memref<64x128xf32, #tpu.memory_space<vmem>>
    tpu.enqueue_dma source(%dma_start3A_206 : memref<64x128xf32, #tpu.memory_space<vmem>>) target(%dma_start3A_202 : memref<64x128xf32, #tpu.memory_space<hbm>>) target_semaphore(%dma_start3A_200 : memref<!tpu.dma_semaphore, #tpu.memory_space<semaphore_mem>>)
    %dma_wait3A_207 = arith.constant 1 : i32
    %dma_wait3A_208 = arith.constant 1 : i32
    %dma_wait3A_209 = arith.constant 0 : i32
    %dma_wait3A_210 = arith.constant 0 : i32
    %dma_wait3A_211 = tpu.memref_slice %arg6[%dma_wait3A_207, %dma_wait3A_209, %dma_wait3A_210] : memref<12x64x128xf32, #tpu.memory_space<vmem>> -> memref<1x64x128xf32, #tpu.memory_space<vmem>>
    %dma_wait3A_212 = tpu.memref_squeeze %dma_wait3A_211 : memref<1x64x128xf32, #tpu.memory_space<vmem>> -> memref<64x128xf32, #tpu.memory_space<vmem>>
    %dma_wait3A_213 = arith.constant 5440 : i32
    %dma_wait3A_214 = tpu.memref_slice %arg5[%dma_wait3A_213] : memref<6400xi32, #tpu.memory_space<vmem>> -> memref<64xi32, #tpu.memory_space<vmem>>
    %dma_wait3A_215 = arith.constant 0 : i32
    %dma_wait3A_216 = arith.constant 0 : i32
    %dma_wait3A_217 = tpu.memref_slice %arg3[%dma_wait3A_215, %dma_wait3A_216] : memref<100000x128xf32, #tpu.memory_space<hbm>> -> memref<100000x128xf32, #tpu.memory_space<hbm>>
    %dma_wait3A_218 = tpu.memref_slice %arg7[%dma_wait3A_208] : memref<12x!tpu.dma_semaphore, #tpu.memory_space<semaphore_mem>> -> memref<1x!tpu.dma_semaphore, #tpu.memory_space<semaphore_mem>>
    %dma_wait3A_219 = tpu.memref_squeeze %dma_wait3A_218 : memref<1x!tpu.dma_semaphore, #tpu.memory_space<semaphore_mem>> -> memref<!tpu.dma_semaphore, #tpu.memory_space<semaphore_mem>>
    tpu.wait_indirect_dma semaphore(%dma_wait3A_219 : memref<!tpu.dma_semaphore, #tpu.memory_space<semaphore_mem>>) src(%dma_wait3A_217 : memref<100000x128xf32, #tpu.memory_space<hbm>>) dst(%dma_wait3A_212 : memref<64x128xf32, #tpu.memory_space<vmem>>)
    %add3A_220 = arith.constant 5440 : i32
    %add3A_221 = arith.addi %mul3A_2, %add3A_220 : i32
    %dma_start3A_222 = arith.constant 1 : i32
    %dma_start3A_223 = arith.constant 1 : i32
    %dma_start3A_224 = arith.constant 0 : i32
    %dma_start3A_225 = arith.constant 0 : i32
    %dma_start3A_226 = tpu.memref_slice %arg6[%dma_start3A_222, %dma_start3A_224, %dma_start3A_225] : memref<12x64x128xf32, #tpu.memory_space<vmem>> -> memref<1x64x128xf32, #tpu.memory_space<vmem>>
    %dma_start3A_227 = tpu.memref_squeeze %dma_start3A_226 : memref<1x64x128xf32, #tpu.memory_space<vmem>> -> memref<64x128xf32, #tpu.memory_space<vmem>>
    %dma_start3A_228 = arith.constant 0 : i32
    %dma_start3A_229 = tpu.memref_slice %arg4[%add3A_221, %dma_start3A_228] : memref<204800x128xf32, #tpu.memory_space<hbm>> -> memref<64x128xf32, #tpu.memory_space<hbm>>
    %dma_start3A_230 = tpu.memref_slice %arg8[%dma_start3A_223] : memref<12x!tpu.dma_semaphore, #tpu.memory_space<semaphore_mem>> -> memref<1x!tpu.dma_semaphore, #tpu.memory_space<semaphore_mem>>
    %dma_start3A_231 = tpu.memref_squeeze %dma_start3A_230 : memref<1x!tpu.dma_semaphore, #tpu.memory_space<semaphore_mem>> -> memref<!tpu.dma_semaphore, #tpu.memory_space<semaphore_mem>>
    %dma_start3A_232 = arith.constant 0 : i32
    %dma_start3A_233 = tpu.memref_slice %arg4[%add3A_221, %dma_start3A_232] : memref<204800x128xf32, #tpu.memory_space<hbm>> -> memref<64x128xf32, #tpu.memory_space<hbm>>
    %dma_start3A_234 = arith.constant 0 : i32
    %dma_start3A_235 = arith.constant 0 : i32
    %dma_start3A_236 = tpu.memref_slice %arg6[%dma_start3A_222, %dma_start3A_234, %dma_start3A_235] : memref<12x64x128xf32, #tpu.memory_space<vmem>> -> memref<1x64x128xf32, #tpu.memory_space<vmem>>
    %dma_start3A_237 = tpu.memref_squeeze %dma_start3A_236 : memref<1x64x128xf32, #tpu.memory_space<vmem>> -> memref<64x128xf32, #tpu.memory_space<vmem>>
    tpu.enqueue_dma source(%dma_start3A_237 : memref<64x128xf32, #tpu.memory_space<vmem>>) target(%dma_start3A_233 : memref<64x128xf32, #tpu.memory_space<hbm>>) target_semaphore(%dma_start3A_231 : memref<!tpu.dma_semaphore, #tpu.memory_space<semaphore_mem>>)
    %dma_wait3A_238 = arith.constant 2 : i32
    %dma_wait3A_239 = arith.constant 2 : i32
    %dma_wait3A_240 = arith.constant 0 : i32
    %dma_wait3A_241 = arith.constant 0 : i32
    %dma_wait3A_242 = tpu.memref_slice %arg6[%dma_wait3A_238, %dma_wait3A_240, %dma_wait3A_241] : memref<12x64x128xf32, #tpu.memory_space<vmem>> -> memref<1x64x128xf32, #tpu.memory_space<vmem>>
    %dma_wait3A_243 = tpu.memref_squeeze %dma_wait3A_242 : memref<1x64x128xf32, #tpu.memory_space<vmem>> -> memref<64x128xf32, #tpu.memory_space<vmem>>
    %dma_wait3A_244 = arith.constant 5504 : i32
    %dma_wait3A_245 = tpu.memref_slice %arg5[%dma_wait3A_244] : memref<6400xi32, #tpu.memory_space<vmem>> -> memref<64xi32, #tpu.memory_space<vmem>>
    %dma_wait3A_246 = arith.constant 0 : i32
    %dma_wait3A_247 = arith.constant 0 : i32
    %dma_wait3A_248 = tpu.memref_slice %arg3[%dma_wait3A_246, %dma_wait3A_247] : memref<100000x128xf32, #tpu.memory_space<hbm>> -> memref<100000x128xf32, #tpu.memory_space<hbm>>
    %dma_wait3A_249 = tpu.memref_slice %arg7[%dma_wait3A_239] : memref<12x!tpu.dma_semaphore, #tpu.memory_space<semaphore_mem>> -> memref<1x!tpu.dma_semaphore, #tpu.memory_space<semaphore_mem>>
    %dma_wait3A_250 = tpu.memref_squeeze %dma_wait3A_249 : memref<1x!tpu.dma_semaphore, #tpu.memory_space<semaphore_mem>> -> memref<!tpu.dma_semaphore, #tpu.memory_space<semaphore_mem>>
    tpu.wait_indirect_dma semaphore(%dma_wait3A_250 : memref<!tpu.dma_semaphore, #tpu.memory_space<semaphore_mem>>) src(%dma_wait3A_248 : memref<100000x128xf32, #tpu.memory_space<hbm>>) dst(%dma_wait3A_243 : memref<64x128xf32, #tpu.memory_space<vmem>>)
    %add3A_251 = arith.constant 5504 : i32
    %add3A_252 = arith.addi %mul3A_2, %add3A_251 : i32
    %dma_start3A_253 = arith.constant 2 : i32
    %dma_start3A_254 = arith.constant 2 : i32
    %dma_start3A_255 = arith.constant 0 : i32
    %dma_start3A_256 = arith.constant 0 : i32
    %dma_start3A_257 = tpu.memref_slice %arg6[%dma_start3A_253, %dma_start3A_255, %dma_start3A_256] : memref<12x64x128xf32, #tpu.memory_space<vmem>> -> memref<1x64x128xf32, #tpu.memory_space<vmem>>
    %dma_start3A_258 = tpu.memref_squeeze %dma_start3A_257 : memref<1x64x128xf32, #tpu.memory_space<vmem>> -> memref<64x128xf32, #tpu.memory_space<vmem>>
    %dma_start3A_259 = arith.constant 0 : i32
    %dma_start3A_260 = tpu.memref_slice %arg4[%add3A_252, %dma_start3A_259] : memref<204800x128xf32, #tpu.memory_space<hbm>> -> memref<64x128xf32, #tpu.memory_space<hbm>>
    %dma_start3A_261 = tpu.memref_slice %arg8[%dma_start3A_254] : memref<12x!tpu.dma_semaphore, #tpu.memory_space<semaphore_mem>> -> memref<1x!tpu.dma_semaphore, #tpu.memory_space<semaphore_mem>>
    %dma_start3A_262 = tpu.memref_squeeze %dma_start3A_261 : memref<1x!tpu.dma_semaphore, #tpu.memory_space<semaphore_mem>> -> memref<!tpu.dma_semaphore, #tpu.memory_space<semaphore_mem>>
    %dma_start3A_263 = arith.constant 0 : i32
    %dma_start3A_264 = tpu.memref_slice %arg4[%add3A_252, %dma_start3A_263] : memref<204800x128xf32, #tpu.memory_space<hbm>> -> memref<64x128xf32, #tpu.memory_space<hbm>>
    %dma_start3A_265 = arith.constant 0 : i32
    %dma_start3A_266 = arith.constant 0 : i32
    %dma_start3A_267 = tpu.memref_slice %arg6[%dma_start3A_253, %dma_start3A_265, %dma_start3A_266] : memref<12x64x128xf32, #tpu.memory_space<vmem>> -> memref<1x64x128xf32, #tpu.memory_space<vmem>>
    %dma_start3A_268 = tpu.memref_squeeze %dma_start3A_267 : memref<1x64x128xf32, #tpu.memory_space<vmem>> -> memref<64x128xf32, #tpu.memory_space<vmem>>
    tpu.enqueue_dma source(%dma_start3A_268 : memref<64x128xf32, #tpu.memory_space<vmem>>) target(%dma_start3A_264 : memref<64x128xf32, #tpu.memory_space<hbm>>) target_semaphore(%dma_start3A_262 : memref<!tpu.dma_semaphore, #tpu.memory_space<semaphore_mem>>)
    %dma_wait3A_269 = arith.constant 3 : i32
    %dma_wait3A_270 = arith.constant 3 : i32
    %dma_wait3A_271 = arith.constant 0 : i32
    %dma_wait3A_272 = arith.constant 0 : i32
    %dma_wait3A_273 = tpu.memref_slice %arg6[%dma_wait3A_269, %dma_wait3A_271, %dma_wait3A_272] : memref<12x64x128xf32, #tpu.memory_space<vmem>> -> memref<1x64x128xf32, #tpu.memory_space<vmem>>
    %dma_wait3A_274 = tpu.memref_squeeze %dma_wait3A_273 : memref<1x64x128xf32, #tpu.memory_space<vmem>> -> memref<64x128xf32, #tpu.memory_space<vmem>>
    %dma_wait3A_275 = arith.constant 5568 : i32
    %dma_wait3A_276 = tpu.memref_slice %arg5[%dma_wait3A_275] : memref<6400xi32, #tpu.memory_space<vmem>> -> memref<64xi32, #tpu.memory_space<vmem>>
    %dma_wait3A_277 = arith.constant 0 : i32
    %dma_wait3A_278 = arith.constant 0 : i32
    %dma_wait3A_279 = tpu.memref_slice %arg3[%dma_wait3A_277, %dma_wait3A_278] : memref<100000x128xf32, #tpu.memory_space<hbm>> -> memref<100000x128xf32, #tpu.memory_space<hbm>>
    %dma_wait3A_280 = tpu.memref_slice %arg7[%dma_wait3A_270] : memref<12x!tpu.dma_semaphore, #tpu.memory_space<semaphore_mem>> -> memref<1x!tpu.dma_semaphore, #tpu.memory_space<semaphore_mem>>
    %dma_wait3A_281 = tpu.memref_squeeze %dma_wait3A_280 : memref<1x!tpu.dma_semaphore, #tpu.memory_space<semaphore_mem>> -> memref<!tpu.dma_semaphore, #tpu.memory_space<semaphore_mem>>
    tpu.wait_indirect_dma semaphore(%dma_wait3A_281 : memref<!tpu.dma_semaphore, #tpu.memory_space<semaphore_mem>>) src(%dma_wait3A_279 : memref<100000x128xf32, #tpu.memory_space<hbm>>) dst(%dma_wait3A_274 : memref<64x128xf32, #tpu.memory_space<vmem>>)
    %add3A_282 = arith.constant 5568 : i32
    %add3A_283 = arith.addi %mul3A_2, %add3A_282 : i32
    %dma_start3A_284 = arith.constant 3 : i32
    %dma_start3A_285 = arith.constant 3 : i32
    %dma_start3A_286 = arith.constant 0 : i32
    %dma_start3A_287 = arith.constant 0 : i32
    %dma_start3A_288 = tpu.memref_slice %arg6[%dma_start3A_284, %dma_start3A_286, %dma_start3A_287] : memref<12x64x128xf32, #tpu.memory_space<vmem>> -> memref<1x64x128xf32, #tpu.memory_space<vmem>>
    %dma_start3A_289 = tpu.memref_squeeze %dma_start3A_288 : memref<1x64x128xf32, #tpu.memory_space<vmem>> -> memref<64x128xf32, #tpu.memory_space<vmem>>
    %dma_start3A_290 = arith.constant 0 : i32
    %dma_start3A_291 = tpu.memref_slice %arg4[%add3A_283, %dma_start3A_290] : memref<204800x128xf32, #tpu.memory_space<hbm>> -> memref<64x128xf32, #tpu.memory_space<hbm>>
    %dma_start3A_292 = tpu.memref_slice %arg8[%dma_start3A_285] : memref<12x!tpu.dma_semaphore, #tpu.memory_space<semaphore_mem>> -> memref<1x!tpu.dma_semaphore, #tpu.memory_space<semaphore_mem>>
    %dma_start3A_293 = tpu.memref_squeeze %dma_start3A_292 : memref<1x!tpu.dma_semaphore, #tpu.memory_space<semaphore_mem>> -> memref<!tpu.dma_semaphore, #tpu.memory_space<semaphore_mem>>
    %dma_start3A_294 = arith.constant 0 : i32
    %dma_start3A_295 = tpu.memref_slice %arg4[%add3A_283, %dma_start3A_294] : memref<204800x128xf32, #tpu.memory_space<hbm>> -> memref<64x128xf32, #tpu.memory_space<hbm>>
    %dma_start3A_296 = arith.constant 0 : i32
    %dma_start3A_297 = arith.constant 0 : i32
    %dma_start3A_298 = tpu.memref_slice %arg6[%dma_start3A_284, %dma_start3A_296, %dma_start3A_297] : memref<12x64x128xf32, #tpu.memory_space<vmem>> -> memref<1x64x128xf32, #tpu.memory_space<vmem>>
    %dma_start3A_299 = tpu.memref_squeeze %dma_start3A_298 : memref<1x64x128xf32, #tpu.memory_space<vmem>> -> memref<64x128xf32, #tpu.memory_space<vmem>>
    tpu.enqueue_dma source(%dma_start3A_299 : memref<64x128xf32, #tpu.memory_space<vmem>>) target(%dma_start3A_295 : memref<64x128xf32, #tpu.memory_space<hbm>>) target_semaphore(%dma_start3A_293 : memref<!tpu.dma_semaphore, #tpu.memory_space<semaphore_mem>>)
    %dma_wait3A_300 = arith.constant 4 : i32
    %dma_wait3A_301 = arith.constant 4 : i32
    %dma_wait3A_302 = arith.constant 0 : i32
    %dma_wait3A_303 = arith.constant 0 : i32
    %dma_wait3A_304 = tpu.memref_slice %arg6[%dma_wait3A_300, %dma_wait3A_302, %dma_wait3A_303] : memref<12x64x128xf32, #tpu.memory_space<vmem>> -> memref<1x64x128xf32, #tpu.memory_space<vmem>>
    %dma_wait3A_305 = tpu.memref_squeeze %dma_wait3A_304 : memref<1x64x128xf32, #tpu.memory_space<vmem>> -> memref<64x128xf32, #tpu.memory_space<vmem>>
    %dma_wait3A_306 = arith.constant 5632 : i32
    %dma_wait3A_307 = tpu.memref_slice %arg5[%dma_wait3A_306] : memref<6400xi32, #tpu.memory_space<vmem>> -> memref<64xi32, #tpu.memory_space<vmem>>
    %dma_wait3A_308 = arith.constant 0 : i32
    %dma_wait3A_309 = arith.constant 0 : i32
    %dma_wait3A_310 = tpu.memref_slice %arg3[%dma_wait3A_308, %dma_wait3A_309] : memref<100000x128xf32, #tpu.memory_space<hbm>> -> memref<100000x128xf32, #tpu.memory_space<hbm>>
    %dma_wait3A_311 = tpu.memref_slice %arg7[%dma_wait3A_301] : memref<12x!tpu.dma_semaphore, #tpu.memory_space<semaphore_mem>> -> memref<1x!tpu.dma_semaphore, #tpu.memory_space<semaphore_mem>>
    %dma_wait3A_312 = tpu.memref_squeeze %dma_wait3A_311 : memref<1x!tpu.dma_semaphore, #tpu.memory_space<semaphore_mem>> -> memref<!tpu.dma_semaphore, #tpu.memory_space<semaphore_mem>>
    tpu.wait_indirect_dma semaphore(%dma_wait3A_312 : memref<!tpu.dma_semaphore, #tpu.memory_space<semaphore_mem>>) src(%dma_wait3A_310 : memref<100000x128xf32, #tpu.memory_space<hbm>>) dst(%dma_wait3A_305 : memref<64x128xf32, #tpu.memory_space<vmem>>)
    %add3A_313 = arith.constant 5632 : i32
    %add3A_314 = arith.addi %mul3A_2, %add3A_313 : i32
    %dma_start3A_315 = arith.constant 4 : i32
    %dma_start3A_316 = arith.constant 4 : i32
    %dma_start3A_317 = arith.constant 0 : i32
    %dma_start3A_318 = arith.constant 0 : i32
    %dma_start3A_319 = tpu.memref_slice %arg6[%dma_start3A_315, %dma_start3A_317, %dma_start3A_318] : memref<12x64x128xf32, #tpu.memory_space<vmem>> -> memref<1x64x128xf32, #tpu.memory_space<vmem>>
    %dma_start3A_320 = tpu.memref_squeeze %dma_start3A_319 : memref<1x64x128xf32, #tpu.memory_space<vmem>> -> memref<64x128xf32, #tpu.memory_space<vmem>>
    %dma_start3A_321 = arith.constant 0 : i32
    %dma_start3A_322 = tpu.memref_slice %arg4[%add3A_314, %dma_start3A_321] : memref<204800x128xf32, #tpu.memory_space<hbm>> -> memref<64x128xf32, #tpu.memory_space<hbm>>
    %dma_start3A_323 = tpu.memref_slice %arg8[%dma_start3A_316] : memref<12x!tpu.dma_semaphore, #tpu.memory_space<semaphore_mem>> -> memref<1x!tpu.dma_semaphore, #tpu.memory_space<semaphore_mem>>
    %dma_start3A_324 = tpu.memref_squeeze %dma_start3A_323 : memref<1x!tpu.dma_semaphore, #tpu.memory_space<semaphore_mem>> -> memref<!tpu.dma_semaphore, #tpu.memory_space<semaphore_mem>>
    %dma_start3A_325 = arith.constant 0 : i32
    %dma_start3A_326 = tpu.memref_slice %arg4[%add3A_314, %dma_start3A_325] : memref<204800x128xf32, #tpu.memory_space<hbm>> -> memref<64x128xf32, #tpu.memory_space<hbm>>
    %dma_start3A_327 = arith.constant 0 : i32
    %dma_start3A_328 = arith.constant 0 : i32
    %dma_start3A_329 = tpu.memref_slice %arg6[%dma_start3A_315, %dma_start3A_327, %dma_start3A_328] : memref<12x64x128xf32, #tpu.memory_space<vmem>> -> memref<1x64x128xf32, #tpu.memory_space<vmem>>
    %dma_start3A_330 = tpu.memref_squeeze %dma_start3A_329 : memref<1x64x128xf32, #tpu.memory_space<vmem>> -> memref<64x128xf32, #tpu.memory_space<vmem>>
    tpu.enqueue_dma source(%dma_start3A_330 : memref<64x128xf32, #tpu.memory_space<vmem>>) target(%dma_start3A_326 : memref<64x128xf32, #tpu.memory_space<hbm>>) target_semaphore(%dma_start3A_324 : memref<!tpu.dma_semaphore, #tpu.memory_space<semaphore_mem>>)
    %dma_wait3A_331 = arith.constant 5 : i32
    %dma_wait3A_332 = arith.constant 5 : i32
    %dma_wait3A_333 = arith.constant 0 : i32
    %dma_wait3A_334 = arith.constant 0 : i32
    %dma_wait3A_335 = tpu.memref_slice %arg6[%dma_wait3A_331, %dma_wait3A_333, %dma_wait3A_334] : memref<12x64x128xf32, #tpu.memory_space<vmem>> -> memref<1x64x128xf32, #tpu.memory_space<vmem>>
    %dma_wait3A_336 = tpu.memref_squeeze %dma_wait3A_335 : memref<1x64x128xf32, #tpu.memory_space<vmem>> -> memref<64x128xf32, #tpu.memory_space<vmem>>
    %dma_wait3A_337 = arith.constant 5696 : i32
    %dma_wait3A_338 = tpu.memref_slice %arg5[%dma_wait3A_337] : memref<6400xi32, #tpu.memory_space<vmem>> -> memref<64xi32, #tpu.memory_space<vmem>>
    %dma_wait3A_339 = arith.constant 0 : i32
    %dma_wait3A_340 = arith.constant 0 : i32
    %dma_wait3A_341 = tpu.memref_slice %arg3[%dma_wait3A_339, %dma_wait3A_340] : memref<100000x128xf32, #tpu.memory_space<hbm>> -> memref<100000x128xf32, #tpu.memory_space<hbm>>
    %dma_wait3A_342 = tpu.memref_slice %arg7[%dma_wait3A_332] : memref<12x!tpu.dma_semaphore, #tpu.memory_space<semaphore_mem>> -> memref<1x!tpu.dma_semaphore, #tpu.memory_space<semaphore_mem>>
    %dma_wait3A_343 = tpu.memref_squeeze %dma_wait3A_342 : memref<1x!tpu.dma_semaphore, #tpu.memory_space<semaphore_mem>> -> memref<!tpu.dma_semaphore, #tpu.memory_space<semaphore_mem>>
    tpu.wait_indirect_dma semaphore(%dma_wait3A_343 : memref<!tpu.dma_semaphore, #tpu.memory_space<semaphore_mem>>) src(%dma_wait3A_341 : memref<100000x128xf32, #tpu.memory_space<hbm>>) dst(%dma_wait3A_336 : memref<64x128xf32, #tpu.memory_space<vmem>>)
    %add3A_344 = arith.constant 5696 : i32
    %add3A_345 = arith.addi %mul3A_2, %add3A_344 : i32
    %dma_start3A_346 = arith.constant 5 : i32
    %dma_start3A_347 = arith.constant 5 : i32
    %dma_start3A_348 = arith.constant 0 : i32
    %dma_start3A_349 = arith.constant 0 : i32
    %dma_start3A_350 = tpu.memref_slice %arg6[%dma_start3A_346, %dma_start3A_348, %dma_start3A_349] : memref<12x64x128xf32, #tpu.memory_space<vmem>> -> memref<1x64x128xf32, #tpu.memory_space<vmem>>
    %dma_start3A_351 = tpu.memref_squeeze %dma_start3A_350 : memref<1x64x128xf32, #tpu.memory_space<vmem>> -> memref<64x128xf32, #tpu.memory_space<vmem>>
    %dma_start3A_352 = arith.constant 0 : i32
    %dma_start3A_353 = tpu.memref_slice %arg4[%add3A_345, %dma_start3A_352] : memref<204800x128xf32, #tpu.memory_space<hbm>> -> memref<64x128xf32, #tpu.memory_space<hbm>>
    %dma_start3A_354 = tpu.memref_slice %arg8[%dma_start3A_347] : memref<12x!tpu.dma_semaphore, #tpu.memory_space<semaphore_mem>> -> memref<1x!tpu.dma_semaphore, #tpu.memory_space<semaphore_mem>>
    %dma_start3A_355 = tpu.memref_squeeze %dma_start3A_354 : memref<1x!tpu.dma_semaphore, #tpu.memory_space<semaphore_mem>> -> memref<!tpu.dma_semaphore, #tpu.memory_space<semaphore_mem>>
    %dma_start3A_356 = arith.constant 0 : i32
    %dma_start3A_357 = tpu.memref_slice %arg4[%add3A_345, %dma_start3A_356] : memref<204800x128xf32, #tpu.memory_space<hbm>> -> memref<64x128xf32, #tpu.memory_space<hbm>>
    %dma_start3A_358 = arith.constant 0 : i32
    %dma_start3A_359 = arith.constant 0 : i32
    %dma_start3A_360 = tpu.memref_slice %arg6[%dma_start3A_346, %dma_start3A_358, %dma_start3A_359] : memref<12x64x128xf32, #tpu.memory_space<vmem>> -> memref<1x64x128xf32, #tpu.memory_space<vmem>>
    %dma_start3A_361 = tpu.memref_squeeze %dma_start3A_360 : memref<1x64x128xf32, #tpu.memory_space<vmem>> -> memref<64x128xf32, #tpu.memory_space<vmem>>
    tpu.enqueue_dma source(%dma_start3A_361 : memref<64x128xf32, #tpu.memory_space<vmem>>) target(%dma_start3A_357 : memref<64x128xf32, #tpu.memory_space<hbm>>) target_semaphore(%dma_start3A_355 : memref<!tpu.dma_semaphore, #tpu.memory_space<semaphore_mem>>)
    %dma_wait3A_362 = arith.constant 6 : i32
    %dma_wait3A_363 = arith.constant 6 : i32
    %dma_wait3A_364 = arith.constant 0 : i32
    %dma_wait3A_365 = arith.constant 0 : i32
    %dma_wait3A_366 = tpu.memref_slice %arg6[%dma_wait3A_362, %dma_wait3A_364, %dma_wait3A_365] : memref<12x64x128xf32, #tpu.memory_space<vmem>> -> memref<1x64x128xf32, #tpu.memory_space<vmem>>
    %dma_wait3A_367 = tpu.memref_squeeze %dma_wait3A_366 : memref<1x64x128xf32, #tpu.memory_space<vmem>> -> memref<64x128xf32, #tpu.memory_space<vmem>>
    %dma_wait3A_368 = arith.constant 5760 : i32
    %dma_wait3A_369 = tpu.memref_slice %arg5[%dma_wait3A_368] : memref<6400xi32, #tpu.memory_space<vmem>> -> memref<64xi32, #tpu.memory_space<vmem>>
    %dma_wait3A_370 = arith.constant 0 : i32
    %dma_wait3A_371 = arith.constant 0 : i32
    %dma_wait3A_372 = tpu.memref_slice %arg3[%dma_wait3A_370, %dma_wait3A_371] : memref<100000x128xf32, #tpu.memory_space<hbm>> -> memref<100000x128xf32, #tpu.memory_space<hbm>>
    %dma_wait3A_373 = tpu.memref_slice %arg7[%dma_wait3A_363] : memref<12x!tpu.dma_semaphore, #tpu.memory_space<semaphore_mem>> -> memref<1x!tpu.dma_semaphore, #tpu.memory_space<semaphore_mem>>
    %dma_wait3A_374 = tpu.memref_squeeze %dma_wait3A_373 : memref<1x!tpu.dma_semaphore, #tpu.memory_space<semaphore_mem>> -> memref<!tpu.dma_semaphore, #tpu.memory_space<semaphore_mem>>
    tpu.wait_indirect_dma semaphore(%dma_wait3A_374 : memref<!tpu.dma_semaphore, #tpu.memory_space<semaphore_mem>>) src(%dma_wait3A_372 : memref<100000x128xf32, #tpu.memory_space<hbm>>) dst(%dma_wait3A_367 : memref<64x128xf32, #tpu.memory_space<vmem>>)
    %add3A_375 = arith.constant 5760 : i32
    %add3A_376 = arith.addi %mul3A_2, %add3A_375 : i32
    %dma_start3A_377 = arith.constant 6 : i32
    %dma_start3A_378 = arith.constant 6 : i32
    %dma_start3A_379 = arith.constant 0 : i32
    %dma_start3A_380 = arith.constant 0 : i32
    %dma_start3A_381 = tpu.memref_slice %arg6[%dma_start3A_377, %dma_start3A_379, %dma_start3A_380] : memref<12x64x128xf32, #tpu.memory_space<vmem>> -> memref<1x64x128xf32, #tpu.memory_space<vmem>>
    %dma_start3A_382 = tpu.memref_squeeze %dma_start3A_381 : memref<1x64x128xf32, #tpu.memory_space<vmem>> -> memref<64x128xf32, #tpu.memory_space<vmem>>
    %dma_start3A_383 = arith.constant 0 : i32
    %dma_start3A_384 = tpu.memref_slice %arg4[%add3A_376, %dma_start3A_383] : memref<204800x128xf32, #tpu.memory_space<hbm>> -> memref<64x128xf32, #tpu.memory_space<hbm>>
    %dma_start3A_385 = tpu.memref_slice %arg8[%dma_start3A_378] : memref<12x!tpu.dma_semaphore, #tpu.memory_space<semaphore_mem>> -> memref<1x!tpu.dma_semaphore, #tpu.memory_space<semaphore_mem>>
    %dma_start3A_386 = tpu.memref_squeeze %dma_start3A_385 : memref<1x!tpu.dma_semaphore, #tpu.memory_space<semaphore_mem>> -> memref<!tpu.dma_semaphore, #tpu.memory_space<semaphore_mem>>
    %dma_start3A_387 = arith.constant 0 : i32
    %dma_start3A_388 = tpu.memref_slice %arg4[%add3A_376, %dma_start3A_387] : memref<204800x128xf32, #tpu.memory_space<hbm>> -> memref<64x128xf32, #tpu.memory_space<hbm>>
    %dma_start3A_389 = arith.constant 0 : i32
    %dma_start3A_390 = arith.constant 0 : i32
    %dma_start3A_391 = tpu.memref_slice %arg6[%dma_start3A_377, %dma_start3A_389, %dma_start3A_390] : memref<12x64x128xf32, #tpu.memory_space<vmem>> -> memref<1x64x128xf32, #tpu.memory_space<vmem>>
    %dma_start3A_392 = tpu.memref_squeeze %dma_start3A_391 : memref<1x64x128xf32, #tpu.memory_space<vmem>> -> memref<64x128xf32, #tpu.memory_space<vmem>>
    tpu.enqueue_dma source(%dma_start3A_392 : memref<64x128xf32, #tpu.memory_space<vmem>>) target(%dma_start3A_388 : memref<64x128xf32, #tpu.memory_space<hbm>>) target_semaphore(%dma_start3A_386 : memref<!tpu.dma_semaphore, #tpu.memory_space<semaphore_mem>>)
    %dma_wait3A_393 = arith.constant 7 : i32
    %dma_wait3A_394 = arith.constant 7 : i32
    %dma_wait3A_395 = arith.constant 0 : i32
    %dma_wait3A_396 = arith.constant 0 : i32
    %dma_wait3A_397 = tpu.memref_slice %arg6[%dma_wait3A_393, %dma_wait3A_395, %dma_wait3A_396] : memref<12x64x128xf32, #tpu.memory_space<vmem>> -> memref<1x64x128xf32, #tpu.memory_space<vmem>>
    %dma_wait3A_398 = tpu.memref_squeeze %dma_wait3A_397 : memref<1x64x128xf32, #tpu.memory_space<vmem>> -> memref<64x128xf32, #tpu.memory_space<vmem>>
    %dma_wait3A_399 = arith.constant 5824 : i32
    %dma_wait3A_400 = tpu.memref_slice %arg5[%dma_wait3A_399] : memref<6400xi32, #tpu.memory_space<vmem>> -> memref<64xi32, #tpu.memory_space<vmem>>
    %dma_wait3A_401 = arith.constant 0 : i32
    %dma_wait3A_402 = arith.constant 0 : i32
    %dma_wait3A_403 = tpu.memref_slice %arg3[%dma_wait3A_401, %dma_wait3A_402] : memref<100000x128xf32, #tpu.memory_space<hbm>> -> memref<100000x128xf32, #tpu.memory_space<hbm>>
    %dma_wait3A_404 = tpu.memref_slice %arg7[%dma_wait3A_394] : memref<12x!tpu.dma_semaphore, #tpu.memory_space<semaphore_mem>> -> memref<1x!tpu.dma_semaphore, #tpu.memory_space<semaphore_mem>>
    %dma_wait3A_405 = tpu.memref_squeeze %dma_wait3A_404 : memref<1x!tpu.dma_semaphore, #tpu.memory_space<semaphore_mem>> -> memref<!tpu.dma_semaphore, #tpu.memory_space<semaphore_mem>>
    tpu.wait_indirect_dma semaphore(%dma_wait3A_405 : memref<!tpu.dma_semaphore, #tpu.memory_space<semaphore_mem>>) src(%dma_wait3A_403 : memref<100000x128xf32, #tpu.memory_space<hbm>>) dst(%dma_wait3A_398 : memref<64x128xf32, #tpu.memory_space<vmem>>)
    %add3A_406 = arith.constant 5824 : i32
    %add3A_407 = arith.addi %mul3A_2, %add3A_406 : i32
    %dma_start3A_408 = arith.constant 7 : i32
    %dma_start3A_409 = arith.constant 7 : i32
    %dma_start3A_410 = arith.constant 0 : i32
    %dma_start3A_411 = arith.constant 0 : i32
    %dma_start3A_412 = tpu.memref_slice %arg6[%dma_start3A_408, %dma_start3A_410, %dma_start3A_411] : memref<12x64x128xf32, #tpu.memory_space<vmem>> -> memref<1x64x128xf32, #tpu.memory_space<vmem>>
    %dma_start3A_413 = tpu.memref_squeeze %dma_start3A_412 : memref<1x64x128xf32, #tpu.memory_space<vmem>> -> memref<64x128xf32, #tpu.memory_space<vmem>>
    %dma_start3A_414 = arith.constant 0 : i32
    %dma_start3A_415 = tpu.memref_slice %arg4[%add3A_407, %dma_start3A_414] : memref<204800x128xf32, #tpu.memory_space<hbm>> -> memref<64x128xf32, #tpu.memory_space<hbm>>
    %dma_start3A_416 = tpu.memref_slice %arg8[%dma_start3A_409] : memref<12x!tpu.dma_semaphore, #tpu.memory_space<semaphore_mem>> -> memref<1x!tpu.dma_semaphore, #tpu.memory_space<semaphore_mem>>
    %dma_start3A_417 = tpu.memref_squeeze %dma_start3A_416 : memref<1x!tpu.dma_semaphore, #tpu.memory_space<semaphore_mem>> -> memref<!tpu.dma_semaphore, #tpu.memory_space<semaphore_mem>>
    %dma_start3A_418 = arith.constant 0 : i32
    %dma_start3A_419 = tpu.memref_slice %arg4[%add3A_407, %dma_start3A_418] : memref<204800x128xf32, #tpu.memory_space<hbm>> -> memref<64x128xf32, #tpu.memory_space<hbm>>
    %dma_start3A_420 = arith.constant 0 : i32
    %dma_start3A_421 = arith.constant 0 : i32
    %dma_start3A_422 = tpu.memref_slice %arg6[%dma_start3A_408, %dma_start3A_420, %dma_start3A_421] : memref<12x64x128xf32, #tpu.memory_space<vmem>> -> memref<1x64x128xf32, #tpu.memory_space<vmem>>
    %dma_start3A_423 = tpu.memref_squeeze %dma_start3A_422 : memref<1x64x128xf32, #tpu.memory_space<vmem>> -> memref<64x128xf32, #tpu.memory_space<vmem>>
    tpu.enqueue_dma source(%dma_start3A_423 : memref<64x128xf32, #tpu.memory_space<vmem>>) target(%dma_start3A_419 : memref<64x128xf32, #tpu.memory_space<hbm>>) target_semaphore(%dma_start3A_417 : memref<!tpu.dma_semaphore, #tpu.memory_space<semaphore_mem>>)
    %dma_wait3A_424 = arith.constant 8 : i32
    %dma_wait3A_425 = arith.constant 8 : i32
    %dma_wait3A_426 = arith.constant 0 : i32
    %dma_wait3A_427 = arith.constant 0 : i32
    %dma_wait3A_428 = tpu.memref_slice %arg6[%dma_wait3A_424, %dma_wait3A_426, %dma_wait3A_427] : memref<12x64x128xf32, #tpu.memory_space<vmem>> -> memref<1x64x128xf32, #tpu.memory_space<vmem>>
    %dma_wait3A_429 = tpu.memref_squeeze %dma_wait3A_428 : memref<1x64x128xf32, #tpu.memory_space<vmem>> -> memref<64x128xf32, #tpu.memory_space<vmem>>
    %dma_wait3A_430 = arith.constant 5888 : i32
    %dma_wait3A_431 = tpu.memref_slice %arg5[%dma_wait3A_430] : memref<6400xi32, #tpu.memory_space<vmem>> -> memref<64xi32, #tpu.memory_space<vmem>>
    %dma_wait3A_432 = arith.constant 0 : i32
    %dma_wait3A_433 = arith.constant 0 : i32
    %dma_wait3A_434 = tpu.memref_slice %arg3[%dma_wait3A_432, %dma_wait3A_433] : memref<100000x128xf32, #tpu.memory_space<hbm>> -> memref<100000x128xf32, #tpu.memory_space<hbm>>
    %dma_wait3A_435 = tpu.memref_slice %arg7[%dma_wait3A_425] : memref<12x!tpu.dma_semaphore, #tpu.memory_space<semaphore_mem>> -> memref<1x!tpu.dma_semaphore, #tpu.memory_space<semaphore_mem>>
    %dma_wait3A_436 = tpu.memref_squeeze %dma_wait3A_435 : memref<1x!tpu.dma_semaphore, #tpu.memory_space<semaphore_mem>> -> memref<!tpu.dma_semaphore, #tpu.memory_space<semaphore_mem>>
    tpu.wait_indirect_dma semaphore(%dma_wait3A_436 : memref<!tpu.dma_semaphore, #tpu.memory_space<semaphore_mem>>) src(%dma_wait3A_434 : memref<100000x128xf32, #tpu.memory_space<hbm>>) dst(%dma_wait3A_429 : memref<64x128xf32, #tpu.memory_space<vmem>>)
    %add3A_437 = arith.constant 5888 : i32
    %add3A_438 = arith.addi %mul3A_2, %add3A_437 : i32
    %dma_start3A_439 = arith.constant 8 : i32
    %dma_start3A_440 = arith.constant 8 : i32
    %dma_start3A_441 = arith.constant 0 : i32
    %dma_start3A_442 = arith.constant 0 : i32
    %dma_start3A_443 = tpu.memref_slice %arg6[%dma_start3A_439, %dma_start3A_441, %dma_start3A_442] : memref<12x64x128xf32, #tpu.memory_space<vmem>> -> memref<1x64x128xf32, #tpu.memory_space<vmem>>
    %dma_start3A_444 = tpu.memref_squeeze %dma_start3A_443 : memref<1x64x128xf32, #tpu.memory_space<vmem>> -> memref<64x128xf32, #tpu.memory_space<vmem>>
    %dma_start3A_445 = arith.constant 0 : i32
    %dma_start3A_446 = tpu.memref_slice %arg4[%add3A_438, %dma_start3A_445] : memref<204800x128xf32, #tpu.memory_space<hbm>> -> memref<64x128xf32, #tpu.memory_space<hbm>>
    %dma_start3A_447 = tpu.memref_slice %arg8[%dma_start3A_440] : memref<12x!tpu.dma_semaphore, #tpu.memory_space<semaphore_mem>> -> memref<1x!tpu.dma_semaphore, #tpu.memory_space<semaphore_mem>>
    %dma_start3A_448 = tpu.memref_squeeze %dma_start3A_447 : memref<1x!tpu.dma_semaphore, #tpu.memory_space<semaphore_mem>> -> memref<!tpu.dma_semaphore, #tpu.memory_space<semaphore_mem>>
    %dma_start3A_449 = arith.constant 0 : i32
    %dma_start3A_450 = tpu.memref_slice %arg4[%add3A_438, %dma_start3A_449] : memref<204800x128xf32, #tpu.memory_space<hbm>> -> memref<64x128xf32, #tpu.memory_space<hbm>>
    %dma_start3A_451 = arith.constant 0 : i32
    %dma_start3A_452 = arith.constant 0 : i32
    %dma_start3A_453 = tpu.memref_slice %arg6[%dma_start3A_439, %dma_start3A_451, %dma_start3A_452] : memref<12x64x128xf32, #tpu.memory_space<vmem>> -> memref<1x64x128xf32, #tpu.memory_space<vmem>>
    %dma_start3A_454 = tpu.memref_squeeze %dma_start3A_453 : memref<1x64x128xf32, #tpu.memory_space<vmem>> -> memref<64x128xf32, #tpu.memory_space<vmem>>
    tpu.enqueue_dma source(%dma_start3A_454 : memref<64x128xf32, #tpu.memory_space<vmem>>) target(%dma_start3A_450 : memref<64x128xf32, #tpu.memory_space<hbm>>) target_semaphore(%dma_start3A_448 : memref<!tpu.dma_semaphore, #tpu.memory_space<semaphore_mem>>)
    %dma_wait3A_455 = arith.constant 9 : i32
    %dma_wait3A_456 = arith.constant 9 : i32
    %dma_wait3A_457 = arith.constant 0 : i32
    %dma_wait3A_458 = arith.constant 0 : i32
    %dma_wait3A_459 = tpu.memref_slice %arg6[%dma_wait3A_455, %dma_wait3A_457, %dma_wait3A_458] : memref<12x64x128xf32, #tpu.memory_space<vmem>> -> memref<1x64x128xf32, #tpu.memory_space<vmem>>
    %dma_wait3A_460 = tpu.memref_squeeze %dma_wait3A_459 : memref<1x64x128xf32, #tpu.memory_space<vmem>> -> memref<64x128xf32, #tpu.memory_space<vmem>>
    %dma_wait3A_461 = arith.constant 5952 : i32
    %dma_wait3A_462 = tpu.memref_slice %arg5[%dma_wait3A_461] : memref<6400xi32, #tpu.memory_space<vmem>> -> memref<64xi32, #tpu.memory_space<vmem>>
    %dma_wait3A_463 = arith.constant 0 : i32
    %dma_wait3A_464 = arith.constant 0 : i32
    %dma_wait3A_465 = tpu.memref_slice %arg3[%dma_wait3A_463, %dma_wait3A_464] : memref<100000x128xf32, #tpu.memory_space<hbm>> -> memref<100000x128xf32, #tpu.memory_space<hbm>>
    %dma_wait3A_466 = tpu.memref_slice %arg7[%dma_wait3A_456] : memref<12x!tpu.dma_semaphore, #tpu.memory_space<semaphore_mem>> -> memref<1x!tpu.dma_semaphore, #tpu.memory_space<semaphore_mem>>
    %dma_wait3A_467 = tpu.memref_squeeze %dma_wait3A_466 : memref<1x!tpu.dma_semaphore, #tpu.memory_space<semaphore_mem>> -> memref<!tpu.dma_semaphore, #tpu.memory_space<semaphore_mem>>
    tpu.wait_indirect_dma semaphore(%dma_wait3A_467 : memref<!tpu.dma_semaphore, #tpu.memory_space<semaphore_mem>>) src(%dma_wait3A_465 : memref<100000x128xf32, #tpu.memory_space<hbm>>) dst(%dma_wait3A_460 : memref<64x128xf32, #tpu.memory_space<vmem>>)
    %add3A_468 = arith.constant 5952 : i32
    %add3A_469 = arith.addi %mul3A_2, %add3A_468 : i32
    %dma_start3A_470 = arith.constant 9 : i32
    %dma_start3A_471 = arith.constant 9 : i32
    %dma_start3A_472 = arith.constant 0 : i32
    %dma_start3A_473 = arith.constant 0 : i32
    %dma_start3A_474 = tpu.memref_slice %arg6[%dma_start3A_470, %dma_start3A_472, %dma_start3A_473] : memref<12x64x128xf32, #tpu.memory_space<vmem>> -> memref<1x64x128xf32, #tpu.memory_space<vmem>>
    %dma_start3A_475 = tpu.memref_squeeze %dma_start3A_474 : memref<1x64x128xf32, #tpu.memory_space<vmem>> -> memref<64x128xf32, #tpu.memory_space<vmem>>
    %dma_start3A_476 = arith.constant 0 : i32
    %dma_start3A_477 = tpu.memref_slice %arg4[%add3A_469, %dma_start3A_476] : memref<204800x128xf32, #tpu.memory_space<hbm>> -> memref<64x128xf32, #tpu.memory_space<hbm>>
    %dma_start3A_478 = tpu.memref_slice %arg8[%dma_start3A_471] : memref<12x!tpu.dma_semaphore, #tpu.memory_space<semaphore_mem>> -> memref<1x!tpu.dma_semaphore, #tpu.memory_space<semaphore_mem>>
    %dma_start3A_479 = tpu.memref_squeeze %dma_start3A_478 : memref<1x!tpu.dma_semaphore, #tpu.memory_space<semaphore_mem>> -> memref<!tpu.dma_semaphore, #tpu.memory_space<semaphore_mem>>
    %dma_start3A_480 = arith.constant 0 : i32
    %dma_start3A_481 = tpu.memref_slice %arg4[%add3A_469, %dma_start3A_480] : memref<204800x128xf32, #tpu.memory_space<hbm>> -> memref<64x128xf32, #tpu.memory_space<hbm>>
    %dma_start3A_482 = arith.constant 0 : i32
    %dma_start3A_483 = arith.constant 0 : i32
    %dma_start3A_484 = tpu.memref_slice %arg6[%dma_start3A_470, %dma_start3A_482, %dma_start3A_483] : memref<12x64x128xf32, #tpu.memory_space<vmem>> -> memref<1x64x128xf32, #tpu.memory_space<vmem>>
    %dma_start3A_485 = tpu.memref_squeeze %dma_start3A_484 : memref<1x64x128xf32, #tpu.memory_space<vmem>> -> memref<64x128xf32, #tpu.memory_space<vmem>>
    tpu.enqueue_dma source(%dma_start3A_485 : memref<64x128xf32, #tpu.memory_space<vmem>>) target(%dma_start3A_481 : memref<64x128xf32, #tpu.memory_space<hbm>>) target_semaphore(%dma_start3A_479 : memref<!tpu.dma_semaphore, #tpu.memory_space<semaphore_mem>>)
    %dma_wait3A_486 = arith.constant 10 : i32
    %dma_wait3A_487 = arith.constant 10 : i32
    %dma_wait3A_488 = arith.constant 0 : i32
    %dma_wait3A_489 = arith.constant 0 : i32
    %dma_wait3A_490 = tpu.memref_slice %arg6[%dma_wait3A_486, %dma_wait3A_488, %dma_wait3A_489] : memref<12x64x128xf32, #tpu.memory_space<vmem>> -> memref<1x64x128xf32, #tpu.memory_space<vmem>>
    %dma_wait3A_491 = tpu.memref_squeeze %dma_wait3A_490 : memref<1x64x128xf32, #tpu.memory_space<vmem>> -> memref<64x128xf32, #tpu.memory_space<vmem>>
    %dma_wait3A_492 = arith.constant 6016 : i32
    %dma_wait3A_493 = tpu.memref_slice %arg5[%dma_wait3A_492] : memref<6400xi32, #tpu.memory_space<vmem>> -> memref<64xi32, #tpu.memory_space<vmem>>
    %dma_wait3A_494 = arith.constant 0 : i32
    %dma_wait3A_495 = arith.constant 0 : i32
    %dma_wait3A_496 = tpu.memref_slice %arg3[%dma_wait3A_494, %dma_wait3A_495] : memref<100000x128xf32, #tpu.memory_space<hbm>> -> memref<100000x128xf32, #tpu.memory_space<hbm>>
    %dma_wait3A_497 = tpu.memref_slice %arg7[%dma_wait3A_487] : memref<12x!tpu.dma_semaphore, #tpu.memory_space<semaphore_mem>> -> memref<1x!tpu.dma_semaphore, #tpu.memory_space<semaphore_mem>>
    %dma_wait3A_498 = tpu.memref_squeeze %dma_wait3A_497 : memref<1x!tpu.dma_semaphore, #tpu.memory_space<semaphore_mem>> -> memref<!tpu.dma_semaphore, #tpu.memory_space<semaphore_mem>>
    tpu.wait_indirect_dma semaphore(%dma_wait3A_498 : memref<!tpu.dma_semaphore, #tpu.memory_space<semaphore_mem>>) src(%dma_wait3A_496 : memref<100000x128xf32, #tpu.memory_space<hbm>>) dst(%dma_wait3A_491 : memref<64x128xf32, #tpu.memory_space<vmem>>)
    %add3A_499 = arith.constant 6016 : i32
    %add3A_500 = arith.addi %mul3A_2, %add3A_499 : i32
    %dma_start3A_501 = arith.constant 10 : i32
    %dma_start3A_502 = arith.constant 10 : i32
    %dma_start3A_503 = arith.constant 0 : i32
    %dma_start3A_504 = arith.constant 0 : i32
    %dma_start3A_505 = tpu.memref_slice %arg6[%dma_start3A_501, %dma_start3A_503, %dma_start3A_504] : memref<12x64x128xf32, #tpu.memory_space<vmem>> -> memref<1x64x128xf32, #tpu.memory_space<vmem>>
    %dma_start3A_506 = tpu.memref_squeeze %dma_start3A_505 : memref<1x64x128xf32, #tpu.memory_space<vmem>> -> memref<64x128xf32, #tpu.memory_space<vmem>>
    %dma_start3A_507 = arith.constant 0 : i32
    %dma_start3A_508 = tpu.memref_slice %arg4[%add3A_500, %dma_start3A_507] : memref<204800x128xf32, #tpu.memory_space<hbm>> -> memref<64x128xf32, #tpu.memory_space<hbm>>
    %dma_start3A_509 = tpu.memref_slice %arg8[%dma_start3A_502] : memref<12x!tpu.dma_semaphore, #tpu.memory_space<semaphore_mem>> -> memref<1x!tpu.dma_semaphore, #tpu.memory_space<semaphore_mem>>
    %dma_start3A_510 = tpu.memref_squeeze %dma_start3A_509 : memref<1x!tpu.dma_semaphore, #tpu.memory_space<semaphore_mem>> -> memref<!tpu.dma_semaphore, #tpu.memory_space<semaphore_mem>>
    %dma_start3A_511 = arith.constant 0 : i32
    %dma_start3A_512 = tpu.memref_slice %arg4[%add3A_500, %dma_start3A_511] : memref<204800x128xf32, #tpu.memory_space<hbm>> -> memref<64x128xf32, #tpu.memory_space<hbm>>
    %dma_start3A_513 = arith.constant 0 : i32
    %dma_start3A_514 = arith.constant 0 : i32
    %dma_start3A_515 = tpu.memref_slice %arg6[%dma_start3A_501, %dma_start3A_513, %dma_start3A_514] : memref<12x64x128xf32, #tpu.memory_space<vmem>> -> memref<1x64x128xf32, #tpu.memory_space<vmem>>
    %dma_start3A_516 = tpu.memref_squeeze %dma_start3A_515 : memref<1x64x128xf32, #tpu.memory_space<vmem>> -> memref<64x128xf32, #tpu.memory_space<vmem>>
    tpu.enqueue_dma source(%dma_start3A_516 : memref<64x128xf32, #tpu.memory_space<vmem>>) target(%dma_start3A_512 : memref<64x128xf32, #tpu.memory_space<hbm>>) target_semaphore(%dma_start3A_510 : memref<!tpu.dma_semaphore, #tpu.memory_space<semaphore_mem>>)
    %dma_wait3A_517 = arith.constant 11 : i32
    %dma_wait3A_518 = arith.constant 11 : i32
    %dma_wait3A_519 = arith.constant 0 : i32
    %dma_wait3A_520 = arith.constant 0 : i32
    %dma_wait3A_521 = tpu.memref_slice %arg6[%dma_wait3A_517, %dma_wait3A_519, %dma_wait3A_520] : memref<12x64x128xf32, #tpu.memory_space<vmem>> -> memref<1x64x128xf32, #tpu.memory_space<vmem>>
    %dma_wait3A_522 = tpu.memref_squeeze %dma_wait3A_521 : memref<1x64x128xf32, #tpu.memory_space<vmem>> -> memref<64x128xf32, #tpu.memory_space<vmem>>
    %dma_wait3A_523 = arith.constant 6080 : i32
    %dma_wait3A_524 = tpu.memref_slice %arg5[%dma_wait3A_523] : memref<6400xi32, #tpu.memory_space<vmem>> -> memref<64xi32, #tpu.memory_space<vmem>>
    %dma_wait3A_525 = arith.constant 0 : i32
    %dma_wait3A_526 = arith.constant 0 : i32
    %dma_wait3A_527 = tpu.memref_slice %arg3[%dma_wait3A_525, %dma_wait3A_526] : memref<100000x128xf32, #tpu.memory_space<hbm>> -> memref<100000x128xf32, #tpu.memory_space<hbm>>
    %dma_wait3A_528 = tpu.memref_slice %arg7[%dma_wait3A_518] : memref<12x!tpu.dma_semaphore, #tpu.memory_space<semaphore_mem>> -> memref<1x!tpu.dma_semaphore, #tpu.memory_space<semaphore_mem>>
    %dma_wait3A_529 = tpu.memref_squeeze %dma_wait3A_528 : memref<1x!tpu.dma_semaphore, #tpu.memory_space<semaphore_mem>> -> memref<!tpu.dma_semaphore, #tpu.memory_space<semaphore_mem>>
    tpu.wait_indirect_dma semaphore(%dma_wait3A_529 : memref<!tpu.dma_semaphore, #tpu.memory_space<semaphore_mem>>) src(%dma_wait3A_527 : memref<100000x128xf32, #tpu.memory_space<hbm>>) dst(%dma_wait3A_522 : memref<64x128xf32, #tpu.memory_space<vmem>>)
    %add3A_530 = arith.constant 6080 : i32
    %add3A_531 = arith.addi %mul3A_2, %add3A_530 : i32
    %dma_start3A_532 = arith.constant 11 : i32
    %dma_start3A_533 = arith.constant 11 : i32
    %dma_start3A_534 = arith.constant 0 : i32
    %dma_start3A_535 = arith.constant 0 : i32
    %dma_start3A_536 = tpu.memref_slice %arg6[%dma_start3A_532, %dma_start3A_534, %dma_start3A_535] : memref<12x64x128xf32, #tpu.memory_space<vmem>> -> memref<1x64x128xf32, #tpu.memory_space<vmem>>
    %dma_start3A_537 = tpu.memref_squeeze %dma_start3A_536 : memref<1x64x128xf32, #tpu.memory_space<vmem>> -> memref<64x128xf32, #tpu.memory_space<vmem>>
    %dma_start3A_538 = arith.constant 0 : i32
    %dma_start3A_539 = tpu.memref_slice %arg4[%add3A_531, %dma_start3A_538] : memref<204800x128xf32, #tpu.memory_space<hbm>> -> memref<64x128xf32, #tpu.memory_space<hbm>>
    %dma_start3A_540 = tpu.memref_slice %arg8[%dma_start3A_533] : memref<12x!tpu.dma_semaphore, #tpu.memory_space<semaphore_mem>> -> memref<1x!tpu.dma_semaphore, #tpu.memory_space<semaphore_mem>>
    %dma_start3A_541 = tpu.memref_squeeze %dma_start3A_540 : memref<1x!tpu.dma_semaphore, #tpu.memory_space<semaphore_mem>> -> memref<!tpu.dma_semaphore, #tpu.memory_space<semaphore_mem>>
    %dma_start3A_542 = arith.constant 0 : i32
    %dma_start3A_543 = tpu.memref_slice %arg4[%add3A_531, %dma_start3A_542] : memref<204800x128xf32, #tpu.memory_space<hbm>> -> memref<64x128xf32, #tpu.memory_space<hbm>>
    %dma_start3A_544 = arith.constant 0 : i32
    %dma_start3A_545 = arith.constant 0 : i32
    %dma_start3A_546 = tpu.memref_slice %arg6[%dma_start3A_532, %dma_start3A_544, %dma_start3A_545] : memref<12x64x128xf32, #tpu.memory_space<vmem>> -> memref<1x64x128xf32, #tpu.memory_space<vmem>>
    %dma_start3A_547 = tpu.memref_squeeze %dma_start3A_546 : memref<1x64x128xf32, #tpu.memory_space<vmem>> -> memref<64x128xf32, #tpu.memory_space<vmem>>
    tpu.enqueue_dma source(%dma_start3A_547 : memref<64x128xf32, #tpu.memory_space<vmem>>) target(%dma_start3A_543 : memref<64x128xf32, #tpu.memory_space<hbm>>) target_semaphore(%dma_start3A_541 : memref<!tpu.dma_semaphore, #tpu.memory_space<semaphore_mem>>)
    %add3A_548 = arith.constant 5376 : i32
    %add3A_549 = arith.addi %mul3A_2, %add3A_548 : i32
    %dma_wait3A_550 = arith.constant 0 : i32
    %dma_wait3A_551 = arith.constant 0 : i32
    %dma_wait3A_552 = arith.constant 0 : i32
    %dma_wait3A_553 = arith.constant 0 : i32
    %dma_wait3A_554 = tpu.memref_slice %arg6[%dma_wait3A_550, %dma_wait3A_552, %dma_wait3A_553] : memref<12x64x128xf32, #tpu.memory_space<vmem>> -> memref<1x64x128xf32, #tpu.memory_space<vmem>>
    %dma_wait3A_555 = tpu.memref_squeeze %dma_wait3A_554 : memref<1x64x128xf32, #tpu.memory_space<vmem>> -> memref<64x128xf32, #tpu.memory_space<vmem>>
    %dma_wait3A_556 = arith.constant 0 : i32
    %dma_wait3A_557 = tpu.memref_slice %arg4[%add3A_549, %dma_wait3A_556] : memref<204800x128xf32, #tpu.memory_space<hbm>> -> memref<64x128xf32, #tpu.memory_space<hbm>>
    %dma_wait3A_558 = tpu.memref_slice %arg8[%dma_wait3A_551] : memref<12x!tpu.dma_semaphore, #tpu.memory_space<semaphore_mem>> -> memref<1x!tpu.dma_semaphore, #tpu.memory_space<semaphore_mem>>
    %dma_wait3A_559 = tpu.memref_squeeze %dma_wait3A_558 : memref<1x!tpu.dma_semaphore, #tpu.memory_space<semaphore_mem>> -> memref<!tpu.dma_semaphore, #tpu.memory_space<semaphore_mem>>
    %dma_wait3A_560 = arith.constant 0 : i32
    %dma_wait3A_561 = tpu.memref_slice %arg4[%add3A_549, %dma_wait3A_560] : memref<204800x128xf32, #tpu.memory_space<hbm>> -> memref<64x128xf32, #tpu.memory_space<hbm>>
    %dma_wait3A_562 = arith.constant 0 : i32
    %dma_wait3A_563 = arith.constant 0 : i32
    %dma_wait3A_564 = tpu.memref_slice %arg6[%dma_wait3A_550, %dma_wait3A_562, %dma_wait3A_563] : memref<12x64x128xf32, #tpu.memory_space<vmem>> -> memref<1x64x128xf32, #tpu.memory_space<vmem>>
    %dma_wait3A_565 = tpu.memref_squeeze %dma_wait3A_564 : memref<1x64x128xf32, #tpu.memory_space<vmem>> -> memref<64x128xf32, #tpu.memory_space<vmem>>
    tpu.wait_dma2 semaphore(%dma_wait3A_559 : memref<!tpu.dma_semaphore, #tpu.memory_space<semaphore_mem>>) src(%dma_wait3A_565 : memref<64x128xf32, #tpu.memory_space<vmem>>) dst(%dma_wait3A_561 : memref<64x128xf32, #tpu.memory_space<hbm>>)
    %dma_start3A_566 = arith.constant 0 : i32
    %dma_start3A_567 = arith.constant 0 : i32
    %dma_start3A_568 = arith.constant 0 : i32
    %dma_start3A_569 = arith.constant 0 : i32
    %dma_start3A_570 = tpu.memref_slice %arg6[%dma_start3A_566, %dma_start3A_568, %dma_start3A_569] : memref<12x64x128xf32, #tpu.memory_space<vmem>> -> memref<1x64x128xf32, #tpu.memory_space<vmem>>
    %dma_start3A_571 = tpu.memref_squeeze %dma_start3A_570 : memref<1x64x128xf32, #tpu.memory_space<vmem>> -> memref<64x128xf32, #tpu.memory_space<vmem>>
    %dma_start3A_572 = arith.constant 6144 : i32
    %dma_start3A_573 = tpu.memref_slice %arg5[%dma_start3A_572] : memref<6400xi32, #tpu.memory_space<vmem>> -> memref<64xi32, #tpu.memory_space<vmem>>
    %dma_start3A_574 = arith.constant 0 : i32
    %dma_start3A_575 = arith.constant 0 : i32
    %dma_start3A_576 = tpu.memref_slice %arg3[%dma_start3A_574, %dma_start3A_575] : memref<100000x128xf32, #tpu.memory_space<hbm>> -> memref<100000x128xf32, #tpu.memory_space<hbm>>
    %dma_start3A_577 = tpu.memref_slice %arg7[%dma_start3A_567] : memref<12x!tpu.dma_semaphore, #tpu.memory_space<semaphore_mem>> -> memref<1x!tpu.dma_semaphore, #tpu.memory_space<semaphore_mem>>
    %dma_start3A_578 = tpu.memref_squeeze %dma_start3A_577 : memref<1x!tpu.dma_semaphore, #tpu.memory_space<semaphore_mem>> -> memref<!tpu.dma_semaphore, #tpu.memory_space<semaphore_mem>>
    tpu.enqueue_indirect_dma source(%dma_start3A_576 : memref<100000x128xf32, #tpu.memory_space<hbm>>) target(%dma_start3A_571 : memref<64x128xf32, #tpu.memory_space<vmem>>) offsets(%dma_start3A_573 : memref<64xi32, #tpu.memory_space<vmem>>) semaphore(%dma_start3A_578 : memref<!tpu.dma_semaphore, #tpu.memory_space<semaphore_mem>>)
    %add3A_579 = arith.constant 5440 : i32
    %add3A_580 = arith.addi %mul3A_2, %add3A_579 : i32
    %dma_wait3A_581 = arith.constant 1 : i32
    %dma_wait3A_582 = arith.constant 1 : i32
    %dma_wait3A_583 = arith.constant 0 : i32
    %dma_wait3A_584 = arith.constant 0 : i32
    %dma_wait3A_585 = tpu.memref_slice %arg6[%dma_wait3A_581, %dma_wait3A_583, %dma_wait3A_584] : memref<12x64x128xf32, #tpu.memory_space<vmem>> -> memref<1x64x128xf32, #tpu.memory_space<vmem>>
    %dma_wait3A_586 = tpu.memref_squeeze %dma_wait3A_585 : memref<1x64x128xf32, #tpu.memory_space<vmem>> -> memref<64x128xf32, #tpu.memory_space<vmem>>
    %dma_wait3A_587 = arith.constant 0 : i32
    %dma_wait3A_588 = tpu.memref_slice %arg4[%add3A_580, %dma_wait3A_587] : memref<204800x128xf32, #tpu.memory_space<hbm>> -> memref<64x128xf32, #tpu.memory_space<hbm>>
    %dma_wait3A_589 = tpu.memref_slice %arg8[%dma_wait3A_582] : memref<12x!tpu.dma_semaphore, #tpu.memory_space<semaphore_mem>> -> memref<1x!tpu.dma_semaphore, #tpu.memory_space<semaphore_mem>>
    %dma_wait3A_590 = tpu.memref_squeeze %dma_wait3A_589 : memref<1x!tpu.dma_semaphore, #tpu.memory_space<semaphore_mem>> -> memref<!tpu.dma_semaphore, #tpu.memory_space<semaphore_mem>>
    %dma_wait3A_591 = arith.constant 0 : i32
    %dma_wait3A_592 = tpu.memref_slice %arg4[%add3A_580, %dma_wait3A_591] : memref<204800x128xf32, #tpu.memory_space<hbm>> -> memref<64x128xf32, #tpu.memory_space<hbm>>
    %dma_wait3A_593 = arith.constant 0 : i32
    %dma_wait3A_594 = arith.constant 0 : i32
    %dma_wait3A_595 = tpu.memref_slice %arg6[%dma_wait3A_581, %dma_wait3A_593, %dma_wait3A_594] : memref<12x64x128xf32, #tpu.memory_space<vmem>> -> memref<1x64x128xf32, #tpu.memory_space<vmem>>
    %dma_wait3A_596 = tpu.memref_squeeze %dma_wait3A_595 : memref<1x64x128xf32, #tpu.memory_space<vmem>> -> memref<64x128xf32, #tpu.memory_space<vmem>>
    tpu.wait_dma2 semaphore(%dma_wait3A_590 : memref<!tpu.dma_semaphore, #tpu.memory_space<semaphore_mem>>) src(%dma_wait3A_596 : memref<64x128xf32, #tpu.memory_space<vmem>>) dst(%dma_wait3A_592 : memref<64x128xf32, #tpu.memory_space<hbm>>)
    %dma_start3A_597 = arith.constant 1 : i32
    %dma_start3A_598 = arith.constant 1 : i32
    %dma_start3A_599 = arith.constant 0 : i32
    %dma_start3A_600 = arith.constant 0 : i32
    %dma_start3A_601 = tpu.memref_slice %arg6[%dma_start3A_597, %dma_start3A_599, %dma_start3A_600] : memref<12x64x128xf32, #tpu.memory_space<vmem>> -> memref<1x64x128xf32, #tpu.memory_space<vmem>>
    %dma_start3A_602 = tpu.memref_squeeze %dma_start3A_601 : memref<1x64x128xf32, #tpu.memory_space<vmem>> -> memref<64x128xf32, #tpu.memory_space<vmem>>
    %dma_start3A_603 = arith.constant 6208 : i32
    %dma_start3A_604 = tpu.memref_slice %arg5[%dma_start3A_603] : memref<6400xi32, #tpu.memory_space<vmem>> -> memref<64xi32, #tpu.memory_space<vmem>>
    %dma_start3A_605 = arith.constant 0 : i32
    %dma_start3A_606 = arith.constant 0 : i32
    %dma_start3A_607 = tpu.memref_slice %arg3[%dma_start3A_605, %dma_start3A_606] : memref<100000x128xf32, #tpu.memory_space<hbm>> -> memref<100000x128xf32, #tpu.memory_space<hbm>>
    %dma_start3A_608 = tpu.memref_slice %arg7[%dma_start3A_598] : memref<12x!tpu.dma_semaphore, #tpu.memory_space<semaphore_mem>> -> memref<1x!tpu.dma_semaphore, #tpu.memory_space<semaphore_mem>>
    %dma_start3A_609 = tpu.memref_squeeze %dma_start3A_608 : memref<1x!tpu.dma_semaphore, #tpu.memory_space<semaphore_mem>> -> memref<!tpu.dma_semaphore, #tpu.memory_space<semaphore_mem>>
    tpu.enqueue_indirect_dma source(%dma_start3A_607 : memref<100000x128xf32, #tpu.memory_space<hbm>>) target(%dma_start3A_602 : memref<64x128xf32, #tpu.memory_space<vmem>>) offsets(%dma_start3A_604 : memref<64xi32, #tpu.memory_space<vmem>>) semaphore(%dma_start3A_609 : memref<!tpu.dma_semaphore, #tpu.memory_space<semaphore_mem>>)
    %add3A_610 = arith.constant 5504 : i32
    %add3A_611 = arith.addi %mul3A_2, %add3A_610 : i32
    %dma_wait3A_612 = arith.constant 2 : i32
    %dma_wait3A_613 = arith.constant 2 : i32
    %dma_wait3A_614 = arith.constant 0 : i32
    %dma_wait3A_615 = arith.constant 0 : i32
    %dma_wait3A_616 = tpu.memref_slice %arg6[%dma_wait3A_612, %dma_wait3A_614, %dma_wait3A_615] : memref<12x64x128xf32, #tpu.memory_space<vmem>> -> memref<1x64x128xf32, #tpu.memory_space<vmem>>
    %dma_wait3A_617 = tpu.memref_squeeze %dma_wait3A_616 : memref<1x64x128xf32, #tpu.memory_space<vmem>> -> memref<64x128xf32, #tpu.memory_space<vmem>>
    %dma_wait3A_618 = arith.constant 0 : i32
    %dma_wait3A_619 = tpu.memref_slice %arg4[%add3A_611, %dma_wait3A_618] : memref<204800x128xf32, #tpu.memory_space<hbm>> -> memref<64x128xf32, #tpu.memory_space<hbm>>
    %dma_wait3A_620 = tpu.memref_slice %arg8[%dma_wait3A_613] : memref<12x!tpu.dma_semaphore, #tpu.memory_space<semaphore_mem>> -> memref<1x!tpu.dma_semaphore, #tpu.memory_space<semaphore_mem>>
    %dma_wait3A_621 = tpu.memref_squeeze %dma_wait3A_620 : memref<1x!tpu.dma_semaphore, #tpu.memory_space<semaphore_mem>> -> memref<!tpu.dma_semaphore, #tpu.memory_space<semaphore_mem>>
    %dma_wait3A_622 = arith.constant 0 : i32
    %dma_wait3A_623 = tpu.memref_slice %arg4[%add3A_611, %dma_wait3A_622] : memref<204800x128xf32, #tpu.memory_space<hbm>> -> memref<64x128xf32, #tpu.memory_space<hbm>>
    %dma_wait3A_624 = arith.constant 0 : i32
    %dma_wait3A_625 = arith.constant 0 : i32
    %dma_wait3A_626 = tpu.memref_slice %arg6[%dma_wait3A_612, %dma_wait3A_624, %dma_wait3A_625] : memref<12x64x128xf32, #tpu.memory_space<vmem>> -> memref<1x64x128xf32, #tpu.memory_space<vmem>>
    %dma_wait3A_627 = tpu.memref_squeeze %dma_wait3A_626 : memref<1x64x128xf32, #tpu.memory_space<vmem>> -> memref<64x128xf32, #tpu.memory_space<vmem>>
    tpu.wait_dma2 semaphore(%dma_wait3A_621 : memref<!tpu.dma_semaphore, #tpu.memory_space<semaphore_mem>>) src(%dma_wait3A_627 : memref<64x128xf32, #tpu.memory_space<vmem>>) dst(%dma_wait3A_623 : memref<64x128xf32, #tpu.memory_space<hbm>>)
    %dma_start3A_628 = arith.constant 2 : i32
    %dma_start3A_629 = arith.constant 2 : i32
    %dma_start3A_630 = arith.constant 0 : i32
    %dma_start3A_631 = arith.constant 0 : i32
    %dma_start3A_632 = tpu.memref_slice %arg6[%dma_start3A_628, %dma_start3A_630, %dma_start3A_631] : memref<12x64x128xf32, #tpu.memory_space<vmem>> -> memref<1x64x128xf32, #tpu.memory_space<vmem>>
    %dma_start3A_633 = tpu.memref_squeeze %dma_start3A_632 : memref<1x64x128xf32, #tpu.memory_space<vmem>> -> memref<64x128xf32, #tpu.memory_space<vmem>>
    %dma_start3A_634 = arith.constant 6272 : i32
    %dma_start3A_635 = tpu.memref_slice %arg5[%dma_start3A_634] : memref<6400xi32, #tpu.memory_space<vmem>> -> memref<64xi32, #tpu.memory_space<vmem>>
    %dma_start3A_636 = arith.constant 0 : i32
    %dma_start3A_637 = arith.constant 0 : i32
    %dma_start3A_638 = tpu.memref_slice %arg3[%dma_start3A_636, %dma_start3A_637] : memref<100000x128xf32, #tpu.memory_space<hbm>> -> memref<100000x128xf32, #tpu.memory_space<hbm>>
    %dma_start3A_639 = tpu.memref_slice %arg7[%dma_start3A_629] : memref<12x!tpu.dma_semaphore, #tpu.memory_space<semaphore_mem>> -> memref<1x!tpu.dma_semaphore, #tpu.memory_space<semaphore_mem>>
    %dma_start3A_640 = tpu.memref_squeeze %dma_start3A_639 : memref<1x!tpu.dma_semaphore, #tpu.memory_space<semaphore_mem>> -> memref<!tpu.dma_semaphore, #tpu.memory_space<semaphore_mem>>
    tpu.enqueue_indirect_dma source(%dma_start3A_638 : memref<100000x128xf32, #tpu.memory_space<hbm>>) target(%dma_start3A_633 : memref<64x128xf32, #tpu.memory_space<vmem>>) offsets(%dma_start3A_635 : memref<64xi32, #tpu.memory_space<vmem>>) semaphore(%dma_start3A_640 : memref<!tpu.dma_semaphore, #tpu.memory_space<semaphore_mem>>)
    %add3A_641 = arith.constant 5568 : i32
    %add3A_642 = arith.addi %mul3A_2, %add3A_641 : i32
    %dma_wait3A_643 = arith.constant 3 : i32
    %dma_wait3A_644 = arith.constant 3 : i32
    %dma_wait3A_645 = arith.constant 0 : i32
    %dma_wait3A_646 = arith.constant 0 : i32
    %dma_wait3A_647 = tpu.memref_slice %arg6[%dma_wait3A_643, %dma_wait3A_645, %dma_wait3A_646] : memref<12x64x128xf32, #tpu.memory_space<vmem>> -> memref<1x64x128xf32, #tpu.memory_space<vmem>>
    %dma_wait3A_648 = tpu.memref_squeeze %dma_wait3A_647 : memref<1x64x128xf32, #tpu.memory_space<vmem>> -> memref<64x128xf32, #tpu.memory_space<vmem>>
    %dma_wait3A_649 = arith.constant 0 : i32
    %dma_wait3A_650 = tpu.memref_slice %arg4[%add3A_642, %dma_wait3A_649] : memref<204800x128xf32, #tpu.memory_space<hbm>> -> memref<64x128xf32, #tpu.memory_space<hbm>>
    %dma_wait3A_651 = tpu.memref_slice %arg8[%dma_wait3A_644] : memref<12x!tpu.dma_semaphore, #tpu.memory_space<semaphore_mem>> -> memref<1x!tpu.dma_semaphore, #tpu.memory_space<semaphore_mem>>
    %dma_wait3A_652 = tpu.memref_squeeze %dma_wait3A_651 : memref<1x!tpu.dma_semaphore, #tpu.memory_space<semaphore_mem>> -> memref<!tpu.dma_semaphore, #tpu.memory_space<semaphore_mem>>
    %dma_wait3A_653 = arith.constant 0 : i32
    %dma_wait3A_654 = tpu.memref_slice %arg4[%add3A_642, %dma_wait3A_653] : memref<204800x128xf32, #tpu.memory_space<hbm>> -> memref<64x128xf32, #tpu.memory_space<hbm>>
    %dma_wait3A_655 = arith.constant 0 : i32
    %dma_wait3A_656 = arith.constant 0 : i32
    %dma_wait3A_657 = tpu.memref_slice %arg6[%dma_wait3A_643, %dma_wait3A_655, %dma_wait3A_656] : memref<12x64x128xf32, #tpu.memory_space<vmem>> -> memref<1x64x128xf32, #tpu.memory_space<vmem>>
    %dma_wait3A_658 = tpu.memref_squeeze %dma_wait3A_657 : memref<1x64x128xf32, #tpu.memory_space<vmem>> -> memref<64x128xf32, #tpu.memory_space<vmem>>
    tpu.wait_dma2 semaphore(%dma_wait3A_652 : memref<!tpu.dma_semaphore, #tpu.memory_space<semaphore_mem>>) src(%dma_wait3A_658 : memref<64x128xf32, #tpu.memory_space<vmem>>) dst(%dma_wait3A_654 : memref<64x128xf32, #tpu.memory_space<hbm>>)
    %dma_start3A_659 = arith.constant 3 : i32
    %dma_start3A_660 = arith.constant 3 : i32
    %dma_start3A_661 = arith.constant 0 : i32
    %dma_start3A_662 = arith.constant 0 : i32
    %dma_start3A_663 = tpu.memref_slice %arg6[%dma_start3A_659, %dma_start3A_661, %dma_start3A_662] : memref<12x64x128xf32, #tpu.memory_space<vmem>> -> memref<1x64x128xf32, #tpu.memory_space<vmem>>
    %dma_start3A_664 = tpu.memref_squeeze %dma_start3A_663 : memref<1x64x128xf32, #tpu.memory_space<vmem>> -> memref<64x128xf32, #tpu.memory_space<vmem>>
    %dma_start3A_665 = arith.constant 6336 : i32
    %dma_start3A_666 = tpu.memref_slice %arg5[%dma_start3A_665] : memref<6400xi32, #tpu.memory_space<vmem>> -> memref<64xi32, #tpu.memory_space<vmem>>
    %dma_start3A_667 = arith.constant 0 : i32
    %dma_start3A_668 = arith.constant 0 : i32
    %dma_start3A_669 = tpu.memref_slice %arg3[%dma_start3A_667, %dma_start3A_668] : memref<100000x128xf32, #tpu.memory_space<hbm>> -> memref<100000x128xf32, #tpu.memory_space<hbm>>
    %dma_start3A_670 = tpu.memref_slice %arg7[%dma_start3A_660] : memref<12x!tpu.dma_semaphore, #tpu.memory_space<semaphore_mem>> -> memref<1x!tpu.dma_semaphore, #tpu.memory_space<semaphore_mem>>
    %dma_start3A_671 = tpu.memref_squeeze %dma_start3A_670 : memref<1x!tpu.dma_semaphore, #tpu.memory_space<semaphore_mem>> -> memref<!tpu.dma_semaphore, #tpu.memory_space<semaphore_mem>>
    tpu.enqueue_indirect_dma source(%dma_start3A_669 : memref<100000x128xf32, #tpu.memory_space<hbm>>) target(%dma_start3A_664 : memref<64x128xf32, #tpu.memory_space<vmem>>) offsets(%dma_start3A_666 : memref<64xi32, #tpu.memory_space<vmem>>) semaphore(%dma_start3A_671 : memref<!tpu.dma_semaphore, #tpu.memory_space<semaphore_mem>>)
    %add3A_672 = arith.constant 5632 : i32
    %add3A_673 = arith.addi %mul3A_2, %add3A_672 : i32
    %dma_wait3A_674 = arith.constant 4 : i32
    %dma_wait3A_675 = arith.constant 4 : i32
    %dma_wait3A_676 = arith.constant 0 : i32
    %dma_wait3A_677 = arith.constant 0 : i32
    %dma_wait3A_678 = tpu.memref_slice %arg6[%dma_wait3A_674, %dma_wait3A_676, %dma_wait3A_677] : memref<12x64x128xf32, #tpu.memory_space<vmem>> -> memref<1x64x128xf32, #tpu.memory_space<vmem>>
    %dma_wait3A_679 = tpu.memref_squeeze %dma_wait3A_678 : memref<1x64x128xf32, #tpu.memory_space<vmem>> -> memref<64x128xf32, #tpu.memory_space<vmem>>
    %dma_wait3A_680 = arith.constant 0 : i32
    %dma_wait3A_681 = tpu.memref_slice %arg4[%add3A_673, %dma_wait3A_680] : memref<204800x128xf32, #tpu.memory_space<hbm>> -> memref<64x128xf32, #tpu.memory_space<hbm>>
    %dma_wait3A_682 = tpu.memref_slice %arg8[%dma_wait3A_675] : memref<12x!tpu.dma_semaphore, #tpu.memory_space<semaphore_mem>> -> memref<1x!tpu.dma_semaphore, #tpu.memory_space<semaphore_mem>>
    %dma_wait3A_683 = tpu.memref_squeeze %dma_wait3A_682 : memref<1x!tpu.dma_semaphore, #tpu.memory_space<semaphore_mem>> -> memref<!tpu.dma_semaphore, #tpu.memory_space<semaphore_mem>>
    %dma_wait3A_684 = arith.constant 0 : i32
    %dma_wait3A_685 = tpu.memref_slice %arg4[%add3A_673, %dma_wait3A_684] : memref<204800x128xf32, #tpu.memory_space<hbm>> -> memref<64x128xf32, #tpu.memory_space<hbm>>
    %dma_wait3A_686 = arith.constant 0 : i32
    %dma_wait3A_687 = arith.constant 0 : i32
    %dma_wait3A_688 = tpu.memref_slice %arg6[%dma_wait3A_674, %dma_wait3A_686, %dma_wait3A_687] : memref<12x64x128xf32, #tpu.memory_space<vmem>> -> memref<1x64x128xf32, #tpu.memory_space<vmem>>
    %dma_wait3A_689 = tpu.memref_squeeze %dma_wait3A_688 : memref<1x64x128xf32, #tpu.memory_space<vmem>> -> memref<64x128xf32, #tpu.memory_space<vmem>>
    tpu.wait_dma2 semaphore(%dma_wait3A_683 : memref<!tpu.dma_semaphore, #tpu.memory_space<semaphore_mem>>) src(%dma_wait3A_689 : memref<64x128xf32, #tpu.memory_space<vmem>>) dst(%dma_wait3A_685 : memref<64x128xf32, #tpu.memory_space<hbm>>)
    %add3A_690 = arith.constant 5696 : i32
    %add3A_691 = arith.addi %mul3A_2, %add3A_690 : i32
    %dma_wait3A_692 = arith.constant 5 : i32
    %dma_wait3A_693 = arith.constant 5 : i32
    %dma_wait3A_694 = arith.constant 0 : i32
    %dma_wait3A_695 = arith.constant 0 : i32
    %dma_wait3A_696 = tpu.memref_slice %arg6[%dma_wait3A_692, %dma_wait3A_694, %dma_wait3A_695] : memref<12x64x128xf32, #tpu.memory_space<vmem>> -> memref<1x64x128xf32, #tpu.memory_space<vmem>>
    %dma_wait3A_697 = tpu.memref_squeeze %dma_wait3A_696 : memref<1x64x128xf32, #tpu.memory_space<vmem>> -> memref<64x128xf32, #tpu.memory_space<vmem>>
    %dma_wait3A_698 = arith.constant 0 : i32
    %dma_wait3A_699 = tpu.memref_slice %arg4[%add3A_691, %dma_wait3A_698] : memref<204800x128xf32, #tpu.memory_space<hbm>> -> memref<64x128xf32, #tpu.memory_space<hbm>>
    %dma_wait3A_700 = tpu.memref_slice %arg8[%dma_wait3A_693] : memref<12x!tpu.dma_semaphore, #tpu.memory_space<semaphore_mem>> -> memref<1x!tpu.dma_semaphore, #tpu.memory_space<semaphore_mem>>
    %dma_wait3A_701 = tpu.memref_squeeze %dma_wait3A_700 : memref<1x!tpu.dma_semaphore, #tpu.memory_space<semaphore_mem>> -> memref<!tpu.dma_semaphore, #tpu.memory_space<semaphore_mem>>
    %dma_wait3A_702 = arith.constant 0 : i32
    %dma_wait3A_703 = tpu.memref_slice %arg4[%add3A_691, %dma_wait3A_702] : memref<204800x128xf32, #tpu.memory_space<hbm>> -> memref<64x128xf32, #tpu.memory_space<hbm>>
    %dma_wait3A_704 = arith.constant 0 : i32
    %dma_wait3A_705 = arith.constant 0 : i32
    %dma_wait3A_706 = tpu.memref_slice %arg6[%dma_wait3A_692, %dma_wait3A_704, %dma_wait3A_705] : memref<12x64x128xf32, #tpu.memory_space<vmem>> -> memref<1x64x128xf32, #tpu.memory_space<vmem>>
    %dma_wait3A_707 = tpu.memref_squeeze %dma_wait3A_706 : memref<1x64x128xf32, #tpu.memory_space<vmem>> -> memref<64x128xf32, #tpu.memory_space<vmem>>
    tpu.wait_dma2 semaphore(%dma_wait3A_701 : memref<!tpu.dma_semaphore, #tpu.memory_space<semaphore_mem>>) src(%dma_wait3A_707 : memref<64x128xf32, #tpu.memory_space<vmem>>) dst(%dma_wait3A_703 : memref<64x128xf32, #tpu.memory_space<hbm>>)
    %add3A_708 = arith.constant 5760 : i32
    %add3A_709 = arith.addi %mul3A_2, %add3A_708 : i32
    %dma_wait3A_710 = arith.constant 6 : i32
    %dma_wait3A_711 = arith.constant 6 : i32
    %dma_wait3A_712 = arith.constant 0 : i32
    %dma_wait3A_713 = arith.constant 0 : i32
    %dma_wait3A_714 = tpu.memref_slice %arg6[%dma_wait3A_710, %dma_wait3A_712, %dma_wait3A_713] : memref<12x64x128xf32, #tpu.memory_space<vmem>> -> memref<1x64x128xf32, #tpu.memory_space<vmem>>
    %dma_wait3A_715 = tpu.memref_squeeze %dma_wait3A_714 : memref<1x64x128xf32, #tpu.memory_space<vmem>> -> memref<64x128xf32, #tpu.memory_space<vmem>>
    %dma_wait3A_716 = arith.constant 0 : i32
    %dma_wait3A_717 = tpu.memref_slice %arg4[%add3A_709, %dma_wait3A_716] : memref<204800x128xf32, #tpu.memory_space<hbm>> -> memref<64x128xf32, #tpu.memory_space<hbm>>
    %dma_wait3A_718 = tpu.memref_slice %arg8[%dma_wait3A_711] : memref<12x!tpu.dma_semaphore, #tpu.memory_space<semaphore_mem>> -> memref<1x!tpu.dma_semaphore, #tpu.memory_space<semaphore_mem>>
    %dma_wait3A_719 = tpu.memref_squeeze %dma_wait3A_718 : memref<1x!tpu.dma_semaphore, #tpu.memory_space<semaphore_mem>> -> memref<!tpu.dma_semaphore, #tpu.memory_space<semaphore_mem>>
    %dma_wait3A_720 = arith.constant 0 : i32
    %dma_wait3A_721 = tpu.memref_slice %arg4[%add3A_709, %dma_wait3A_720] : memref<204800x128xf32, #tpu.memory_space<hbm>> -> memref<64x128xf32, #tpu.memory_space<hbm>>
    %dma_wait3A_722 = arith.constant 0 : i32
    %dma_wait3A_723 = arith.constant 0 : i32
    %dma_wait3A_724 = tpu.memref_slice %arg6[%dma_wait3A_710, %dma_wait3A_722, %dma_wait3A_723] : memref<12x64x128xf32, #tpu.memory_space<vmem>> -> memref<1x64x128xf32, #tpu.memory_space<vmem>>
    %dma_wait3A_725 = tpu.memref_squeeze %dma_wait3A_724 : memref<1x64x128xf32, #tpu.memory_space<vmem>> -> memref<64x128xf32, #tpu.memory_space<vmem>>
    tpu.wait_dma2 semaphore(%dma_wait3A_719 : memref<!tpu.dma_semaphore, #tpu.memory_space<semaphore_mem>>) src(%dma_wait3A_725 : memref<64x128xf32, #tpu.memory_space<vmem>>) dst(%dma_wait3A_721 : memref<64x128xf32, #tpu.memory_space<hbm>>)
    %add3A_726 = arith.constant 5824 : i32
    %add3A_727 = arith.addi %mul3A_2, %add3A_726 : i32
    %dma_wait3A_728 = arith.constant 7 : i32
    %dma_wait3A_729 = arith.constant 7 : i32
    %dma_wait3A_730 = arith.constant 0 : i32
    %dma_wait3A_731 = arith.constant 0 : i32
    %dma_wait3A_732 = tpu.memref_slice %arg6[%dma_wait3A_728, %dma_wait3A_730, %dma_wait3A_731] : memref<12x64x128xf32, #tpu.memory_space<vmem>> -> memref<1x64x128xf32, #tpu.memory_space<vmem>>
    %dma_wait3A_733 = tpu.memref_squeeze %dma_wait3A_732 : memref<1x64x128xf32, #tpu.memory_space<vmem>> -> memref<64x128xf32, #tpu.memory_space<vmem>>
    %dma_wait3A_734 = arith.constant 0 : i32
    %dma_wait3A_735 = tpu.memref_slice %arg4[%add3A_727, %dma_wait3A_734] : memref<204800x128xf32, #tpu.memory_space<hbm>> -> memref<64x128xf32, #tpu.memory_space<hbm>>
    %dma_wait3A_736 = tpu.memref_slice %arg8[%dma_wait3A_729] : memref<12x!tpu.dma_semaphore, #tpu.memory_space<semaphore_mem>> -> memref<1x!tpu.dma_semaphore, #tpu.memory_space<semaphore_mem>>
    %dma_wait3A_737 = tpu.memref_squeeze %dma_wait3A_736 : memref<1x!tpu.dma_semaphore, #tpu.memory_space<semaphore_mem>> -> memref<!tpu.dma_semaphore, #tpu.memory_space<semaphore_mem>>
    %dma_wait3A_738 = arith.constant 0 : i32
    %dma_wait3A_739 = tpu.memref_slice %arg4[%add3A_727, %dma_wait3A_738] : memref<204800x128xf32, #tpu.memory_space<hbm>> -> memref<64x128xf32, #tpu.memory_space<hbm>>
    %dma_wait3A_740 = arith.constant 0 : i32
    %dma_wait3A_741 = arith.constant 0 : i32
    %dma_wait3A_742 = tpu.memref_slice %arg6[%dma_wait3A_728, %dma_wait3A_740, %dma_wait3A_741] : memref<12x64x128xf32, #tpu.memory_space<vmem>> -> memref<1x64x128xf32, #tpu.memory_space<vmem>>
    %dma_wait3A_743 = tpu.memref_squeeze %dma_wait3A_742 : memref<1x64x128xf32, #tpu.memory_space<vmem>> -> memref<64x128xf32, #tpu.memory_space<vmem>>
    tpu.wait_dma2 semaphore(%dma_wait3A_737 : memref<!tpu.dma_semaphore, #tpu.memory_space<semaphore_mem>>) src(%dma_wait3A_743 : memref<64x128xf32, #tpu.memory_space<vmem>>) dst(%dma_wait3A_739 : memref<64x128xf32, #tpu.memory_space<hbm>>)
    %add3A_744 = arith.constant 5888 : i32
    %add3A_745 = arith.addi %mul3A_2, %add3A_744 : i32
    %dma_wait3A_746 = arith.constant 8 : i32
    %dma_wait3A_747 = arith.constant 8 : i32
    %dma_wait3A_748 = arith.constant 0 : i32
    %dma_wait3A_749 = arith.constant 0 : i32
    %dma_wait3A_750 = tpu.memref_slice %arg6[%dma_wait3A_746, %dma_wait3A_748, %dma_wait3A_749] : memref<12x64x128xf32, #tpu.memory_space<vmem>> -> memref<1x64x128xf32, #tpu.memory_space<vmem>>
    %dma_wait3A_751 = tpu.memref_squeeze %dma_wait3A_750 : memref<1x64x128xf32, #tpu.memory_space<vmem>> -> memref<64x128xf32, #tpu.memory_space<vmem>>
    %dma_wait3A_752 = arith.constant 0 : i32
    %dma_wait3A_753 = tpu.memref_slice %arg4[%add3A_745, %dma_wait3A_752] : memref<204800x128xf32, #tpu.memory_space<hbm>> -> memref<64x128xf32, #tpu.memory_space<hbm>>
    %dma_wait3A_754 = tpu.memref_slice %arg8[%dma_wait3A_747] : memref<12x!tpu.dma_semaphore, #tpu.memory_space<semaphore_mem>> -> memref<1x!tpu.dma_semaphore, #tpu.memory_space<semaphore_mem>>
    %dma_wait3A_755 = tpu.memref_squeeze %dma_wait3A_754 : memref<1x!tpu.dma_semaphore, #tpu.memory_space<semaphore_mem>> -> memref<!tpu.dma_semaphore, #tpu.memory_space<semaphore_mem>>
    %dma_wait3A_756 = arith.constant 0 : i32
    %dma_wait3A_757 = tpu.memref_slice %arg4[%add3A_745, %dma_wait3A_756] : memref<204800x128xf32, #tpu.memory_space<hbm>> -> memref<64x128xf32, #tpu.memory_space<hbm>>
    %dma_wait3A_758 = arith.constant 0 : i32
    %dma_wait3A_759 = arith.constant 0 : i32
    %dma_wait3A_760 = tpu.memref_slice %arg6[%dma_wait3A_746, %dma_wait3A_758, %dma_wait3A_759] : memref<12x64x128xf32, #tpu.memory_space<vmem>> -> memref<1x64x128xf32, #tpu.memory_space<vmem>>
    %dma_wait3A_761 = tpu.memref_squeeze %dma_wait3A_760 : memref<1x64x128xf32, #tpu.memory_space<vmem>> -> memref<64x128xf32, #tpu.memory_space<vmem>>
    tpu.wait_dma2 semaphore(%dma_wait3A_755 : memref<!tpu.dma_semaphore, #tpu.memory_space<semaphore_mem>>) src(%dma_wait3A_761 : memref<64x128xf32, #tpu.memory_space<vmem>>) dst(%dma_wait3A_757 : memref<64x128xf32, #tpu.memory_space<hbm>>)
    %add3A_762 = arith.constant 5952 : i32
    %add3A_763 = arith.addi %mul3A_2, %add3A_762 : i32
    %dma_wait3A_764 = arith.constant 9 : i32
    %dma_wait3A_765 = arith.constant 9 : i32
    %dma_wait3A_766 = arith.constant 0 : i32
    %dma_wait3A_767 = arith.constant 0 : i32
    %dma_wait3A_768 = tpu.memref_slice %arg6[%dma_wait3A_764, %dma_wait3A_766, %dma_wait3A_767] : memref<12x64x128xf32, #tpu.memory_space<vmem>> -> memref<1x64x128xf32, #tpu.memory_space<vmem>>
    %dma_wait3A_769 = tpu.memref_squeeze %dma_wait3A_768 : memref<1x64x128xf32, #tpu.memory_space<vmem>> -> memref<64x128xf32, #tpu.memory_space<vmem>>
    %dma_wait3A_770 = arith.constant 0 : i32
    %dma_wait3A_771 = tpu.memref_slice %arg4[%add3A_763, %dma_wait3A_770] : memref<204800x128xf32, #tpu.memory_space<hbm>> -> memref<64x128xf32, #tpu.memory_space<hbm>>
    %dma_wait3A_772 = tpu.memref_slice %arg8[%dma_wait3A_765] : memref<12x!tpu.dma_semaphore, #tpu.memory_space<semaphore_mem>> -> memref<1x!tpu.dma_semaphore, #tpu.memory_space<semaphore_mem>>
    %dma_wait3A_773 = tpu.memref_squeeze %dma_wait3A_772 : memref<1x!tpu.dma_semaphore, #tpu.memory_space<semaphore_mem>> -> memref<!tpu.dma_semaphore, #tpu.memory_space<semaphore_mem>>
    %dma_wait3A_774 = arith.constant 0 : i32
    %dma_wait3A_775 = tpu.memref_slice %arg4[%add3A_763, %dma_wait3A_774] : memref<204800x128xf32, #tpu.memory_space<hbm>> -> memref<64x128xf32, #tpu.memory_space<hbm>>
    %dma_wait3A_776 = arith.constant 0 : i32
    %dma_wait3A_777 = arith.constant 0 : i32
    %dma_wait3A_778 = tpu.memref_slice %arg6[%dma_wait3A_764, %dma_wait3A_776, %dma_wait3A_777] : memref<12x64x128xf32, #tpu.memory_space<vmem>> -> memref<1x64x128xf32, #tpu.memory_space<vmem>>
    %dma_wait3A_779 = tpu.memref_squeeze %dma_wait3A_778 : memref<1x64x128xf32, #tpu.memory_space<vmem>> -> memref<64x128xf32, #tpu.memory_space<vmem>>
    tpu.wait_dma2 semaphore(%dma_wait3A_773 : memref<!tpu.dma_semaphore, #tpu.memory_space<semaphore_mem>>) src(%dma_wait3A_779 : memref<64x128xf32, #tpu.memory_space<vmem>>) dst(%dma_wait3A_775 : memref<64x128xf32, #tpu.memory_space<hbm>>)
    %add3A_780 = arith.constant 6016 : i32
    %add3A_781 = arith.addi %mul3A_2, %add3A_780 : i32
    %dma_wait3A_782 = arith.constant 10 : i32
    %dma_wait3A_783 = arith.constant 10 : i32
    %dma_wait3A_784 = arith.constant 0 : i32
    %dma_wait3A_785 = arith.constant 0 : i32
    %dma_wait3A_786 = tpu.memref_slice %arg6[%dma_wait3A_782, %dma_wait3A_784, %dma_wait3A_785] : memref<12x64x128xf32, #tpu.memory_space<vmem>> -> memref<1x64x128xf32, #tpu.memory_space<vmem>>
    %dma_wait3A_787 = tpu.memref_squeeze %dma_wait3A_786 : memref<1x64x128xf32, #tpu.memory_space<vmem>> -> memref<64x128xf32, #tpu.memory_space<vmem>>
    %dma_wait3A_788 = arith.constant 0 : i32
    %dma_wait3A_789 = tpu.memref_slice %arg4[%add3A_781, %dma_wait3A_788] : memref<204800x128xf32, #tpu.memory_space<hbm>> -> memref<64x128xf32, #tpu.memory_space<hbm>>
    %dma_wait3A_790 = tpu.memref_slice %arg8[%dma_wait3A_783] : memref<12x!tpu.dma_semaphore, #tpu.memory_space<semaphore_mem>> -> memref<1x!tpu.dma_semaphore, #tpu.memory_space<semaphore_mem>>
    %dma_wait3A_791 = tpu.memref_squeeze %dma_wait3A_790 : memref<1x!tpu.dma_semaphore, #tpu.memory_space<semaphore_mem>> -> memref<!tpu.dma_semaphore, #tpu.memory_space<semaphore_mem>>
    %dma_wait3A_792 = arith.constant 0 : i32
    %dma_wait3A_793 = tpu.memref_slice %arg4[%add3A_781, %dma_wait3A_792] : memref<204800x128xf32, #tpu.memory_space<hbm>> -> memref<64x128xf32, #tpu.memory_space<hbm>>
    %dma_wait3A_794 = arith.constant 0 : i32
    %dma_wait3A_795 = arith.constant 0 : i32
    %dma_wait3A_796 = tpu.memref_slice %arg6[%dma_wait3A_782, %dma_wait3A_794, %dma_wait3A_795] : memref<12x64x128xf32, #tpu.memory_space<vmem>> -> memref<1x64x128xf32, #tpu.memory_space<vmem>>
    %dma_wait3A_797 = tpu.memref_squeeze %dma_wait3A_796 : memref<1x64x128xf32, #tpu.memory_space<vmem>> -> memref<64x128xf32, #tpu.memory_space<vmem>>
    tpu.wait_dma2 semaphore(%dma_wait3A_791 : memref<!tpu.dma_semaphore, #tpu.memory_space<semaphore_mem>>) src(%dma_wait3A_797 : memref<64x128xf32, #tpu.memory_space<vmem>>) dst(%dma_wait3A_793 : memref<64x128xf32, #tpu.memory_space<hbm>>)
    %add3A_798 = arith.constant 6080 : i32
    %add3A_799 = arith.addi %mul3A_2, %add3A_798 : i32
    %dma_wait3A_800 = arith.constant 11 : i32
    %dma_wait3A_801 = arith.constant 11 : i32
    %dma_wait3A_802 = arith.constant 0 : i32
    %dma_wait3A_803 = arith.constant 0 : i32
    %dma_wait3A_804 = tpu.memref_slice %arg6[%dma_wait3A_800, %dma_wait3A_802, %dma_wait3A_803] : memref<12x64x128xf32, #tpu.memory_space<vmem>> -> memref<1x64x128xf32, #tpu.memory_space<vmem>>
    %dma_wait3A_805 = tpu.memref_squeeze %dma_wait3A_804 : memref<1x64x128xf32, #tpu.memory_space<vmem>> -> memref<64x128xf32, #tpu.memory_space<vmem>>
    %dma_wait3A_806 = arith.constant 0 : i32
    %dma_wait3A_807 = tpu.memref_slice %arg4[%add3A_799, %dma_wait3A_806] : memref<204800x128xf32, #tpu.memory_space<hbm>> -> memref<64x128xf32, #tpu.memory_space<hbm>>
    %dma_wait3A_808 = tpu.memref_slice %arg8[%dma_wait3A_801] : memref<12x!tpu.dma_semaphore, #tpu.memory_space<semaphore_mem>> -> memref<1x!tpu.dma_semaphore, #tpu.memory_space<semaphore_mem>>
    %dma_wait3A_809 = tpu.memref_squeeze %dma_wait3A_808 : memref<1x!tpu.dma_semaphore, #tpu.memory_space<semaphore_mem>> -> memref<!tpu.dma_semaphore, #tpu.memory_space<semaphore_mem>>
    %dma_wait3A_810 = arith.constant 0 : i32
    %dma_wait3A_811 = tpu.memref_slice %arg4[%add3A_799, %dma_wait3A_810] : memref<204800x128xf32, #tpu.memory_space<hbm>> -> memref<64x128xf32, #tpu.memory_space<hbm>>
    %dma_wait3A_812 = arith.constant 0 : i32
    %dma_wait3A_813 = arith.constant 0 : i32
    %dma_wait3A_814 = tpu.memref_slice %arg6[%dma_wait3A_800, %dma_wait3A_812, %dma_wait3A_813] : memref<12x64x128xf32, #tpu.memory_space<vmem>> -> memref<1x64x128xf32, #tpu.memory_space<vmem>>
    %dma_wait3A_815 = tpu.memref_squeeze %dma_wait3A_814 : memref<1x64x128xf32, #tpu.memory_space<vmem>> -> memref<64x128xf32, #tpu.memory_space<vmem>>
    tpu.wait_dma2 semaphore(%dma_wait3A_809 : memref<!tpu.dma_semaphore, #tpu.memory_space<semaphore_mem>>) src(%dma_wait3A_815 : memref<64x128xf32, #tpu.memory_space<vmem>>) dst(%dma_wait3A_811 : memref<64x128xf32, #tpu.memory_space<hbm>>)
    %dma_wait3A_816 = arith.constant 0 : i32
    %dma_wait3A_817 = arith.constant 0 : i32
    %dma_wait3A_818 = arith.constant 0 : i32
    %dma_wait3A_819 = arith.constant 0 : i32
    %dma_wait3A_820 = tpu.memref_slice %arg6[%dma_wait3A_816, %dma_wait3A_818, %dma_wait3A_819] : memref<12x64x128xf32, #tpu.memory_space<vmem>> -> memref<1x64x128xf32, #tpu.memory_space<vmem>>
    %dma_wait3A_821 = tpu.memref_squeeze %dma_wait3A_820 : memref<1x64x128xf32, #tpu.memory_space<vmem>> -> memref<64x128xf32, #tpu.memory_space<vmem>>
    %dma_wait3A_822 = arith.constant 6144 : i32
    %dma_wait3A_823 = tpu.memref_slice %arg5[%dma_wait3A_822] : memref<6400xi32, #tpu.memory_space<vmem>> -> memref<64xi32, #tpu.memory_space<vmem>>
    %dma_wait3A_824 = arith.constant 0 : i32
    %dma_wait3A_825 = arith.constant 0 : i32
    %dma_wait3A_826 = tpu.memref_slice %arg3[%dma_wait3A_824, %dma_wait3A_825] : memref<100000x128xf32, #tpu.memory_space<hbm>> -> memref<100000x128xf32, #tpu.memory_space<hbm>>
    %dma_wait3A_827 = tpu.memref_slice %arg7[%dma_wait3A_817] : memref<12x!tpu.dma_semaphore, #tpu.memory_space<semaphore_mem>> -> memref<1x!tpu.dma_semaphore, #tpu.memory_space<semaphore_mem>>
    %dma_wait3A_828 = tpu.memref_squeeze %dma_wait3A_827 : memref<1x!tpu.dma_semaphore, #tpu.memory_space<semaphore_mem>> -> memref<!tpu.dma_semaphore, #tpu.memory_space<semaphore_mem>>
    tpu.wait_indirect_dma semaphore(%dma_wait3A_828 : memref<!tpu.dma_semaphore, #tpu.memory_space<semaphore_mem>>) src(%dma_wait3A_826 : memref<100000x128xf32, #tpu.memory_space<hbm>>) dst(%dma_wait3A_821 : memref<64x128xf32, #tpu.memory_space<vmem>>)
    %add3A_829 = arith.constant 6144 : i32
    %add3A_830 = arith.addi %mul3A_2, %add3A_829 : i32
    %dma_start3A_831 = arith.constant 0 : i32
    %dma_start3A_832 = arith.constant 0 : i32
    %dma_start3A_833 = arith.constant 0 : i32
    %dma_start3A_834 = arith.constant 0 : i32
    %dma_start3A_835 = tpu.memref_slice %arg6[%dma_start3A_831, %dma_start3A_833, %dma_start3A_834] : memref<12x64x128xf32, #tpu.memory_space<vmem>> -> memref<1x64x128xf32, #tpu.memory_space<vmem>>
    %dma_start3A_836 = tpu.memref_squeeze %dma_start3A_835 : memref<1x64x128xf32, #tpu.memory_space<vmem>> -> memref<64x128xf32, #tpu.memory_space<vmem>>
    %dma_start3A_837 = arith.constant 0 : i32
    %dma_start3A_838 = tpu.memref_slice %arg4[%add3A_830, %dma_start3A_837] : memref<204800x128xf32, #tpu.memory_space<hbm>> -> memref<64x128xf32, #tpu.memory_space<hbm>>
    %dma_start3A_839 = tpu.memref_slice %arg8[%dma_start3A_832] : memref<12x!tpu.dma_semaphore, #tpu.memory_space<semaphore_mem>> -> memref<1x!tpu.dma_semaphore, #tpu.memory_space<semaphore_mem>>
    %dma_start3A_840 = tpu.memref_squeeze %dma_start3A_839 : memref<1x!tpu.dma_semaphore, #tpu.memory_space<semaphore_mem>> -> memref<!tpu.dma_semaphore, #tpu.memory_space<semaphore_mem>>
    %dma_start3A_841 = arith.constant 0 : i32
    %dma_start3A_842 = tpu.memref_slice %arg4[%add3A_830, %dma_start3A_841] : memref<204800x128xf32, #tpu.memory_space<hbm>> -> memref<64x128xf32, #tpu.memory_space<hbm>>
    %dma_start3A_843 = arith.constant 0 : i32
    %dma_start3A_844 = arith.constant 0 : i32
    %dma_start3A_845 = tpu.memref_slice %arg6[%dma_start3A_831, %dma_start3A_843, %dma_start3A_844] : memref<12x64x128xf32, #tpu.memory_space<vmem>> -> memref<1x64x128xf32, #tpu.memory_space<vmem>>
    %dma_start3A_846 = tpu.memref_squeeze %dma_start3A_845 : memref<1x64x128xf32, #tpu.memory_space<vmem>> -> memref<64x128xf32, #tpu.memory_space<vmem>>
    tpu.enqueue_dma source(%dma_start3A_846 : memref<64x128xf32, #tpu.memory_space<vmem>>) target(%dma_start3A_842 : memref<64x128xf32, #tpu.memory_space<hbm>>) target_semaphore(%dma_start3A_840 : memref<!tpu.dma_semaphore, #tpu.memory_space<semaphore_mem>>)
    %dma_wait3A_847 = arith.constant 1 : i32
    %dma_wait3A_848 = arith.constant 1 : i32
    %dma_wait3A_849 = arith.constant 0 : i32
    %dma_wait3A_850 = arith.constant 0 : i32
    %dma_wait3A_851 = tpu.memref_slice %arg6[%dma_wait3A_847, %dma_wait3A_849, %dma_wait3A_850] : memref<12x64x128xf32, #tpu.memory_space<vmem>> -> memref<1x64x128xf32, #tpu.memory_space<vmem>>
    %dma_wait3A_852 = tpu.memref_squeeze %dma_wait3A_851 : memref<1x64x128xf32, #tpu.memory_space<vmem>> -> memref<64x128xf32, #tpu.memory_space<vmem>>
    %dma_wait3A_853 = arith.constant 6208 : i32
    %dma_wait3A_854 = tpu.memref_slice %arg5[%dma_wait3A_853] : memref<6400xi32, #tpu.memory_space<vmem>> -> memref<64xi32, #tpu.memory_space<vmem>>
    %dma_wait3A_855 = arith.constant 0 : i32
    %dma_wait3A_856 = arith.constant 0 : i32
    %dma_wait3A_857 = tpu.memref_slice %arg3[%dma_wait3A_855, %dma_wait3A_856] : memref<100000x128xf32, #tpu.memory_space<hbm>> -> memref<100000x128xf32, #tpu.memory_space<hbm>>
    %dma_wait3A_858 = tpu.memref_slice %arg7[%dma_wait3A_848] : memref<12x!tpu.dma_semaphore, #tpu.memory_space<semaphore_mem>> -> memref<1x!tpu.dma_semaphore, #tpu.memory_space<semaphore_mem>>
    %dma_wait3A_859 = tpu.memref_squeeze %dma_wait3A_858 : memref<1x!tpu.dma_semaphore, #tpu.memory_space<semaphore_mem>> -> memref<!tpu.dma_semaphore, #tpu.memory_space<semaphore_mem>>
    tpu.wait_indirect_dma semaphore(%dma_wait3A_859 : memref<!tpu.dma_semaphore, #tpu.memory_space<semaphore_mem>>) src(%dma_wait3A_857 : memref<100000x128xf32, #tpu.memory_space<hbm>>) dst(%dma_wait3A_852 : memref<64x128xf32, #tpu.memory_space<vmem>>)
    %add3A_860 = arith.constant 6208 : i32
    %add3A_861 = arith.addi %mul3A_2, %add3A_860 : i32
    %dma_start3A_862 = arith.constant 1 : i32
    %dma_start3A_863 = arith.constant 1 : i32
    %dma_start3A_864 = arith.constant 0 : i32
    %dma_start3A_865 = arith.constant 0 : i32
    %dma_start3A_866 = tpu.memref_slice %arg6[%dma_start3A_862, %dma_start3A_864, %dma_start3A_865] : memref<12x64x128xf32, #tpu.memory_space<vmem>> -> memref<1x64x128xf32, #tpu.memory_space<vmem>>
    %dma_start3A_867 = tpu.memref_squeeze %dma_start3A_866 : memref<1x64x128xf32, #tpu.memory_space<vmem>> -> memref<64x128xf32, #tpu.memory_space<vmem>>
    %dma_start3A_868 = arith.constant 0 : i32
    %dma_start3A_869 = tpu.memref_slice %arg4[%add3A_861, %dma_start3A_868] : memref<204800x128xf32, #tpu.memory_space<hbm>> -> memref<64x128xf32, #tpu.memory_space<hbm>>
    %dma_start3A_870 = tpu.memref_slice %arg8[%dma_start3A_863] : memref<12x!tpu.dma_semaphore, #tpu.memory_space<semaphore_mem>> -> memref<1x!tpu.dma_semaphore, #tpu.memory_space<semaphore_mem>>
    %dma_start3A_871 = tpu.memref_squeeze %dma_start3A_870 : memref<1x!tpu.dma_semaphore, #tpu.memory_space<semaphore_mem>> -> memref<!tpu.dma_semaphore, #tpu.memory_space<semaphore_mem>>
    %dma_start3A_872 = arith.constant 0 : i32
    %dma_start3A_873 = tpu.memref_slice %arg4[%add3A_861, %dma_start3A_872] : memref<204800x128xf32, #tpu.memory_space<hbm>> -> memref<64x128xf32, #tpu.memory_space<hbm>>
    %dma_start3A_874 = arith.constant 0 : i32
    %dma_start3A_875 = arith.constant 0 : i32
    %dma_start3A_876 = tpu.memref_slice %arg6[%dma_start3A_862, %dma_start3A_874, %dma_start3A_875] : memref<12x64x128xf32, #tpu.memory_space<vmem>> -> memref<1x64x128xf32, #tpu.memory_space<vmem>>
    %dma_start3A_877 = tpu.memref_squeeze %dma_start3A_876 : memref<1x64x128xf32, #tpu.memory_space<vmem>> -> memref<64x128xf32, #tpu.memory_space<vmem>>
    tpu.enqueue_dma source(%dma_start3A_877 : memref<64x128xf32, #tpu.memory_space<vmem>>) target(%dma_start3A_873 : memref<64x128xf32, #tpu.memory_space<hbm>>) target_semaphore(%dma_start3A_871 : memref<!tpu.dma_semaphore, #tpu.memory_space<semaphore_mem>>)
    %dma_wait3A_878 = arith.constant 2 : i32
    %dma_wait3A_879 = arith.constant 2 : i32
    %dma_wait3A_880 = arith.constant 0 : i32
    %dma_wait3A_881 = arith.constant 0 : i32
    %dma_wait3A_882 = tpu.memref_slice %arg6[%dma_wait3A_878, %dma_wait3A_880, %dma_wait3A_881] : memref<12x64x128xf32, #tpu.memory_space<vmem>> -> memref<1x64x128xf32, #tpu.memory_space<vmem>>
    %dma_wait3A_883 = tpu.memref_squeeze %dma_wait3A_882 : memref<1x64x128xf32, #tpu.memory_space<vmem>> -> memref<64x128xf32, #tpu.memory_space<vmem>>
    %dma_wait3A_884 = arith.constant 6272 : i32
    %dma_wait3A_885 = tpu.memref_slice %arg5[%dma_wait3A_884] : memref<6400xi32, #tpu.memory_space<vmem>> -> memref<64xi32, #tpu.memory_space<vmem>>
    %dma_wait3A_886 = arith.constant 0 : i32
    %dma_wait3A_887 = arith.constant 0 : i32
    %dma_wait3A_888 = tpu.memref_slice %arg3[%dma_wait3A_886, %dma_wait3A_887] : memref<100000x128xf32, #tpu.memory_space<hbm>> -> memref<100000x128xf32, #tpu.memory_space<hbm>>
    %dma_wait3A_889 = tpu.memref_slice %arg7[%dma_wait3A_879] : memref<12x!tpu.dma_semaphore, #tpu.memory_space<semaphore_mem>> -> memref<1x!tpu.dma_semaphore, #tpu.memory_space<semaphore_mem>>
    %dma_wait3A_890 = tpu.memref_squeeze %dma_wait3A_889 : memref<1x!tpu.dma_semaphore, #tpu.memory_space<semaphore_mem>> -> memref<!tpu.dma_semaphore, #tpu.memory_space<semaphore_mem>>
    tpu.wait_indirect_dma semaphore(%dma_wait3A_890 : memref<!tpu.dma_semaphore, #tpu.memory_space<semaphore_mem>>) src(%dma_wait3A_888 : memref<100000x128xf32, #tpu.memory_space<hbm>>) dst(%dma_wait3A_883 : memref<64x128xf32, #tpu.memory_space<vmem>>)
    %add3A_891 = arith.constant 6272 : i32
    %add3A_892 = arith.addi %mul3A_2, %add3A_891 : i32
    %dma_start3A_893 = arith.constant 2 : i32
    %dma_start3A_894 = arith.constant 2 : i32
    %dma_start3A_895 = arith.constant 0 : i32
    %dma_start3A_896 = arith.constant 0 : i32
    %dma_start3A_897 = tpu.memref_slice %arg6[%dma_start3A_893, %dma_start3A_895, %dma_start3A_896] : memref<12x64x128xf32, #tpu.memory_space<vmem>> -> memref<1x64x128xf32, #tpu.memory_space<vmem>>
    %dma_start3A_898 = tpu.memref_squeeze %dma_start3A_897 : memref<1x64x128xf32, #tpu.memory_space<vmem>> -> memref<64x128xf32, #tpu.memory_space<vmem>>
    %dma_start3A_899 = arith.constant 0 : i32
    %dma_start3A_900 = tpu.memref_slice %arg4[%add3A_892, %dma_start3A_899] : memref<204800x128xf32, #tpu.memory_space<hbm>> -> memref<64x128xf32, #tpu.memory_space<hbm>>
    %dma_start3A_901 = tpu.memref_slice %arg8[%dma_start3A_894] : memref<12x!tpu.dma_semaphore, #tpu.memory_space<semaphore_mem>> -> memref<1x!tpu.dma_semaphore, #tpu.memory_space<semaphore_mem>>
    %dma_start3A_902 = tpu.memref_squeeze %dma_start3A_901 : memref<1x!tpu.dma_semaphore, #tpu.memory_space<semaphore_mem>> -> memref<!tpu.dma_semaphore, #tpu.memory_space<semaphore_mem>>
    %dma_start3A_903 = arith.constant 0 : i32
    %dma_start3A_904 = tpu.memref_slice %arg4[%add3A_892, %dma_start3A_903] : memref<204800x128xf32, #tpu.memory_space<hbm>> -> memref<64x128xf32, #tpu.memory_space<hbm>>
    %dma_start3A_905 = arith.constant 0 : i32
    %dma_start3A_906 = arith.constant 0 : i32
    %dma_start3A_907 = tpu.memref_slice %arg6[%dma_start3A_893, %dma_start3A_905, %dma_start3A_906] : memref<12x64x128xf32, #tpu.memory_space<vmem>> -> memref<1x64x128xf32, #tpu.memory_space<vmem>>
    %dma_start3A_908 = tpu.memref_squeeze %dma_start3A_907 : memref<1x64x128xf32, #tpu.memory_space<vmem>> -> memref<64x128xf32, #tpu.memory_space<vmem>>
    tpu.enqueue_dma source(%dma_start3A_908 : memref<64x128xf32, #tpu.memory_space<vmem>>) target(%dma_start3A_904 : memref<64x128xf32, #tpu.memory_space<hbm>>) target_semaphore(%dma_start3A_902 : memref<!tpu.dma_semaphore, #tpu.memory_space<semaphore_mem>>)
    %dma_wait3A_909 = arith.constant 3 : i32
    %dma_wait3A_910 = arith.constant 3 : i32
    %dma_wait3A_911 = arith.constant 0 : i32
    %dma_wait3A_912 = arith.constant 0 : i32
    %dma_wait3A_913 = tpu.memref_slice %arg6[%dma_wait3A_909, %dma_wait3A_911, %dma_wait3A_912] : memref<12x64x128xf32, #tpu.memory_space<vmem>> -> memref<1x64x128xf32, #tpu.memory_space<vmem>>
    %dma_wait3A_914 = tpu.memref_squeeze %dma_wait3A_913 : memref<1x64x128xf32, #tpu.memory_space<vmem>> -> memref<64x128xf32, #tpu.memory_space<vmem>>
    %dma_wait3A_915 = arith.constant 6336 : i32
    %dma_wait3A_916 = tpu.memref_slice %arg5[%dma_wait3A_915] : memref<6400xi32, #tpu.memory_space<vmem>> -> memref<64xi32, #tpu.memory_space<vmem>>
    %dma_wait3A_917 = arith.constant 0 : i32
    %dma_wait3A_918 = arith.constant 0 : i32
    %dma_wait3A_919 = tpu.memref_slice %arg3[%dma_wait3A_917, %dma_wait3A_918] : memref<100000x128xf32, #tpu.memory_space<hbm>> -> memref<100000x128xf32, #tpu.memory_space<hbm>>
    %dma_wait3A_920 = tpu.memref_slice %arg7[%dma_wait3A_910] : memref<12x!tpu.dma_semaphore, #tpu.memory_space<semaphore_mem>> -> memref<1x!tpu.dma_semaphore, #tpu.memory_space<semaphore_mem>>
    %dma_wait3A_921 = tpu.memref_squeeze %dma_wait3A_920 : memref<1x!tpu.dma_semaphore, #tpu.memory_space<semaphore_mem>> -> memref<!tpu.dma_semaphore, #tpu.memory_space<semaphore_mem>>
    tpu.wait_indirect_dma semaphore(%dma_wait3A_921 : memref<!tpu.dma_semaphore, #tpu.memory_space<semaphore_mem>>) src(%dma_wait3A_919 : memref<100000x128xf32, #tpu.memory_space<hbm>>) dst(%dma_wait3A_914 : memref<64x128xf32, #tpu.memory_space<vmem>>)
    %add3A_922 = arith.constant 6336 : i32
    %add3A_923 = arith.addi %mul3A_2, %add3A_922 : i32
    %dma_start3A_924 = arith.constant 3 : i32
    %dma_start3A_925 = arith.constant 3 : i32
    %dma_start3A_926 = arith.constant 0 : i32
    %dma_start3A_927 = arith.constant 0 : i32
    %dma_start3A_928 = tpu.memref_slice %arg6[%dma_start3A_924, %dma_start3A_926, %dma_start3A_927] : memref<12x64x128xf32, #tpu.memory_space<vmem>> -> memref<1x64x128xf32, #tpu.memory_space<vmem>>
    %dma_start3A_929 = tpu.memref_squeeze %dma_start3A_928 : memref<1x64x128xf32, #tpu.memory_space<vmem>> -> memref<64x128xf32, #tpu.memory_space<vmem>>
    %dma_start3A_930 = arith.constant 0 : i32
    %dma_start3A_931 = tpu.memref_slice %arg4[%add3A_923, %dma_start3A_930] : memref<204800x128xf32, #tpu.memory_space<hbm>> -> memref<64x128xf32, #tpu.memory_space<hbm>>
    %dma_start3A_932 = tpu.memref_slice %arg8[%dma_start3A_925] : memref<12x!tpu.dma_semaphore, #tpu.memory_space<semaphore_mem>> -> memref<1x!tpu.dma_semaphore, #tpu.memory_space<semaphore_mem>>
    %dma_start3A_933 = tpu.memref_squeeze %dma_start3A_932 : memref<1x!tpu.dma_semaphore, #tpu.memory_space<semaphore_mem>> -> memref<!tpu.dma_semaphore, #tpu.memory_space<semaphore_mem>>
    %dma_start3A_934 = arith.constant 0 : i32
    %dma_start3A_935 = tpu.memref_slice %arg4[%add3A_923, %dma_start3A_934] : memref<204800x128xf32, #tpu.memory_space<hbm>> -> memref<64x128xf32, #tpu.memory_space<hbm>>
    %dma_start3A_936 = arith.constant 0 : i32
    %dma_start3A_937 = arith.constant 0 : i32
    %dma_start3A_938 = tpu.memref_slice %arg6[%dma_start3A_924, %dma_start3A_936, %dma_start3A_937] : memref<12x64x128xf32, #tpu.memory_space<vmem>> -> memref<1x64x128xf32, #tpu.memory_space<vmem>>
    %dma_start3A_939 = tpu.memref_squeeze %dma_start3A_938 : memref<1x64x128xf32, #tpu.memory_space<vmem>> -> memref<64x128xf32, #tpu.memory_space<vmem>>
    tpu.enqueue_dma source(%dma_start3A_939 : memref<64x128xf32, #tpu.memory_space<vmem>>) target(%dma_start3A_935 : memref<64x128xf32, #tpu.memory_space<hbm>>) target_semaphore(%dma_start3A_933 : memref<!tpu.dma_semaphore, #tpu.memory_space<semaphore_mem>>)
    %add3A_940 = arith.constant 6144 : i32
    %add3A_941 = arith.addi %mul3A_2, %add3A_940 : i32
    %dma_wait3A_942 = arith.constant 0 : i32
    %dma_wait3A_943 = arith.constant 0 : i32
    %dma_wait3A_944 = arith.constant 0 : i32
    %dma_wait3A_945 = arith.constant 0 : i32
    %dma_wait3A_946 = tpu.memref_slice %arg6[%dma_wait3A_942, %dma_wait3A_944, %dma_wait3A_945] : memref<12x64x128xf32, #tpu.memory_space<vmem>> -> memref<1x64x128xf32, #tpu.memory_space<vmem>>
    %dma_wait3A_947 = tpu.memref_squeeze %dma_wait3A_946 : memref<1x64x128xf32, #tpu.memory_space<vmem>> -> memref<64x128xf32, #tpu.memory_space<vmem>>
    %dma_wait3A_948 = arith.constant 0 : i32
    %dma_wait3A_949 = tpu.memref_slice %arg4[%add3A_941, %dma_wait3A_948] : memref<204800x128xf32, #tpu.memory_space<hbm>> -> memref<64x128xf32, #tpu.memory_space<hbm>>
    %dma_wait3A_950 = tpu.memref_slice %arg8[%dma_wait3A_943] : memref<12x!tpu.dma_semaphore, #tpu.memory_space<semaphore_mem>> -> memref<1x!tpu.dma_semaphore, #tpu.memory_space<semaphore_mem>>
    %dma_wait3A_951 = tpu.memref_squeeze %dma_wait3A_950 : memref<1x!tpu.dma_semaphore, #tpu.memory_space<semaphore_mem>> -> memref<!tpu.dma_semaphore, #tpu.memory_space<semaphore_mem>>
    %dma_wait3A_952 = arith.constant 0 : i32
    %dma_wait3A_953 = tpu.memref_slice %arg4[%add3A_941, %dma_wait3A_952] : memref<204800x128xf32, #tpu.memory_space<hbm>> -> memref<64x128xf32, #tpu.memory_space<hbm>>
    %dma_wait3A_954 = arith.constant 0 : i32
    %dma_wait3A_955 = arith.constant 0 : i32
    %dma_wait3A_956 = tpu.memref_slice %arg6[%dma_wait3A_942, %dma_wait3A_954, %dma_wait3A_955] : memref<12x64x128xf32, #tpu.memory_space<vmem>> -> memref<1x64x128xf32, #tpu.memory_space<vmem>>
    %dma_wait3A_957 = tpu.memref_squeeze %dma_wait3A_956 : memref<1x64x128xf32, #tpu.memory_space<vmem>> -> memref<64x128xf32, #tpu.memory_space<vmem>>
    tpu.wait_dma2 semaphore(%dma_wait3A_951 : memref<!tpu.dma_semaphore, #tpu.memory_space<semaphore_mem>>) src(%dma_wait3A_957 : memref<64x128xf32, #tpu.memory_space<vmem>>) dst(%dma_wait3A_953 : memref<64x128xf32, #tpu.memory_space<hbm>>)
    %add3A_958 = arith.constant 6208 : i32
    %add3A_959 = arith.addi %mul3A_2, %add3A_958 : i32
    %dma_wait3A_960 = arith.constant 1 : i32
    %dma_wait3A_961 = arith.constant 1 : i32
    %dma_wait3A_962 = arith.constant 0 : i32
    %dma_wait3A_963 = arith.constant 0 : i32
    %dma_wait3A_964 = tpu.memref_slice %arg6[%dma_wait3A_960, %dma_wait3A_962, %dma_wait3A_963] : memref<12x64x128xf32, #tpu.memory_space<vmem>> -> memref<1x64x128xf32, #tpu.memory_space<vmem>>
    %dma_wait3A_965 = tpu.memref_squeeze %dma_wait3A_964 : memref<1x64x128xf32, #tpu.memory_space<vmem>> -> memref<64x128xf32, #tpu.memory_space<vmem>>
    %dma_wait3A_966 = arith.constant 0 : i32
    %dma_wait3A_967 = tpu.memref_slice %arg4[%add3A_959, %dma_wait3A_966] : memref<204800x128xf32, #tpu.memory_space<hbm>> -> memref<64x128xf32, #tpu.memory_space<hbm>>
    %dma_wait3A_968 = tpu.memref_slice %arg8[%dma_wait3A_961] : memref<12x!tpu.dma_semaphore, #tpu.memory_space<semaphore_mem>> -> memref<1x!tpu.dma_semaphore, #tpu.memory_space<semaphore_mem>>
    %dma_wait3A_969 = tpu.memref_squeeze %dma_wait3A_968 : memref<1x!tpu.dma_semaphore, #tpu.memory_space<semaphore_mem>> -> memref<!tpu.dma_semaphore, #tpu.memory_space<semaphore_mem>>
    %dma_wait3A_970 = arith.constant 0 : i32
    %dma_wait3A_971 = tpu.memref_slice %arg4[%add3A_959, %dma_wait3A_970] : memref<204800x128xf32, #tpu.memory_space<hbm>> -> memref<64x128xf32, #tpu.memory_space<hbm>>
    %dma_wait3A_972 = arith.constant 0 : i32
    %dma_wait3A_973 = arith.constant 0 : i32
    %dma_wait3A_974 = tpu.memref_slice %arg6[%dma_wait3A_960, %dma_wait3A_972, %dma_wait3A_973] : memref<12x64x128xf32, #tpu.memory_space<vmem>> -> memref<1x64x128xf32, #tpu.memory_space<vmem>>
    %dma_wait3A_975 = tpu.memref_squeeze %dma_wait3A_974 : memref<1x64x128xf32, #tpu.memory_space<vmem>> -> memref<64x128xf32, #tpu.memory_space<vmem>>
    tpu.wait_dma2 semaphore(%dma_wait3A_969 : memref<!tpu.dma_semaphore, #tpu.memory_space<semaphore_mem>>) src(%dma_wait3A_975 : memref<64x128xf32, #tpu.memory_space<vmem>>) dst(%dma_wait3A_971 : memref<64x128xf32, #tpu.memory_space<hbm>>)
    %add3A_976 = arith.constant 6272 : i32
    %add3A_977 = arith.addi %mul3A_2, %add3A_976 : i32
    %dma_wait3A_978 = arith.constant 2 : i32
    %dma_wait3A_979 = arith.constant 2 : i32
    %dma_wait3A_980 = arith.constant 0 : i32
    %dma_wait3A_981 = arith.constant 0 : i32
    %dma_wait3A_982 = tpu.memref_slice %arg6[%dma_wait3A_978, %dma_wait3A_980, %dma_wait3A_981] : memref<12x64x128xf32, #tpu.memory_space<vmem>> -> memref<1x64x128xf32, #tpu.memory_space<vmem>>
    %dma_wait3A_983 = tpu.memref_squeeze %dma_wait3A_982 : memref<1x64x128xf32, #tpu.memory_space<vmem>> -> memref<64x128xf32, #tpu.memory_space<vmem>>
    %dma_wait3A_984 = arith.constant 0 : i32
    %dma_wait3A_985 = tpu.memref_slice %arg4[%add3A_977, %dma_wait3A_984] : memref<204800x128xf32, #tpu.memory_space<hbm>> -> memref<64x128xf32, #tpu.memory_space<hbm>>
    %dma_wait3A_986 = tpu.memref_slice %arg8[%dma_wait3A_979] : memref<12x!tpu.dma_semaphore, #tpu.memory_space<semaphore_mem>> -> memref<1x!tpu.dma_semaphore, #tpu.memory_space<semaphore_mem>>
    %dma_wait3A_987 = tpu.memref_squeeze %dma_wait3A_986 : memref<1x!tpu.dma_semaphore, #tpu.memory_space<semaphore_mem>> -> memref<!tpu.dma_semaphore, #tpu.memory_space<semaphore_mem>>
    %dma_wait3A_988 = arith.constant 0 : i32
    %dma_wait3A_989 = tpu.memref_slice %arg4[%add3A_977, %dma_wait3A_988] : memref<204800x128xf32, #tpu.memory_space<hbm>> -> memref<64x128xf32, #tpu.memory_space<hbm>>
    %dma_wait3A_990 = arith.constant 0 : i32
    %dma_wait3A_991 = arith.constant 0 : i32
    %dma_wait3A_992 = tpu.memref_slice %arg6[%dma_wait3A_978, %dma_wait3A_990, %dma_wait3A_991] : memref<12x64x128xf32, #tpu.memory_space<vmem>> -> memref<1x64x128xf32, #tpu.memory_space<vmem>>
    %dma_wait3A_993 = tpu.memref_squeeze %dma_wait3A_992 : memref<1x64x128xf32, #tpu.memory_space<vmem>> -> memref<64x128xf32, #tpu.memory_space<vmem>>
    tpu.wait_dma2 semaphore(%dma_wait3A_987 : memref<!tpu.dma_semaphore, #tpu.memory_space<semaphore_mem>>) src(%dma_wait3A_993 : memref<64x128xf32, #tpu.memory_space<vmem>>) dst(%dma_wait3A_989 : memref<64x128xf32, #tpu.memory_space<hbm>>)
    %add3A_994 = arith.constant 6336 : i32
    %add3A_995 = arith.addi %mul3A_2, %add3A_994 : i32
    %dma_wait3A_996 = arith.constant 3 : i32
    %dma_wait3A_997 = arith.constant 3 : i32
    %dma_wait3A_998 = arith.constant 0 : i32
    %dma_wait3A_999 = arith.constant 0 : i32
    %dma_wait3A_1000 = tpu.memref_slice %arg6[%dma_wait3A_996, %dma_wait3A_998, %dma_wait3A_999] : memref<12x64x128xf32, #tpu.memory_space<vmem>> -> memref<1x64x128xf32, #tpu.memory_space<vmem>>
    %dma_wait3A_1001 = tpu.memref_squeeze %dma_wait3A_1000 : memref<1x64x128xf32, #tpu.memory_space<vmem>> -> memref<64x128xf32, #tpu.memory_space<vmem>>
    %dma_wait3A_1002 = arith.constant 0 : i32
    %dma_wait3A_1003 = tpu.memref_slice %arg4[%add3A_995, %dma_wait3A_1002] : memref<204800x128xf32, #tpu.memory_space<hbm>> -> memref<64x128xf32, #tpu.memory_space<hbm>>
    %dma_wait3A_1004 = tpu.memref_slice %arg8[%dma_wait3A_997] : memref<12x!tpu.dma_semaphore, #tpu.memory_space<semaphore_mem>> -> memref<1x!tpu.dma_semaphore, #tpu.memory_space<semaphore_mem>>
    %dma_wait3A_1005 = tpu.memref_squeeze %dma_wait3A_1004 : memref<1x!tpu.dma_semaphore, #tpu.memory_space<semaphore_mem>> -> memref<!tpu.dma_semaphore, #tpu.memory_space<semaphore_mem>>
    %dma_wait3A_1006 = arith.constant 0 : i32
    %dma_wait3A_1007 = tpu.memref_slice %arg4[%add3A_995, %dma_wait3A_1006] : memref<204800x128xf32, #tpu.memory_space<hbm>> -> memref<64x128xf32, #tpu.memory_space<hbm>>
    %dma_wait3A_1008 = arith.constant 0 : i32
    %dma_wait3A_1009 = arith.constant 0 : i32
    %dma_wait3A_1010 = tpu.memref_slice %arg6[%dma_wait3A_996, %dma_wait3A_1008, %dma_wait3A_1009] : memref<12x64x128xf32, #tpu.memory_space<vmem>> -> memref<1x64x128xf32, #tpu.memory_space<vmem>>
    %dma_wait3A_1011 = tpu.memref_squeeze %dma_wait3A_1010 : memref<1x64x128xf32, #tpu.memory_space<vmem>> -> memref<64x128xf32, #tpu.memory_space<vmem>>
    tpu.wait_dma2 semaphore(%dma_wait3A_1005 : memref<!tpu.dma_semaphore, #tpu.memory_space<semaphore_mem>>) src(%dma_wait3A_1011 : memref<64x128xf32, #tpu.memory_space<vmem>>) dst(%dma_wait3A_1007 : memref<64x128xf32, #tpu.memory_space<hbm>>)
    return
  }
}

</mosaic_0001>

<sc_bundles>
// kernel: kernel.3.cloned.1.call-start
scs
__scs_entry_jumppad:
0x0: {  	(pc) =	sbr.rel $0x88, $3  }
0x1: {  	(tag) =	ssettag $0x0;
	lr =	simm.s32 $0x1  }
0x2: {  	[smem:$0x3F9F] =	sst lr;
	_ =	strace $0xD0000000  }
0x3: {  	_ = 	snop  }
0x4: {  	_ = 	snop  }
0x5: {  	_ = 	snop  }
0x6: {  	_ = 	snop  }
0x7: {  	_ = 	snop  }
__scs_overlays_trampoline_lowered:
0x8: {  	[smem:$0x3FAE] =	sst s0  }
0x9: {  	[smem:$0x3FAF] =	sst s1  }
0xa: {  	[smem:$0x3FB0] =	sst s2  }
0xb: {  	[smem:$0x3FB1] =	sst s3  }
0xc: {  	[smem:$0x3FB2] =	sst s4  }
0xd: {  	[smem:$0x3FB3] =	sst s5  }
0xe: {  	[smem:$0x3FB4] =	sst s6  }
0xf: {  	[smem:$0x3FB5] =	sst s7  }
0x10: {  	[smem:$0x3FB6] =	sst s8  }
0x11: {  	[smem:$0x3FB7] =	sst s9;
	s0 =	simm.s32 @!p0 $0x0  }
0x12: {  	s1 =	sld [smem:$0x3F9D];
	s0 =	simm.s32 @p0 $0x1  }
0x13: {  	[smem:$0x3FB8] =	sst s0;
	s0 =	simm.s32 @!p1 $0x0  }
0x14: {  	s2 =	sld [smem:$0x3F9C];
	s0 =	simm.s32 @p1 $0x1  }
0x15: {  	[smem:$0x3FB9] =	sst s0;
	s0 =	simm.s32 @!p2 $0x0  }
0x16: {  	s3 =	sld [smem:$0x3FDB];
	s0 =	simm.s32 @p2 $0x1  }
0x17: {  	s4 =	simm.s32 $0x1BF5;
	[smem:$0x3FBB] =	sst s0  }
0x18: {  	s0 =	sld [smem:$0x3F9E];
	_ =	swait.ge [sflag:s4], $0x0  }
0x19: {  	s7 =	sld [smem:$0x3F9F]  }
0x1a: {  	s8 =	sadd.s32 $0xFFFFE003, lr  }
0x1b: {  	s9 =	sadd.s32 $0xFFFFFEF7, lr;
	s5 =	simm.s32 $0xFFFFFFFF;
	p2 =	slt.u32 s8, $0xFFFFF086  }
0x1c: {  	p1 =	slt.u32 s9, $0xF7A;
	s5 =	simm.s32 @!p2 $0x0  }
0x1d: {  	s5 =	simm.s32 @p1 $0x1;
	p0 =	seq.s32 s7, s2  }
0x1e: {  	s7 =	smul.u32 @!p0 $0xF7A, s2;
	p2 =	seq.s32 @!p0 s5, $0x0  }
0x1f: {  	s9 =	smul.u32 $0xF7A, s1;
	s8 =	simm.s32 @!p0 $0x1BF5;
	p2 =	por !p2, p0  }
0x20: {  	[sflag:s8] =	ssyncset.s32 @!p0 $0xFFFFF086;
	s6 =	sadd.s32 @!p0 s3, s7;
	s7 =	simm.s32 @!p0 $0x108  }
0x21: {  	s3 =	sadd.s32 s3, s9;
	s6 =	sadd.s32 @!p0 $0x88, s6;
	s7 =	simm.s32 @p2 $0x1082  }
0x22: {  	[simem:s7], [sflag:s8] =	dma.local @!p0 [hbm:s6], $0xF7A  }
0x23: {  	s9 =	sor.u32 $0xD0000000, s2;
	s6 =	simm.s32 $0x108;
	_ =	swait.ge @!p0 [sflag:s8], $0x0  }
0x24: {  	s3 =	sadd.s32 $0x88, s3;
	s6 =	simm.s32 @!p1 $0x1082;
	[sflag:s4] =	ssyncset.s32 $0xFFFFF086  }
0x25: {  	[simem:s6], [sflag:s4] =	dma.local [hbm:s3], $0xF7A  }
0x26: {  	[smem:$0x3F9F] =	sst s1;
	(tag) =	ssettag s2;
	_ =	strace s9  }
0x27: {  	s1 =	sld [smem:$0x3FAF]  }
0x28: {  	s2 =	sld [smem:$0x3FB0]  }
0x29: {  	s4 =	sld [smem:$0x3FB2]  }
0x2a: {  	p0 =	seq.s32 s5, $0x0;
	s5 =	sld [smem:$0x3FB3]  }
0x2b: {  	s6 =	sld [smem:$0x3FB4]  }
0x2c: {  	s7 =	sld [smem:$0x3FB5]  }
0x2d: {  	s3 =	simm.s32 $0x108;
	s8 =	sld [smem:$0x3FB6]  }
0x2e: {  	s3 =	simm.s32 @!p0 $0x1082;
	s9 =	sld [smem:$0x3FB7]  }
0x2f: {  	lr =	sadd.s32 s0, s3;
	s0 =	sld [smem:$0x3FAE]  }
0x30: {  	s3 =	sld [smem:$0x3FB1]  }
0x31: {  	[smem:$0x3FBA] =	sst s10  }
0x32: {  	s10 =	sld [smem:$0x3FB8];
	_ =	sdelay $0x3  }
0x33: {  	p0 =	seq.s32 s10, $0x1;
	s10 =	sld [smem:$0x3FBA];
	_ =	sdelay $0x3  }
0x34: {  	[smem:$0x3FBA] =	sst s10  }
0x35: {  	s10 =	sld [smem:$0x3FB9];
	_ =	sdelay $0x3  }
0x36: {  	p1 =	seq.s32 s10, $0x1;
	s10 =	sld [smem:$0x3FBA];
	_ =	sdelay $0x3  }
0x37: {  	[smem:$0x3FBA] =	sst s10  }
0x38: {  	s10 =	sld [smem:$0x3FBB]  }
0x39: {  	_ = 	snop;
	(pc) =	sbr.ind lr, $3  }
0x3a: {  	_ = 	snop  }
0x3b: {  	_ = 	snop  }
0x3c: {  	p2 =	seq.s32 s10, $0x1;
	s10 =	sld [smem:$0x3FBA]  }
0x3d: {  	_ =	shalt  }
0x3e: {  	_ =	shalt  }
0x3f: {  	_ =	shalt  }
0x40: {  	_ =	shalt  }
0x41: {  	_ =	shalt  }
0x42: {  	_ =	shalt  }
0x43: {  	_ =	shalt  }
0x44: {  	_ =	shalt  }
0x45: {  	_ =	shalt  }
0x46: {  	_ =	shalt  }
0x47: {  	_ =	shalt  }
0x48: {  	_ =	shalt  }
0x49: {  	_ =	shalt  }
0x4a: {  	_ =	shalt  }
0x4b: {  	_ =	shalt  }
0x4c: {  	_ =	shalt  }
0x4d: {  	_ =	shalt  }
0x4e: {  	_ =	shalt  }
0x4f: {  	_ =	shalt  }
0x50: {  	_ =	shalt  }
0x51: {  	_ =	shalt  }
0x52: {  	_ =	shalt  }
0x53: {  	_ =	shalt  }
0x54: {  	_ =	shalt  }
0x55: {  	_ =	shalt  }
0x56: {  	_ =	shalt  }
0x57: {  	_ =	shalt  }
0x58: {  	_ =	shalt  }
0x59: {  	_ =	shalt  }
0x5a: {  	_ =	shalt  }
0x5b: {  	_ =	shalt  }
0x5c: {  	_ =	shalt  }
0x5d: {  	_ =	shalt  }
0x5e: {  	_ =	shalt  }
0x5f: {  	_ =	shalt  }
0x60: {  	_ =	shalt  }
0x61: {  	_ =	shalt  }
0x62: {  	_ =	shalt  }
0x63: {  	_ =	shalt  }
0x64: {  	_ =	shalt  }
0x65: {  	_ =	shalt  }
0x66: {  	_ =	shalt  }
0x67: {  	_ =	shalt  }
0x68: {  	_ =	shalt  }
0x69: {  	_ =	shalt  }
0x6a: {  	_ =	shalt  }
0x6b: {  	_ =	shalt  }
0x6c: {  	_ =	shalt  }
0x6d: {  	_ =	shalt  }
0x6e: {  	_ =	shalt  }
0x6f: {  	_ =	shalt  }
0x70: {  	_ =	shalt  }
0x71: {  	_ =	shalt  }
0x72: {  	_ =	shalt  }
0x73: {  	_ =	shalt  }
0x74: {  	_ =	shalt  }
0x75: {  	_ =	shalt  }
0x76: {  	_ =	shalt  }
0x77: {  	_ =	shalt  }
0x78: {  	_ =	shalt  }
0x79: {  	_ =	shalt  }
0x7a: {  	_ =	shalt  }
0x7b: {  	_ =	shalt  }
0x7c: {  	_ =	shalt  }
0x7d: {  	_ =	shalt  }
0x7e: {  	_ =	shalt  }
0x7f: {  	_ =	shalt  }
0x80: {  	_ =	shalt  }
0x81: {  	_ =	shalt  }
0x82: {  	_ =	shalt  }
0x83: {  	_ =	shalt  }
0x84: {  	_ =	shalt  }
0x85: {  	_ =	shalt  }
0x86: {  	_ =	shalt  }
0x87: {  	_ =	shalt  }
.Lfunc_end0:
.L_simem_size_0:
called_computation_lowered:
.L_overlay_start_0:
0x88: {  	s2 =	sld [smem:$0x3FD9]  }
0x89: {  	s3 =	sld [smem:$0x3FFE];
	_ =	sdelay $0x1  }
0x8a: {  	s1 =	srdreg.scid  }
0x8b: {  	s0 =	sand.u32 $0x1, s1  }
0x8c: {  	s17 =	sshll.u32 s0, $0xA;
	s2 =	sadd.s32 s3, s2  }
0x8d: {  	s2 =	sadd.s32 s2, s17  }
0x8e: {  	[smem:$0x3FC6] =	sst s2  }
0x8f: {  	_ = 	snop  }
0x90: {  	s2 =	sld [smem:$0x3FC8]  }
0x91: {  	s18 =	sld [smem:$0x3FD0];
	(tm) =	ssettm $0x1  }
0x92: {  	s4 =	sld [smem:$0x3FFB];
	_ =	sdelay $0x3  }
0x93: {  	_ =	strace s4  }
0x94: {  	s4 =	sld [smem:$0x3FFC];
	_ =	sdelay $0x3  }
0x95: {  	_ =	strace s4  }
0x96: {  	s4 =	sld [smem:$0x3FFD];
	_ =	sdelay $0x3  }
0x97: {  	_ =	strace s4  }
0x98: {  	_ =	strace $0x8FFFFFFF  }
0x99: {  	s19 =	sld [smem:$0x3FDB];
	_ =	sdelay $0x1  }
0x9a: {  	s5 =	simm.s32 $_scs_section_size  }
0x9b: {  	s6 =	simm.s32 $_size__tile_overlayer_lowered;
	s7 =	simm.s32 $_tile_overlayer_lowered  }
0x9c: {  	s22 =	simm.s32 $0x1BFF;
	s21 =	sshll.u32 s7, $0x1;
	s4 =	sadd.s32 s5, s19  }
0x9d: {  	s8 =	simm.s32 $0x0;
	s20 =	sshll.u32 s6, $0x1;
	s6 =	sadd.s32 s21, s4  }
0x9e: {  	[timem:s8], [sflag:s22] =	dma.local [hbm:s6], s20  }
0x9f: {  	_ =	swait.ge [sflag:s22], s20  }
0xa0: {  	s5 =	ssub.s32 $0x0, s20;
	[sflag:s22] =	ssyncset.done $0x0  }
0xa1: {  	[sflag:s22] =	ssyncadd.s32 s5;
	_ =	sdelay $0x1  }
0xa2: {  	s23 =	simm.s32 $0x1B8B  }
0xa3: {  	_ =	swait.ge [sflag:s23], $0x1  }
0xa4: {  	[sflag:s23] =	ssyncset.done $0x0  }
0xa5: {  	s25 =	simm.s32 $0x1B8E;
	s24 =	sld [smem:$0x3FFE];
	[sflag:s23] =	ssyncadd.s32 $0xFFFFFFFF  }
0xa6: {  	s26 =	simm.s32 $execute0_lowered;
	[smem:$0x3FD2] =	sst s25  }
0xa7: {  	s6 =	sshll.u32 s26, $0x1;
	_ =	strace $0x80000046;
	[dreg:$0x1] =	wrdreg $0xFFFFFFFF  }
0xa8: {  	s28 =	simm.s32 $_size_execute0_lowered;
	s4 =	sadd.s32 s4, s6;
	[dreg:$0x0] =	wrdreg $0x0  }
0xa9: {  	s6 =	sshll.u32 s28, $0x1;
	[dreg:$0x2] =	wrdreg s4  }
0xaa: {  	[dreg:$0x3] =	wrdreg s6  }
0xab: {  	[dreg:$0x4] =	wrdreg $0xC0  }
0xac: {  	_ =	task [dreg:s8], $0x5FFFF  }
0xad: {  	[dreg:$0x1] =	wrdreg $0xFFFFFFFF  }
0xae: {  	[dreg:$0x0] =	wrdreg $0x60  }
0xaf: {  	[dreg:$0x2] =	wrdreg s24  }
0xb0: {  	[dreg:$0x3] =	wrdreg s2  }
0xb1: {  	[dreg:$0x4] =	wrdreg s18  }
0xb2: {  	[dreg:$0x5] =	wrdreg $0x9  }
0xb3: {  	_ =	task.clear_ibuf [dreg:s8], $0x6FFFF;
	_ =	strace $0x90000046  }
0xb4: {  	s29 =	simm.s32 $0x9;
	_ =	strace $0x80000048  }
0xb5: {  	_ =	swait.ge [sflag:s29], $0x1  }
0xb6: {  	[sflag:s29] =	ssyncadd.s32 $0xFFFFFFFF  }
0xb7: {  	_ =	strace $0x90000048  }
0xb8: {  	_ =	sfence  }
0xb9: {  	s30 =	sld [smem:$0x0];
	_ =	sdelay $0x2  }
0xba: {  	s31 =	sshll.u32 s1, $0xD;
	s1 =	sshrl.u32 s1, $0x2  }
0xbb: {  	s3 =	sand.u32 $0x4000, s31;
	s1 =	sadd.s32 s1, s30  }
0xbc: {  	s0 =	sor.u32 s3, s0;
	s1 =	sshll.u32 s1, $0x11  }
0xbd: {  	s0 =	sor.u32 s1, s0  }
0xbe: {  	s0 =	sadd.s32 $0x8F2B, s0  }
0xbf: {  	[sflag:s0] =	ssyncadd.remote.s32 $0x1  }
0xc0: {  	_ =	sfence.sel $0xFFFF  }
0xc1: {  	[dreg:$0x0] =	wrdreg $0xFFFFFFFF;
	(pc) =	sbr.abs _section_cstart, $3  }
0xc2: {  	[dreg:$0x1] =	wrdreg $0xFFFFFFFF  }
0xc3: {  	_ =	task.clear_ibuf [dreg:s8], $0x2FFFF;
	_ =	strace $0x9FFFFFFF  }
0xc4: {  	(tm) =	ssettm $0x7FFFFFFF  }
0xc5: {  	_ =	shalt  }
tec
execute0_lowered:
.L_overlay_start_1:
0x0: {  	(tag) =	ssettag $0x1  }
0x1: {  	s1 =	srdreg.scid;
	s8 =	stileid.u32  }
0x2: {  	s1 =	sand.u32 $0x1, s1;
	s3 =	sshll.u32 s8, $0x1  }
0x3: {  	s0 =	rddreg [dreg:$0x0];
	s5 =	sor.u32 s1, s3  }
0x4: {  	s2 =	rddreg [dreg:$0x1];
	s6 =	smul.u32 $0x1900, s5  }
0x5: {  	s4 =	rddreg [dreg:$0x2]  }
0x6: {  	s3 =	simm.s32 $0x0;
	s5 =	smul.u32 $0xC8000, s5;
	s6 =	sshrl.u32 s6, $0x3  }
0x7: {  	[smem:$0x7FF] =	sst s3;
	s0 =	sadd.s32 s6, s0  }
0x8: {  	_ =	strace $0x80000047;
	s5 =	sshrl.u32 s5, $0x3;
	s26 =	sadd.s32 $0x460, s0  }
0x9: {  	s5 =	sadd.s32 s4, s5;
	s0 =	sadd.s32 $0x400, s0;
	[dreg:$0x4] =	wrdreg s26  }
0xa: {  	s9 =	sadd.s32 $0x15000, s5;
	[dreg:$0x5] =	wrdreg s0  }
0xb: {  	s10 =	sadd.s32 $0x15400, s5;
	[dreg:$0x6] =	wrdreg s9  }
0xc: {  	s11 =	sadd.s32 $0x15800, s5;
	[dreg:$0x7] =	wrdreg s10  }
0xd: {  	s12 =	sadd.s32 $0x15C00, s5;
	[dreg:$0x8] =	wrdreg s11  }
0xe: {  	s13 =	sadd.s32 $0x16000, s5;
	[dreg:$0x9] =	wrdreg s12  }
0xf: {  	s14 =	sadd.s32 $0x16400, s5;
	[dreg:$0xa] =	wrdreg s13  }
0x10: {  	s15 =	sadd.s32 $0x16800, s5;
	[dreg:$0xb] =	wrdreg s14  }
0x11: {  	s16 =	sadd.s32 $0x16C00, s5;
	[dreg:$0xc] =	wrdreg s15  }
0x12: {  	s28 =	simm.s32 $0x11;
	s17 =	sadd.s32 $0x17000, s5;
	[dreg:$0xd] =	wrdreg s16  }
0x13: {  	s29 =	simm.s32 $0x12;
	s18 =	sadd.s32 $0x17400, s5;
	[dreg:$0xe] =	wrdreg s17  }
0x14: {  	s31 =	simm.s32 $0x13;
	s20 =	sadd.s32 $0x17800, s5;
	[dreg:$0xf] =	wrdreg s18  }
0x15: {  	s30 =	simm.s32 $0x15;
	s21 =	sadd.s32 $0x17C00, s5;
	[dreg:$0x10] =	wrdreg s20  }
0x16: {  	s19 =	smul.u32 $0x32000, s8;
	s22 =	sadd.s32 $0x18000, s5;
	[dreg:$0x11] =	wrdreg s21  }
0x17: {  	s7 =	ssub.s32 $0x2, s1;
	s23 =	sadd.s32 $0x18400, s5;
	[dreg:$0x12] =	wrdreg s22  }
0x18: {  	s25 =	sshrl.u32 s7, $0x1;
	s24 =	sadd.s32 $0x18800, s5;
	[dreg:$0x13] =	wrdreg s23  }
0x19: {  	s6 =	ssub.s32 s7, s25;
	s25 =	sadd.s32 $0x18C00, s5;
	[dreg:$0x14] =	wrdreg s24  }
0x1a: {  	s1 =	smul.u32 $0x19000, s1;
	s0 =	sadd.s32 s19, s4;
	[dreg:$0x15] =	wrdreg s25  }
0x1b: {  	s26 =	smax.u32 s6, $0x1;
	s22 =	simm.s32 $0xD;
	s25 =	simm.s32 $0xE  }
0x1c: {  	s9 =	simm.s32 $0xF;
	s23 =	simm.s32 $0x10;
	s24 =	simm.s32 $0x16  }
0x1d: {  	s4 =	simm.s32 $0x18;
	s6 =	simm.s32 $0x0;
	s0 =	sadd.s32 s1, s0  }
0x1e: {  	[dreg:$0x16] =	wrdreg s26;
	s26 =	simm.s32 $0x40;
	s0 =	sadd.s32 $0x2C00, s0  }
0x1f: {  	s1 =	simm.s32 $0x17;
	[dreg:$0x17] =	wrdreg s0;
	s0 =	simm.s32 $0x14  }
.LBB2_1:
0x20: {  	[dreg:$0x18] =	wrdreg s6  }
0x21: {  	s5 =	rddreg [dreg:$0x4];
	s8 =	simm.s32 $0x300  }
0x22: {  	[tilespmem:s8], [sflag:$0x19] =	stream.linear.gather [hbm4b:s5+s3], $0x1600, $0x38;
	[tilespmem:$0x19900] =	vst v63  }
0x23: {  	s10 =	rddreg [dreg:$0x5];
	s11 =	simm.s32 $0x1A  }
0x24: {  	[tilespmem:s3], [sflag:$0x1A] =	stream.linear.gather [hbm4b:s10+s3], $0x300, $0x38;
	[tilespmem:$0x19900] =	vst v63  }
0x25: {  	_ =	swait.ge [sflag:s11], $0x300  }
0x26: {  	[sflag:s11] =	ssyncset.done $0x0  }
0x27: {  	s7 =	simm.s32 $0x1900;
	[sflag:s11] =	ssyncadd.s32 $0xFFFFFD00  }
0x28: {  	[tilespmem:s7], [sflag:$0x1] =	stream.indirect.gather [hbm4b:s2+s26], $0x80, s3, s26, $0xb8;
	[tilespmem:$0x19900] =	vst v63  }
0x29: {  	s8 =	simm.s32 $0x3900  }
0x2a: {  	[tilespmem:s8], [sflag:$0x2] =	stream.indirect.gather [hbm4b:s2+s26], $0x80, s26, s26, $0xb8;
	[tilespmem:$0x19900] =	vst v63  }
0x2b: {  	s12 =	simm.s32 $0x80;
	s10 =	simm.s32 $0x5900  }
0x2c: {  	[tilespmem:s10], [sflag:$0x3] =	stream.indirect.gather [hbm4b:s2+s26], $0x80, s12, s26, $0xb8;
	[tilespmem:$0x19900] =	vst v63  }
0x2d: {  	s13 =	simm.s32 $0xC0;
	s11 =	simm.s32 $0x7900  }
0x2e: {  	[tilespmem:s11], [sflag:$0x4] =	stream.indirect.gather [hbm4b:s2+s26], $0x80, s13, s26, $0xb8;
	[tilespmem:$0x19900] =	vst v63  }
0x2f: {  	s14 =	simm.s32 $0x100;
	s12 =	simm.s32 $0x9900  }
0x30: {  	[tilespmem:s12], [sflag:$0x5] =	stream.indirect.gather [hbm4b:s2+s26], $0x80, s14, s26, $0xb8;
	[tilespmem:$0x19900] =	vst v63  }
0x31: {  	s15 =	simm.s32 $0x140;
	s13 =	simm.s32 $0xB900  }
0x32: {  	[tilespmem:s13], [sflag:$0x6] =	stream.indirect.gather [hbm4b:s2+s26], $0x80, s15, s26, $0xb8;
	[tilespmem:$0x19900] =	vst v63  }
0x33: {  	s16 =	simm.s32 $0x180;
	s14 =	simm.s32 $0xD900  }
0x34: {  	[tilespmem:s14], [sflag:$0x7] =	stream.indirect.gather [hbm4b:s2+s26], $0x80, s16, s26, $0xb8;
	[tilespmem:$0x19900] =	vst v63  }
0x35: {  	s17 =	simm.s32 $0x1C0;
	s15 =	simm.s32 $0xF900  }
0x36: {  	[tilespmem:s15], [sflag:$0x8] =	stream.indirect.gather [hbm4b:s2+s26], $0x80, s17, s26, $0xb8;
	[tilespmem:$0x19900] =	vst v63  }
0x37: {  	s18 =	simm.s32 $0x200;
	s16 =	simm.s32 $0x11900  }
0x38: {  	[tilespmem:s16], [sflag:$0x9] =	stream.indirect.gather [hbm4b:s2+s26], $0x80, s18, s26, $0xb8;
	[tilespmem:$0x19900] =	vst v63  }
0x39: {  	s19 =	simm.s32 $0x240;
	s17 =	simm.s32 $0x13900  }
0x3a: {  	[tilespmem:s17], [sflag:$0xA] =	stream.indirect.gather [hbm4b:s2+s26], $0x80, s19, s26, $0xb8;
	[tilespmem:$0x19900] =	vst v63  }
0x3b: {  	s20 =	simm.s32 $0x280;
	s18 =	simm.s32 $0x15900  }
0x3c: {  	[tilespmem:s18], [sflag:$0xB] =	stream.indirect.gather [hbm4b:s2+s26], $0x80, s20, s26, $0xb8;
	[tilespmem:$0x19900] =	vst v63  }
0x3d: {  	s21 =	simm.s32 $0x2C0;
	s6 =	simm.s32 $0x19;
	s19 =	simm.s32 $0x17900  }
0x3e: {  	[tilespmem:s19], [sflag:$0xC] =	stream.indirect.gather [hbm4b:s2+s26], $0x80, s21, s26, $0xb8;
	[tilespmem:$0x19900] =	vst v63  }
0x3f: {  	_ =	swait.ge [sflag:s6], $0x1600  }
0x40: {  	[sflag:s6] =	ssyncset.done $0x0  }
0x41: {  	s20 =	simm.s32 $0x1;
	[sflag:s6] =	ssyncadd.s32 $0xFFFFEA00  }
0x42: {  	_ =	swait.ge [sflag:s20], $0x2000  }
0x43: {  	[sflag:s20] =	ssyncset.done $0x0;
	s6 =	rddreg [dreg:$0x17]  }
0x44: {  	[sflag:s20] =	ssyncadd.s32 $0xFFFFE000;
	s21 =	sadd.s32 $0xFFFFD400, s6;
	s20 =	simm.s32 $0x2  }
0x45: {  	[hbm4b:s21+s3] =	stream.linear.scatter [tilespmem:s7], [sflag:$0xD], $0x2000, $0x38;
	[tilespmem:$0x19900] =	vst v63  }
0x46: {  	_ =	swait.ge [sflag:s20], $0x2000  }
0x47: {  	[sflag:s20] =	ssyncset.done $0x0  }
0x48: {  	s21 =	sadd.s32 $0xFFFFD800, s6;
	[sflag:s20] =	ssyncadd.s32 $0xFFFFE000;
	s20 =	simm.s32 $0x3  }
0x49: {  	[hbm4b:s21+s3] =	stream.linear.scatter [tilespmem:s8], [sflag:$0xE], $0x2000, $0x38;
	[tilespmem:$0x19900] =	vst v63  }
0x4a: {  	_ =	swait.ge [sflag:s20], $0x2000  }
0x4b: {  	[sflag:s20] =	ssyncset.done $0x0  }
0x4c: {  	s21 =	sadd.s32 $0xFFFFDC00, s6;
	[sflag:s20] =	ssyncadd.s32 $0xFFFFE000;
	s20 =	simm.s32 $0x4  }
0x4d: {  	[hbm4b:s21+s3] =	stream.linear.scatter [tilespmem:s10], [sflag:$0xF], $0x2000, $0x38;
	[tilespmem:$0x19900] =	vst v63  }
0x4e: {  	_ =	swait.ge [sflag:s20], $0x2000  }
0x4f: {  	[sflag:s20] =	ssyncset.done $0x0  }
0x50: {  	s21 =	sadd.s32 $0xFFFFE000, s6;
	[sflag:s20] =	ssyncadd.s32 $0xFFFFE000;
	s20 =	simm.s32 $0x5  }
0x51: {  	[hbm4b:s21+s3] =	stream.linear.scatter [tilespmem:s11], [sflag:$0x10], $0x2000, $0x38;
	[tilespmem:$0x19900] =	vst v63  }
0x52: {  	_ =	swait.ge [sflag:s20], $0x2000  }
0x53: {  	[sflag:s20] =	ssyncset.done $0x0  }
0x54: {  	s21 =	sadd.s32 $0xFFFFE400, s6;
	[sflag:s20] =	ssyncadd.s32 $0xFFFFE000;
	s20 =	simm.s32 $0x6  }
0x55: {  	[hbm4b:s21+s3] =	stream.linear.scatter [tilespmem:s12], [sflag:$0x11], $0x2000, $0x38;
	[tilespmem:$0x19900] =	vst v63  }
0x56: {  	_ =	swait.ge [sflag:s20], $0x2000  }
0x57: {  	[sflag:s20] =	ssyncset.done $0x0  }
0x58: {  	s21 =	sadd.s32 $0xFFFFE800, s6;
	[sflag:s20] =	ssyncadd.s32 $0xFFFFE000;
	s20 =	simm.s32 $0x7  }
0x59: {  	[hbm4b:s21+s3] =	stream.linear.scatter [tilespmem:s13], [sflag:$0x12], $0x2000, $0x38;
	[tilespmem:$0x19900] =	vst v63  }
0x5a: {  	_ =	swait.ge [sflag:s20], $0x2000  }
0x5b: {  	[sflag:s20] =	ssyncset.done $0x0  }
0x5c: {  	s21 =	sadd.s32 $0xFFFFEC00, s6;
	[sflag:s20] =	ssyncadd.s32 $0xFFFFE000;
	s20 =	simm.s32 $0x8  }
0x5d: {  	[hbm4b:s21+s3] =	stream.linear.scatter [tilespmem:s14], [sflag:$0x13], $0x2000, $0x38;
	[tilespmem:$0x19900] =	vst v63  }
0x5e: {  	_ =	swait.ge [sflag:s20], $0x2000  }
0x5f: {  	[sflag:s20] =	ssyncset.done $0x0  }
0x60: {  	s21 =	sadd.s32 $0xFFFFF000, s6;
	[sflag:s20] =	ssyncadd.s32 $0xFFFFE000;
	s20 =	simm.s32 $0x9  }
0x61: {  	[hbm4b:s21+s3] =	stream.linear.scatter [tilespmem:s15], [sflag:$0x14], $0x2000, $0x38;
	[tilespmem:$0x19900] =	vst v63  }
0x62: {  	_ =	swait.ge [sflag:s20], $0x2000  }
0x63: {  	[sflag:s20] =	ssyncset.done $0x0  }
0x64: {  	s21 =	sadd.s32 $0xFFFFF400, s6;
	[sflag:s20] =	ssyncadd.s32 $0xFFFFE000;
	s20 =	simm.s32 $0xA  }
0x65: {  	[hbm4b:s21+s3] =	stream.linear.scatter [tilespmem:s16], [sflag:$0x15], $0x2000, $0x38;
	[tilespmem:$0x19900] =	vst v63  }
0x66: {  	_ =	swait.ge [sflag:s20], $0x2000  }
0x67: {  	[sflag:s20] =	ssyncset.done $0x0  }
0x68: {  	s21 =	sadd.s32 $0xFFFFF800, s6;
	[sflag:s20] =	ssyncadd.s32 $0xFFFFE000;
	s20 =	simm.s32 $0xB  }
0x69: {  	[hbm4b:s21+s3] =	stream.linear.scatter [tilespmem:s17], [sflag:$0x16], $0x2000, $0x38;
	[tilespmem:$0x19900] =	vst v63  }
0x6a: {  	_ =	swait.ge [sflag:s20], $0x2000  }
0x6b: {  	[sflag:s20] =	ssyncset.done $0x0  }
0x6c: {  	s21 =	sadd.s32 $0xFFFFFC00, s6;
	[sflag:s20] =	ssyncadd.s32 $0xFFFFE000;
	s20 =	simm.s32 $0xC  }
0x6d: {  	[hbm4b:s21+s3] =	stream.linear.scatter [tilespmem:s18], [sflag:$0x17], $0x2000, $0x38;
	[tilespmem:$0x19900] =	vst v63  }
0x6e: {  	_ =	swait.ge [sflag:s20], $0x2000  }
0x6f: {  	[sflag:s20] =	ssyncset.done $0x0  }
0x70: {  	[sflag:s20] =	ssyncadd.s32 $0xFFFFE000  }
0x71: {  	[hbm4b:s6+s3] =	stream.linear.scatter [tilespmem:s19], [sflag:$0x18], $0x2000, $0x38;
	[tilespmem:$0x19900] =	vst v63  }
0x72: {  	_ =	swait.ge [sflag:s22], $0x2000  }
0x73: {  	[sflag:s22] =	ssyncset.done $0x0  }
0x74: {  	s21 =	simm.s32 $0x300;
	[sflag:s22] =	ssyncadd.s32 $0xFFFFE000  }
0x75: {  	[tilespmem:s7], [sflag:$0x1] =	stream.indirect.gather [hbm4b:s2+s26], $0x80, s21, s26, $0xb8;
	[tilespmem:$0x19900] =	vst v63  }
0x76: {  	_ =	swait.ge [sflag:s25], $0x2000  }
0x77: {  	[sflag:s25] =	ssyncset.done $0x0  }
0x78: {  	s7 =	simm.s32 $0x340;
	[sflag:s25] =	ssyncadd.s32 $0xFFFFE000  }
0x79: {  	[tilespmem:s8], [sflag:$0x2] =	stream.indirect.gather [hbm4b:s2+s26], $0x80, s7, s26, $0xb8;
	[tilespmem:$0x19900] =	vst v63  }
0x7a: {  	_ =	swait.ge [sflag:s9], $0x2000  }
0x7b: {  	[sflag:s9] =	ssyncset.done $0x0  }
0x7c: {  	s8 =	simm.s32 $0x380;
	[sflag:s9] =	ssyncadd.s32 $0xFFFFE000  }
0x7d: {  	[tilespmem:s10], [sflag:$0x3] =	stream.indirect.gather [hbm4b:s2+s26], $0x80, s8, s26, $0xb8;
	[tilespmem:$0x19900] =	vst v63  }
0x7e: {  	_ =	swait.ge [sflag:s23], $0x2000  }
0x7f: {  	[sflag:s23] =	ssyncset.done $0x0  }
0x80: {  	s10 =	simm.s32 $0x3C0;
	[sflag:s23] =	ssyncadd.s32 $0xFFFFE000  }
0x81: {  	[tilespmem:s11], [sflag:$0x4] =	stream.indirect.gather [hbm4b:s2+s26], $0x80, s10, s26, $0xb8;
	[tilespmem:$0x19900] =	vst v63  }
0x82: {  	_ =	swait.ge [sflag:s28], $0x2000  }
0x83: {  	[sflag:s28] =	ssyncset.done $0x0  }
0x84: {  	s11 =	simm.s32 $0x400;
	[sflag:s28] =	ssyncadd.s32 $0xFFFFE000  }
0x85: {  	[tilespmem:s12], [sflag:$0x5] =	stream.indirect.gather [hbm4b:s2+s26], $0x80, s11, s26, $0xb8;
	[tilespmem:$0x19900] =	vst v63  }
0x86: {  	_ =	swait.ge [sflag:s29], $0x2000  }
0x87: {  	[sflag:s29] =	ssyncset.done $0x0  }
0x88: {  	s12 =	simm.s32 $0x440;
	[sflag:s29] =	ssyncadd.s32 $0xFFFFE000  }
0x89: {  	[tilespmem:s13], [sflag:$0x6] =	stream.indirect.gather [hbm4b:s2+s26], $0x80, s12, s26, $0xb8;
	[tilespmem:$0x19900] =	vst v63  }
0x8a: {  	_ =	swait.ge [sflag:s31], $0x2000  }
0x8b: {  	[sflag:s31] =	ssyncset.done $0x0  }
0x8c: {  	s13 =	simm.s32 $0x480;
	[sflag:s31] =	ssyncadd.s32 $0xFFFFE000  }
0x8d: {  	[tilespmem:s14], [sflag:$0x7] =	stream.indirect.gather [hbm4b:s2+s26], $0x80, s13, s26, $0xb8;
	[tilespmem:$0x19900] =	vst v63  }
0x8e: {  	_ =	swait.ge [sflag:s0], $0x2000  }
0x8f: {  	[sflag:s0] =	ssyncset.done $0x0  }
0x90: {  	s14 =	simm.s32 $0x4C0;
	[sflag:s0] =	ssyncadd.s32 $0xFFFFE000  }
0x91: {  	[tilespmem:s15], [sflag:$0x8] =	stream.indirect.gather [hbm4b:s2+s26], $0x80, s14, s26, $0xb8;
	[tilespmem:$0x19900] =	vst v63  }
0x92: {  	_ =	swait.ge [sflag:s30], $0x2000  }
0x93: {  	[sflag:s30] =	ssyncset.done $0x0  }
0x94: {  	s19 =	simm.s32 $0x500;
	[sflag:s30] =	ssyncadd.s32 $0xFFFFE000  }
0x95: {  	[tilespmem:s16], [sflag:$0x9] =	stream.indirect.gather [hbm4b:s2+s26], $0x80, s19, s26, $0xb8;
	[tilespmem:$0x19900] =	vst v63  }
0x96: {  	_ =	swait.ge [sflag:s24], $0x2000  }
0x97: {  	[sflag:s24] =	ssyncset.done $0x0  }
0x98: {  	s20 =	simm.s32 $0x540;
	[sflag:s24] =	ssyncadd.s32 $0xFFFFE000  }
0x99: {  	[tilespmem:s17], [sflag:$0xA] =	stream.indirect.gather [hbm4b:s2+s26], $0x80, s20, s26, $0xb8;
	[tilespmem:$0x19900] =	vst v63  }
0x9a: {  	_ =	swait.ge [sflag:s1], $0x2000  }
0x9b: {  	[sflag:s1] =	ssyncset.done $0x0  }
0x9c: {  	s21 =	simm.s32 $0x580;
	[sflag:s1] =	ssyncadd.s32 $0xFFFFE000  }
0x9d: {  	[tilespmem:s18], [sflag:$0xB] =	stream.indirect.gather [hbm4b:s2+s26], $0x80, s21, s26, $0xb8;
	[tilespmem:$0x19900] =	vst v63  }
0x9e: {  	_ =	swait.ge [sflag:s4], $0x2000  }
0x9f: {  	s5 =	simm.s32 $0xC00;
	[sflag:s4] =	ssyncset.done $0x0  }
0xa0: {  	s6 =	sadd.s32 $0x3000, s6;
	s7 =	simm.s32 $0x5C0;
	[sflag:s4] =	ssyncadd.s32 $0xFFFFE000  }
.LBB2_2:
0xa1: {  	s21 =	simm.s32 $0x17900  }
0xa2: {  	[tilespmem:s21], [sflag:$0xC] =	stream.indirect.gather [hbm4b:s2+s26], $0x80, s7, s26, $0xb8;
	[tilespmem:$0x19900] =	vst v63  }
0xa3: {  	s8 =	simm.s32 $0x1;
	s7 =	smov.u32 s5  }
0xa4: {  	p0 =	sne.s32 s5, $0x4800;
	s5 =	sadd.s32 $0xC00, s5;
	_ =	swait.ge [sflag:s8], $0x2000  }
0xa5: {  	[sflag:s8] =	ssyncset.done $0x0  }
0xa6: {  	s10 =	simm.s32 $0x1900;
	[sflag:s8] =	ssyncadd.s32 $0xFFFFE000;
	s8 =	sadd.s32 $0xFFFFD400, s6  }
0xa7: {  	[hbm4b:s8+s3] =	stream.linear.scatter [tilespmem:s10], [sflag:$0xD], $0x2000, $0x38;
	[tilespmem:$0x19900] =	vst v63  }
0xa8: {  	s8 =	simm.s32 $0x2  }
0xa9: {  	_ =	swait.ge [sflag:s8], $0x2000  }
0xaa: {  	[sflag:s8] =	ssyncset.done $0x0  }
0xab: {  	s11 =	simm.s32 $0x3900;
	[sflag:s8] =	ssyncadd.s32 $0xFFFFE000;
	s8 =	sadd.s32 $0xFFFFD800, s6  }
0xac: {  	[hbm4b:s8+s3] =	stream.linear.scatter [tilespmem:s11], [sflag:$0xE], $0x2000, $0x38;
	[tilespmem:$0x19900] =	vst v63  }
0xad: {  	s8 =	simm.s32 $0x3  }
0xae: {  	_ =	swait.ge [sflag:s8], $0x2000  }
0xaf: {  	[sflag:s8] =	ssyncset.done $0x0  }
0xb0: {  	s12 =	simm.s32 $0x5900;
	[sflag:s8] =	ssyncadd.s32 $0xFFFFE000;
	s8 =	sadd.s32 $0xFFFFDC00, s6  }
0xb1: {  	[hbm4b:s8+s3] =	stream.linear.scatter [tilespmem:s12], [sflag:$0xF], $0x2000, $0x38;
	[tilespmem:$0x19900] =	vst v63  }
0xb2: {  	s8 =	simm.s32 $0x4  }
0xb3: {  	_ =	swait.ge [sflag:s8], $0x2000  }
0xb4: {  	[sflag:s8] =	ssyncset.done $0x0  }
0xb5: {  	s13 =	simm.s32 $0x7900;
	[sflag:s8] =	ssyncadd.s32 $0xFFFFE000;
	s8 =	sadd.s32 $0xFFFFE000, s6  }
0xb6: {  	[hbm4b:s8+s3] =	stream.linear.scatter [tilespmem:s13], [sflag:$0x10], $0x2000, $0x38;
	[tilespmem:$0x19900] =	vst v63  }
0xb7: {  	s8 =	simm.s32 $0x5  }
0xb8: {  	_ =	swait.ge [sflag:s8], $0x2000  }
0xb9: {  	[sflag:s8] =	ssyncset.done $0x0  }
0xba: {  	s14 =	simm.s32 $0x9900;
	[sflag:s8] =	ssyncadd.s32 $0xFFFFE000;
	s8 =	sadd.s32 $0xFFFFE400, s6  }
0xbb: {  	[hbm4b:s8+s3] =	stream.linear.scatter [tilespmem:s14], [sflag:$0x11], $0x2000, $0x38;
	[tilespmem:$0x19900] =	vst v63  }
0xbc: {  	s8 =	simm.s32 $0x6  }
0xbd: {  	_ =	swait.ge [sflag:s8], $0x2000  }
0xbe: {  	[sflag:s8] =	ssyncset.done $0x0  }
0xbf: {  	s15 =	simm.s32 $0xB900;
	[sflag:s8] =	ssyncadd.s32 $0xFFFFE000;
	s8 =	sadd.s32 $0xFFFFE800, s6  }
0xc0: {  	[hbm4b:s8+s3] =	stream.linear.scatter [tilespmem:s15], [sflag:$0x12], $0x2000, $0x38;
	[tilespmem:$0x19900] =	vst v63  }
0xc1: {  	s8 =	simm.s32 $0x7  }
0xc2: {  	_ =	swait.ge [sflag:s8], $0x2000  }
0xc3: {  	[sflag:s8] =	ssyncset.done $0x0  }
0xc4: {  	s16 =	simm.s32 $0xD900;
	[sflag:s8] =	ssyncadd.s32 $0xFFFFE000;
	s8 =	sadd.s32 $0xFFFFEC00, s6  }
0xc5: {  	[hbm4b:s8+s3] =	stream.linear.scatter [tilespmem:s16], [sflag:$0x13], $0x2000, $0x38;
	[tilespmem:$0x19900] =	vst v63  }
0xc6: {  	s8 =	simm.s32 $0x8  }
0xc7: {  	_ =	swait.ge [sflag:s8], $0x2000  }
0xc8: {  	[sflag:s8] =	ssyncset.done $0x0  }
0xc9: {  	s17 =	simm.s32 $0xF900;
	[sflag:s8] =	ssyncadd.s32 $0xFFFFE000;
	s8 =	sadd.s32 $0xFFFFF000, s6  }
0xca: {  	[hbm4b:s8+s3] =	stream.linear.scatter [tilespmem:s17], [sflag:$0x14], $0x2000, $0x38;
	[tilespmem:$0x19900] =	vst v63  }
0xcb: {  	s8 =	simm.s32 $0x9  }
0xcc: {  	_ =	swait.ge [sflag:s8], $0x2000  }
0xcd: {  	[sflag:s8] =	ssyncset.done $0x0  }
0xce: {  	s18 =	simm.s32 $0x11900;
	[sflag:s8] =	ssyncadd.s32 $0xFFFFE000;
	s8 =	sadd.s32 $0xFFFFF400, s6  }
0xcf: {  	[hbm4b:s8+s3] =	stream.linear.scatter [tilespmem:s18], [sflag:$0x15], $0x2000, $0x38;
	[tilespmem:$0x19900] =	vst v63  }
0xd0: {  	s8 =	simm.s32 $0xA  }
0xd1: {  	_ =	swait.ge [sflag:s8], $0x2000  }
0xd2: {  	[sflag:s8] =	ssyncset.done $0x0  }
0xd3: {  	s19 =	simm.s32 $0x13900;
	[sflag:s8] =	ssyncadd.s32 $0xFFFFE000;
	s8 =	sadd.s32 $0xFFFFF800, s6  }
0xd4: {  	[hbm4b:s8+s3] =	stream.linear.scatter [tilespmem:s19], [sflag:$0x16], $0x2000, $0x38;
	[tilespmem:$0x19900] =	vst v63  }
0xd5: {  	s8 =	simm.s32 $0xB  }
0xd6: {  	_ =	swait.ge [sflag:s8], $0x2000  }
0xd7: {  	[sflag:s8] =	ssyncset.done $0x0  }
0xd8: {  	s20 =	simm.s32 $0x15900;
	[sflag:s8] =	ssyncadd.s32 $0xFFFFE000;
	s8 =	sadd.s32 $0xFFFFFC00, s6  }
0xd9: {  	[hbm4b:s8+s3] =	stream.linear.scatter [tilespmem:s20], [sflag:$0x17], $0x2000, $0x38;
	[tilespmem:$0x19900] =	vst v63  }
0xda: {  	s8 =	simm.s32 $0xC  }
0xdb: {  	_ =	swait.ge [sflag:s8], $0x2000  }
0xdc: {  	[sflag:s8] =	ssyncset.done $0x0  }
0xdd: {  	[sflag:s8] =	ssyncadd.s32 $0xFFFFE000  }
0xde: {  	[hbm4b:s6+s3] =	stream.linear.scatter [tilespmem:s21], [sflag:$0x18], $0x2000, $0x38;
	[tilespmem:$0x19900] =	vst v63  }
0xdf: {  	_ =	swait.ge [sflag:s22], $0x2000  }
0xe0: {  	s7 =	sshra.s32 s7, $0x2;
	[sflag:s22] =	ssyncset.done $0x0  }
0xe1: {  	s8 =	sadd.s32 $0x300, s7;
	[sflag:s22] =	ssyncadd.s32 $0xFFFFE000  }
0xe2: {  	[tilespmem:s10], [sflag:$0x1] =	stream.indirect.gather [hbm4b:s2+s26], $0x80, s8, s26, $0xb8;
	[tilespmem:$0x19900] =	vst v63  }
0xe3: {  	_ =	swait.ge [sflag:s25], $0x2000  }
0xe4: {  	[sflag:s25] =	ssyncset.done $0x0  }
0xe5: {  	s8 =	sadd.s32 $0x340, s7;
	[sflag:s25] =	ssyncadd.s32 $0xFFFFE000  }
0xe6: {  	[tilespmem:s11], [sflag:$0x2] =	stream.indirect.gather [hbm4b:s2+s26], $0x80, s8, s26, $0xb8;
	[tilespmem:$0x19900] =	vst v63  }
0xe7: {  	_ =	swait.ge [sflag:s9], $0x2000  }
0xe8: {  	[sflag:s9] =	ssyncset.done $0x0  }
0xe9: {  	s8 =	sadd.s32 $0x380, s7;
	[sflag:s9] =	ssyncadd.s32 $0xFFFFE000  }
0xea: {  	[tilespmem:s12], [sflag:$0x3] =	stream.indirect.gather [hbm4b:s2+s26], $0x80, s8, s26, $0xb8;
	[tilespmem:$0x19900] =	vst v63  }
0xeb: {  	_ =	swait.ge [sflag:s23], $0x2000  }
0xec: {  	[sflag:s23] =	ssyncset.done $0x0  }
0xed: {  	s8 =	sadd.s32 $0x3C0, s7;
	[sflag:s23] =	ssyncadd.s32 $0xFFFFE000  }
0xee: {  	[tilespmem:s13], [sflag:$0x4] =	stream.indirect.gather [hbm4b:s2+s26], $0x80, s8, s26, $0xb8;
	[tilespmem:$0x19900] =	vst v63  }
0xef: {  	_ =	swait.ge [sflag:s28], $0x2000  }
0xf0: {  	[sflag:s28] =	ssyncset.done $0x0  }
0xf1: {  	s11 =	simm.s32 $0x9900;
	s8 =	sadd.s32 $0x400, s7;
	[sflag:s28] =	ssyncadd.s32 $0xFFFFE000  }
0xf2: {  	[tilespmem:s14], [sflag:$0x5] =	stream.indirect.gather [hbm4b:s2+s26], $0x80, s8, s26, $0xb8;
	[tilespmem:$0x19900] =	vst v63  }
0xf3: {  	_ =	swait.ge [sflag:s29], $0x2000  }
0xf4: {  	[sflag:s29] =	ssyncset.done $0x0  }
0xf5: {  	s12 =	simm.s32 $0xB900;
	s8 =	sadd.s32 $0x440, s7;
	[sflag:s29] =	ssyncadd.s32 $0xFFFFE000  }
0xf6: {  	[tilespmem:s15], [sflag:$0x6] =	stream.indirect.gather [hbm4b:s2+s26], $0x80, s8, s26, $0xb8;
	[tilespmem:$0x19900] =	vst v63  }
0xf7: {  	_ =	swait.ge [sflag:s31], $0x2000  }
0xf8: {  	[sflag:s31] =	ssyncset.done $0x0  }
0xf9: {  	s13 =	simm.s32 $0xD900;
	s8 =	sadd.s32 $0x480, s7;
	[sflag:s31] =	ssyncadd.s32 $0xFFFFE000  }
0xfa: {  	[tilespmem:s16], [sflag:$0x7] =	stream.indirect.gather [hbm4b:s2+s26], $0x80, s8, s26, $0xb8;
	[tilespmem:$0x19900] =	vst v63  }
0xfb: {  	_ =	swait.ge [sflag:s0], $0x2000  }
0xfc: {  	[sflag:s0] =	ssyncset.done $0x0  }
0xfd: {  	s14 =	simm.s32 $0xF900;
	s8 =	sadd.s32 $0x4C0, s7;
	[sflag:s0] =	ssyncadd.s32 $0xFFFFE000  }
0xfe: {  	[tilespmem:s17], [sflag:$0x8] =	stream.indirect.gather [hbm4b:s2+s26], $0x80, s8, s26, $0xb8;
	[tilespmem:$0x19900] =	vst v63  }
0xff: {  	_ =	swait.ge [sflag:s30], $0x2000  }
0x100: {  	[sflag:s30] =	ssyncset.done $0x0  }
0x101: {  	s15 =	simm.s32 $0x11900;
	s8 =	sadd.s32 $0x500, s7;
	[sflag:s30] =	ssyncadd.s32 $0xFFFFE000  }
0x102: {  	[tilespmem:s18], [sflag:$0x9] =	stream.indirect.gather [hbm4b:s2+s26], $0x80, s8, s26, $0xb8;
	[tilespmem:$0x19900] =	vst v63  }
0x103: {  	_ =	swait.ge [sflag:s24], $0x2000  }
0x104: {  	[sflag:s24] =	ssyncset.done $0x0  }
0x105: {  	s16 =	simm.s32 $0x13900;
	s8 =	sadd.s32 $0x540, s7;
	[sflag:s24] =	ssyncadd.s32 $0xFFFFE000  }
0x106: {  	[tilespmem:s19], [sflag:$0xA] =	stream.indirect.gather [hbm4b:s2+s26], $0x80, s8, s26, $0xb8;
	[tilespmem:$0x19900] =	vst v63  }
0x107: {  	_ =	swait.ge [sflag:s1], $0x2000  }
0x108: {  	s17 =	simm.s32 $0x15900;
	[sflag:s1] =	ssyncset.done $0x0  }
.Ltmp0:
0x109: {  	s8 =	sadd.s32 $0x580, s7;
	[sflag:s1] =	ssyncadd.s32 $0xFFFFE000;
	(pc) =	sbr.rel @p0 .LBB2_2-.Ltmp0, $4  }
0x10a: {  	[tilespmem:s20], [sflag:$0xB] =	stream.indirect.gather [hbm4b:s2+s26], $0x80, s8, s26, $0xb8;
	[tilespmem:$0x19900] =	vst v63  }
0x10b: {  	_ =	swait.ge [sflag:s4], $0x2000  }
0x10c: {  	[sflag:s4] =	ssyncset.done $0x0  }
0x10d: {  	s6 =	sadd.s32 $0x3000, s6;
	s7 =	sadd.s32 $0x5C0, s7;
	[sflag:s4] =	ssyncadd.s32 $0xFFFFE000  }
0x10e: {  	s18 =	simm.s32 $0x17900;
	s19 =	simm.s32 $0x1  }
0x10f: {  	[tilespmem:s18], [sflag:$0xC] =	stream.indirect.gather [hbm4b:s2+s26], $0x80, s7, s26, $0xb8;
	[tilespmem:$0x19900] =	vst v63  }
0x110: {  	_ =	swait.ge [sflag:s19], $0x2000  }
0x111: {  	s6 =	simm.s32 $0x1900;
	[sflag:s19] =	ssyncset.done $0x0  }
0x112: {  	s20 =	simm.s32 $0x2;
	s5 =	rddreg [dreg:$0x6];
	[sflag:s19] =	ssyncadd.s32 $0xFFFFE000  }
0x113: {  	[hbm4b:s5+s3] =	stream.linear.scatter [tilespmem:s6], [sflag:$0xD], $0x2000, $0x38;
	[tilespmem:$0x19900] =	vst v63  }
0x114: {  	_ =	swait.ge [sflag:s20], $0x2000  }
0x115: {  	s21 =	simm.s32 $0x3;
	[sflag:s20] =	ssyncset.done $0x0  }
0x116: {  	s7 =	simm.s32 $0x3900;
	s8 =	rddreg [dreg:$0x7];
	[sflag:s20] =	ssyncadd.s32 $0xFFFFE000  }
0x117: {  	[hbm4b:s8+s3] =	stream.linear.scatter [tilespmem:s7], [sflag:$0xE], $0x2000, $0x38;
	[tilespmem:$0x19900] =	vst v63  }
0x118: {  	_ =	swait.ge [sflag:s21], $0x2000  }
0x119: {  	s6 =	simm.s32 $0x4;
	[sflag:s21] =	ssyncset.done $0x0  }
0x11a: {  	s8 =	simm.s32 $0x5900;
	s10 =	rddreg [dreg:$0x8];
	[sflag:s21] =	ssyncadd.s32 $0xFFFFE000  }
0x11b: {  	[hbm4b:s10+s3] =	stream.linear.scatter [tilespmem:s8], [sflag:$0xF], $0x2000, $0x38;
	[tilespmem:$0x19900] =	vst v63  }
0x11c: {  	_ =	swait.ge [sflag:s6], $0x2000  }
0x11d: {  	[sflag:s6] =	ssyncset.done $0x0  }
0x11e: {  	s10 =	simm.s32 $0x7900;
	s5 =	rddreg [dreg:$0x9];
	[sflag:s6] =	ssyncadd.s32 $0xFFFFE000  }
0x11f: {  	[hbm4b:s5+s3] =	stream.linear.scatter [tilespmem:s10], [sflag:$0x10], $0x2000, $0x38;
	[tilespmem:$0x19900] =	vst v63  }
0x120: {  	s5 =	simm.s32 $0x5  }
0x121: {  	_ =	swait.ge [sflag:s5], $0x2000  }
0x122: {  	[sflag:s5] =	ssyncset.done $0x0  }
0x123: {  	[sflag:s5] =	ssyncadd.s32 $0xFFFFE000;
	s5 =	rddreg [dreg:$0xa]  }
0x124: {  	[hbm4b:s5+s3] =	stream.linear.scatter [tilespmem:s11], [sflag:$0x11], $0x2000, $0x38;
	[tilespmem:$0x19900] =	vst v63  }
0x125: {  	s11 =	simm.s32 $0x6  }
0x126: {  	_ =	swait.ge [sflag:s11], $0x2000  }
0x127: {  	[sflag:s11] =	ssyncset.done $0x0  }
0x128: {  	[sflag:s11] =	ssyncadd.s32 $0xFFFFE000;
	s11 =	rddreg [dreg:$0xb]  }
0x129: {  	[hbm4b:s11+s3] =	stream.linear.scatter [tilespmem:s12], [sflag:$0x12], $0x2000, $0x38;
	[tilespmem:$0x19900] =	vst v63  }
0x12a: {  	s12 =	simm.s32 $0x7  }
0x12b: {  	_ =	swait.ge [sflag:s12], $0x2000  }
0x12c: {  	[sflag:s12] =	ssyncset.done $0x0  }
0x12d: {  	s11 =	rddreg [dreg:$0xc];
	[sflag:s12] =	ssyncadd.s32 $0xFFFFE000;
	s12 =	simm.s32 $0x8  }
0x12e: {  	[hbm4b:s11+s3] =	stream.linear.scatter [tilespmem:s13], [sflag:$0x13], $0x2000, $0x38;
	[tilespmem:$0x19900] =	vst v63  }
0x12f: {  	_ =	swait.ge [sflag:s12], $0x2000  }
0x130: {  	[sflag:s12] =	ssyncset.done $0x0  }
0x131: {  	s13 =	rddreg [dreg:$0xd];
	[sflag:s12] =	ssyncadd.s32 $0xFFFFE000  }
0x132: {  	[hbm4b:s13+s3] =	stream.linear.scatter [tilespmem:s14], [sflag:$0x14], $0x2000, $0x38;
	[tilespmem:$0x19900] =	vst v63  }
0x133: {  	s14 =	simm.s32 $0x9  }
0x134: {  	_ =	swait.ge [sflag:s14], $0x2000  }
0x135: {  	[sflag:s14] =	ssyncset.done $0x0  }
0x136: {  	s12 =	simm.s32 $0xA;
	s11 =	rddreg [dreg:$0xe];
	[sflag:s14] =	ssyncadd.s32 $0xFFFFE000  }
0x137: {  	[hbm4b:s11+s3] =	stream.linear.scatter [tilespmem:s15], [sflag:$0x15], $0x2000, $0x38;
	[tilespmem:$0x19900] =	vst v63  }
0x138: {  	_ =	swait.ge [sflag:s12], $0x2000  }
0x139: {  	[sflag:s12] =	ssyncset.done $0x0  }
0x13a: {  	s14 =	simm.s32 $0xB;
	s13 =	rddreg [dreg:$0xf];
	[sflag:s12] =	ssyncadd.s32 $0xFFFFE000  }
0x13b: {  	[hbm4b:s13+s3] =	stream.linear.scatter [tilespmem:s16], [sflag:$0x16], $0x2000, $0x38;
	[tilespmem:$0x19900] =	vst v63  }
0x13c: {  	_ =	swait.ge [sflag:s14], $0x2000  }
0x13d: {  	[sflag:s14] =	ssyncset.done $0x0  }
0x13e: {  	s16 =	simm.s32 $0xC;
	s15 =	rddreg [dreg:$0x10];
	[sflag:s14] =	ssyncadd.s32 $0xFFFFE000  }
0x13f: {  	[hbm4b:s15+s3] =	stream.linear.scatter [tilespmem:s17], [sflag:$0x17], $0x2000, $0x38;
	[tilespmem:$0x19900] =	vst v63  }
0x140: {  	_ =	swait.ge [sflag:s16], $0x2000  }
0x141: {  	[sflag:s16] =	ssyncset.done $0x0  }
0x142: {  	s17 =	rddreg [dreg:$0x11];
	[sflag:s16] =	ssyncadd.s32 $0xFFFFE000  }
0x143: {  	[hbm4b:s17+s3] =	stream.linear.scatter [tilespmem:s18], [sflag:$0x18], $0x2000, $0x38;
	[tilespmem:$0x19900] =	vst v63  }
0x144: {  	_ =	swait.ge [sflag:s22], $0x2000  }
0x145: {  	[sflag:s22] =	ssyncset.done $0x0  }
0x146: {  	s11 =	simm.s32 $0x1800;
	s12 =	simm.s32 $0x1900;
	[sflag:s22] =	ssyncadd.s32 $0xFFFFE000  }
0x147: {  	[tilespmem:s12], [sflag:$0x1] =	stream.indirect.gather [hbm4b:s2+s26], $0x80, s11, s26, $0xb8;
	[tilespmem:$0x19900] =	vst v63  }
0x148: {  	_ =	swait.ge [sflag:s25], $0x2000  }
0x149: {  	[sflag:s25] =	ssyncset.done $0x0  }
0x14a: {  	s13 =	simm.s32 $0x1840;
	[sflag:s25] =	ssyncadd.s32 $0xFFFFE000  }
0x14b: {  	[tilespmem:s7], [sflag:$0x2] =	stream.indirect.gather [hbm4b:s2+s26], $0x80, s13, s26, $0xb8;
	[tilespmem:$0x19900] =	vst v63  }
0x14c: {  	_ =	swait.ge [sflag:s9], $0x2000  }
0x14d: {  	[sflag:s9] =	ssyncset.done $0x0  }
0x14e: {  	s14 =	simm.s32 $0x1880;
	[sflag:s9] =	ssyncadd.s32 $0xFFFFE000  }
0x14f: {  	[tilespmem:s8], [sflag:$0x3] =	stream.indirect.gather [hbm4b:s2+s26], $0x80, s14, s26, $0xb8;
	[tilespmem:$0x19900] =	vst v63  }
0x150: {  	_ =	swait.ge [sflag:s23], $0x2000  }
0x151: {  	[sflag:s23] =	ssyncset.done $0x0  }
0x152: {  	s15 =	simm.s32 $0x18C0;
	[sflag:s23] =	ssyncadd.s32 $0xFFFFE000  }
0x153: {  	[tilespmem:s10], [sflag:$0x4] =	stream.indirect.gather [hbm4b:s2+s26], $0x80, s15, s26, $0xb8;
	[tilespmem:$0x19900] =	vst v63  }
0x154: {  	_ =	swait.ge [sflag:s28], $0x2000  }
0x155: {  	[sflag:s28] =	ssyncset.done $0x0  }
0x156: {  	[sflag:s28] =	ssyncadd.s32 $0xFFFFE000  }
0x157: {  	_ =	swait.ge [sflag:s29], $0x2000  }
0x158: {  	[sflag:s29] =	ssyncset.done $0x0  }
0x159: {  	[sflag:s29] =	ssyncadd.s32 $0xFFFFE000  }
0x15a: {  	_ =	swait.ge [sflag:s31], $0x2000  }
0x15b: {  	[sflag:s31] =	ssyncset.done $0x0  }
0x15c: {  	[sflag:s31] =	ssyncadd.s32 $0xFFFFE000  }
0x15d: {  	_ =	swait.ge [sflag:s0], $0x2000  }
0x15e: {  	[sflag:s0] =	ssyncset.done $0x0  }
0x15f: {  	[sflag:s0] =	ssyncadd.s32 $0xFFFFE000  }
0x160: {  	_ =	swait.ge [sflag:s30], $0x2000  }
0x161: {  	[sflag:s30] =	ssyncset.done $0x0  }
0x162: {  	[sflag:s30] =	ssyncadd.s32 $0xFFFFE000  }
0x163: {  	_ =	swait.ge [sflag:s24], $0x2000  }
0x164: {  	[sflag:s24] =	ssyncset.done $0x0  }
0x165: {  	[sflag:s24] =	ssyncadd.s32 $0xFFFFE000  }
0x166: {  	_ =	swait.ge [sflag:s1], $0x2000  }
0x167: {  	[sflag:s1] =	ssyncset.done $0x0  }
0x168: {  	[sflag:s1] =	ssyncadd.s32 $0xFFFFE000  }
0x169: {  	_ =	swait.ge [sflag:s4], $0x2000  }
0x16a: {  	[sflag:s4] =	ssyncset.done $0x0  }
0x16b: {  	[sflag:s4] =	ssyncadd.s32 $0xFFFFE000  }
0x16c: {  	_ =	swait.ge [sflag:s19], $0x2000  }
0x16d: {  	[sflag:s19] =	ssyncset.done $0x0  }
0x16e: {  	s16 =	rddreg [dreg:$0x12];
	[sflag:s19] =	ssyncadd.s32 $0xFFFFE000  }
0x16f: {  	[hbm4b:s16+s3] =	stream.linear.scatter [tilespmem:s12], [sflag:$0xD], $0x2000, $0x38;
	[tilespmem:$0x19900] =	vst v63  }
0x170: {  	_ =	swait.ge [sflag:s20], $0x2000  }
0x171: {  	[sflag:s20] =	ssyncset.done $0x0  }
0x172: {  	s17 =	rddreg [dreg:$0x13];
	[sflag:s20] =	ssyncadd.s32 $0xFFFFE000  }
0x173: {  	[hbm4b:s17+s3] =	stream.linear.scatter [tilespmem:s7], [sflag:$0xE], $0x2000, $0x38;
	[tilespmem:$0x19900] =	vst v63  }
0x174: {  	_ =	swait.ge [sflag:s21], $0x2000  }
0x175: {  	[sflag:s21] =	ssyncset.done $0x0  }
0x176: {  	s18 =	rddreg [dreg:$0x14];
	[sflag:s21] =	ssyncadd.s32 $0xFFFFE000  }
0x177: {  	[hbm4b:s18+s3] =	stream.linear.scatter [tilespmem:s8], [sflag:$0xF], $0x2000, $0x38;
	[tilespmem:$0x19900] =	vst v63  }
0x178: {  	_ =	swait.ge [sflag:s6], $0x2000  }
0x179: {  	[sflag:s6] =	ssyncset.done $0x0  }
0x17a: {  	s19 =	rddreg [dreg:$0x15];
	[sflag:s6] =	ssyncadd.s32 $0xFFFFE000  }
0x17b: {  	[hbm4b:s19+s3] =	stream.linear.scatter [tilespmem:s10], [sflag:$0x10], $0x2000, $0x38;
	[tilespmem:$0x19900] =	vst v63  }
0x17c: {  	_ =	swait.ge [sflag:s22], $0x2000  }
0x17d: {  	[sflag:s22] =	ssyncset.done $0x0  }
0x17e: {  	[sflag:s22] =	ssyncadd.s32 $0xFFFFE000  }
0x17f: {  	_ =	swait.ge [sflag:s25], $0x2000  }
0x180: {  	[sflag:s25] =	ssyncset.done $0x0  }
0x181: {  	[sflag:s25] =	ssyncadd.s32 $0xFFFFE000  }
0x182: {  	_ =	swait.ge [sflag:s9], $0x2000  }
0x183: {  	[sflag:s9] =	ssyncset.done $0x0  }
0x184: {  	[sflag:s9] =	ssyncadd.s32 $0xFFFFE000  }
0x185: {  	_ =	swait.ge [sflag:s23], $0x2000  }
0x186: {  	s20 =	rddreg [dreg:$0x18]  }
0x187: {  	s21 =	rddreg [dreg:$0x16];
	s6 =	sadd.s32 $0x1, s20  }
0x188: {  	p0 =	sne.s32 s6, s21  }
.Ltmp1:
0x189: {  	_ = 	snop;
	(pc) =	sbr.rel @p0 .LBB2_1-.Ltmp1, $3  }
0x18a: {  	_ =	sdelay $0x1  }
0x18b: {  	[sflag:s23] =	ssyncset.done $0x0  }
0x18c: {  	[sflag:s23] =	ssyncadd.s32 $0xFFFFE000  }
0x18d: {  	_ =	sfence.sel $0x180000  }
0x18e: {  	[bflag:$0x0] =	sbarrier.arrive $0xFFFF  }
0x18f: {  	_ =	strace $0x90000047  }
0x190: {  	s0 =	stileid.u32;
	[bflag:$0x2] =	sbarrier.arrive $0xFFFF  }
0x191: {  	p0 =	sne.s32 s0, $0x0;
	s0 =	rddreg [dreg:$0x3]  }
0x192: {  	s0 =	sadd.s32 @!p0 $0x100000, s0  }
0x193: {  	[sflag:s0] =	ssyncadd.tile.s32 @!p0 $0x1;
	_ =	shalt  }
.Lfunc_end2:
_tile_overlayer_lowered:
.L_overlay_start_2:
0x194: {  	(tag) =	ssettag $0x2  }
0x195: {  	s0 =	rddreg [dreg:$0x0];
	s2 =	stileid.u32  }
0x196: {  	s1 =	rddreg [dreg:$0x1];
	p0 =	sne.s32 s2, $0x0  }
0x197: {  	s3 =	rddreg [dreg:$0x2];
	[bflag:$0x3] =	sbarrier.arrive $0xFFFF;
	s2 =	simm.s32 @!p0 $0x1C1A  }
0x198: {  	[timem:s3], [sflag:s2] =	dma.local @!p0 [hbm:s0], s1  }
0x199: {  	s0 =	simm.s32 @!p0 $0x1A  }
0x19a: {  	_ =	swait.ge @!p0 [sflag:s0], s1  }
0x19b: {  	s1 =	ssub.s32 @!p0 $0x0, s1;
	[sflag:s0] =	ssyncset.done @!p0 $0x0  }
0x19c: {  	[sflag:s0] =	ssyncadd.s32 @!p0 s1  }
0x19d: {  	[bflag:$0x3] =	sbarrier.arrive $0xFFFF  }
0x19e: {  	_ =	shalt  }

</sc_bundles>
